<compile_context>
chip_gen: v7x
topology: tpu7x:2x2x1
jax: 0.10.2.dev20260603
libtpu: 0.0.44.dev20260713+nightly
codegen_flags: <defaults>
</compile_context>

<pallas_src>
import functools

import jax
import jax.numpy as jnp
from jax import lax
from jax.experimental import pallas as pl
from jax.experimental.pallas import tpu as pltpu
from jax.experimental.pallas import tpu_sc as plsc

T, C, H = 2048, 768, 3072
NB, EPB = 4, 2
E = NB * EPB
TAU = 1.0
BLK = 512
BLK_SHIFT = 9
G = T // BLK + NB
T_PAD = G * BLK

NC, NS, LANES = 2, 16, 16
NW = NC * NS
RPW = T_PAD // NW
TPW = T // NW


NSEG = NW
SEG = T // NSEG


def _sc_sort_body(ids_hbm, x_hbm, xs_hbm, inv_hbm, tb_hbm,
                  ids_v, cnt2, tab_v, slot_v, tbv, rows_v, cnt_sh, sem):
    cid = lax.axis_index("c")
    sid = lax.axis_index("s")
    g = cid * NS + sid
    l16 = lax.iota(jnp.int32, 16)
    z = jnp.int32(0)

    pltpu.sync_copy(ids_hbm.at[pl.ds(sid * 2 * SEG, 2 * SEG)], ids_v)
    for seg in range(2):
        cnt = (z, z, z, z)
        for ch in range(SEG // LANES):
            v = ids_v[pl.ds((seg * SEG // LANES + ch) * LANES, LANES)]
            cnt = (cnt[0] + jnp.sum((v == 0).astype(jnp.int32)),
                   cnt[1] + jnp.sum((v == 1).astype(jnp.int32)),
                   cnt[2] + jnp.sum((v == 2).astype(jnp.int32)),
                   cnt[3] + jnp.sum((v == 3).astype(jnp.int32)))
        cnt2[pl.ds(seg * LANES, LANES)] = (
            jnp.where(l16 == 0, cnt[0], 0) + jnp.where(l16 == 1, cnt[1], 0)
            + jnp.where(l16 == 2, cnt[2], 0) + jnp.where(l16 == 3, cnt[3], 0))
    pltpu.sync_copy(cnt2, cnt_sh.at[pl.ds(sid * 2 * LANES, 2 * LANES)])
    plsc.subcore_barrier()

    pltpu.sync_copy(cnt_sh, tab_v)
    total = jnp.zeros((LANES,), jnp.int32)
    prefix = jnp.zeros((LANES,), jnp.int32)
    for s in range(NSEG):
        row = tab_v[pl.ds(s * LANES, LANES)]
        total = total + row
        sv = jnp.full((LANES,), s, jnp.int32)
        prefix = prefix + jnp.where(sv < g, row, row * 0)
    padded = ((total + BLK - 1) >> BLK_SHIFT) << BLK_SHIFT
    ends = jnp.cumsum(padded)
    starts = ends - padded
    cursor = starts + prefix
    cur0 = jnp.sum(jnp.where(l16 == 0, cursor, 0))
    cur1 = jnp.sum(jnp.where(l16 == 1, cursor, 0))
    cur2 = jnp.sum(jnp.where(l16 == 2, cursor, 0))
    cur3 = jnp.sum(jnp.where(l16 == 3, cursor, 0))

    @pl.when((sid == 0) & (cid == 0))
    def _():
        e0 = jnp.sum(jnp.where(l16 == 0, ends, 0))
        e1 = jnp.sum(jnp.where(l16 == 1, ends, 0))
        e2 = jnp.sum(jnp.where(l16 == 2, ends, 0))
        e3 = jnp.sum(jnp.where(l16 == 3, ends, 0))
        n_used = e3 >> BLK_SHIFT
        for g16 in range(2):
            lo = (l16 + g16 * LANES) * BLK
            tbx = ((lo >= e0).astype(jnp.int32) + (lo >= e1).astype(jnp.int32)
                   + (lo >= e2).astype(jnp.int32) + (lo >= e3).astype(jnp.int32))
            tbx = jnp.minimum(tbx, NB - 1)
            if g16 == 1:
                tbx = jnp.where(l16 == LANES - 1, n_used, tbx)
            tbv[pl.ds(g16 * LANES, LANES)] = tbx
        pltpu.sync_copy(tbv, tb_hbm)

    pltpu.sync_copy(ids_hbm.at[pl.ds(g * SEG, SEG)], ids_v.at[pl.ds(0, SEG)])
    cur = (cur0, cur1, cur2, cur3)
    for ch in range(SEG // LANES):
        v = ids_v[pl.ds(ch * LANES, LANES)]
        m0 = (v == 0).astype(jnp.int32)
        m1 = (v == 1).astype(jnp.int32)
        m2 = (v == 2).astype(jnp.int32)
        m3 = (v == 3).astype(jnp.int32)
        base = m0 * cur[0] + m1 * cur[1] + m2 * cur[2] + m3 * cur[3]
        rank = (m0 * (jnp.cumsum(m0) - 1) + m1 * (jnp.cumsum(m1) - 1)
                + m2 * (jnp.cumsum(m2) - 1) + m3 * (jnp.cumsum(m3) - 1))
        slot_v[pl.ds(ch * LANES, LANES)] = base + rank
        cur = (cur[0] + jnp.sum(m0), cur[1] + jnp.sum(m1),
               cur[2] + jnp.sum(m2), cur[3] + jnp.sum(m3))

    pltpu.sync_copy(slot_v, inv_hbm.at[pl.ds(g * SEG, SEG)])
    pltpu.sync_copy(x_hbm.at[pl.ds(g * SEG, SEG)], rows_v)
    pltpu.async_copy(rows_v, xs_hbm.at[slot_v], sem).wait()


def _sc_sort_gather(ids, x2):
    mesh = plsc.VectorSubcoreMesh(core_axis_name="c", subcore_axis_name="s")
    return pl.kernel(
        _sc_sort_body,
        out_type=[
            jax.ShapeDtypeStruct((T_PAD, C), jnp.float32),
            jax.ShapeDtypeStruct((T,), jnp.int32),
            jax.ShapeDtypeStruct((NW,), jnp.int32),
        ],
        mesh=mesh,
        compiler_params=pltpu.CompilerParams(needs_layout_passes=False),
        scratch_types=[
            pltpu.VMEM((2 * SEG,), jnp.int32),
            pltpu.VMEM((2 * LANES,), jnp.int32),
            pltpu.VMEM((NSEG * LANES,), jnp.int32),
            pltpu.VMEM((SEG,), jnp.int32),
            pltpu.VMEM((NW,), jnp.int32),
            pltpu.VMEM((SEG, C), jnp.float32),
            pltpu.VMEM_SHARED((NSEG * LANES,), jnp.int32),
            pltpu.SemaphoreType.DMA,
        ],
    )(ids, x2)


def _sc_unsort_body(os_hbm, inv_hbm, out_hbm, inv_v, rows_v, sem):
    cid = lax.axis_index("c")
    sid = lax.axis_index("s")
    wid = cid * NS + sid
    base = wid * TPW
    pltpu.sync_copy(inv_hbm.at[pl.ds(base, TPW)], inv_v)
    pltpu.async_copy(os_hbm.at[inv_v], rows_v, sem).wait()
    pltpu.sync_copy(rows_v, out_hbm.at[pl.ds(base, TPW)])


def _sc_unsort(os, inv):
    mesh = plsc.VectorSubcoreMesh(core_axis_name="c", subcore_axis_name="s")
    return pl.kernel(
        _sc_unsort_body,
        out_type=jax.ShapeDtypeStruct((T, C), jnp.float32),
        mesh=mesh,
        compiler_params=pltpu.CompilerParams(needs_layout_passes=False),
        scratch_types=[
            pltpu.VMEM((TPW,), jnp.int32),
            pltpu.VMEM((TPW, C), jnp.float32),
            pltpu.SemaphoreType.DMA,
        ],
    )(os, inv)


NH = 3
HB = H // NH


def _moe_body(tb_ref, xs_ref, kp_ref, w1_ref, b1_ref, w2_ref, b2_ref,
              sw1_ref, sb1_ref, sw2_ref, sb2_ref, gate_ref, out_ref, acc_ref):
    j = pl.program_id(0)
    i = pl.program_id(1)

    @pl.when(i < tb_ref[NW - 1])
    def _():
        xf = xs_ref[:]
        xv = xf.astype(jnp.bfloat16)
        kp = kp_ref[0]
        kn = kp / jnp.maximum(
            jnp.sqrt(jnp.sum(kp * kp, axis=1, keepdims=True)), 1e-12)
        d = (kn[1:2, :] - kn[0:1, :])
        nrm = jnp.maximum(jnp.sqrt(jnp.sum(xf * xf, axis=1, keepdims=True)),
                          1e-12)
        z = lax.dot_general(xf, d, (((1,), (1,)), ((), ())),
                            preferred_element_type=jnp.float32)
        p1 = jax.nn.sigmoid(z / nrm / max(TAU, 1e-6))
        alpha = jax.nn.sigmoid(gate_ref[0])
        w1b = w1_ref[0].astype(jnp.bfloat16)
        w2b = w2_ref[0].astype(jnp.bfloat16)
        h0 = jnp.maximum(
            jnp.dot(xv, w1b[0], preferred_element_type=jnp.float32)
            + b1_ref[0, 0], 0.0).astype(jnp.bfloat16)
        h1 = jnp.maximum(
            jnp.dot(xv, w1b[1], preferred_element_type=jnp.float32)
            + b1_ref[0, 1], 0.0).astype(jnp.bfloat16)
        y0 = jnp.dot(h0, w2b[0], preferred_element_type=jnp.float32)
        y1 = jnp.dot(h1, w2b[1], preferred_element_type=jnp.float32)
        hs = jnp.maximum(
            jnp.dot(xv, sw1_ref[:], preferred_element_type=jnp.float32)
            + sb1_ref[:], 0.0).astype(jnp.bfloat16)
        part = (jnp.dot(hs, sw2_ref[:], preferred_element_type=jnp.float32)
                + alpha * ((1.0 - p1) * y0 + p1 * y1))

        @pl.when(j == 0)
        def _():
            acc_ref[i] = (part + sb2_ref[:]
                          + alpha * ((1.0 - p1) * b2_ref[0, 0]
                                     + p1 * b2_ref[0, 1]))

        @pl.when(j > 0)
        def _():
            tot = acc_ref[i] + part
            acc_ref[i] = tot
            out_ref[:] = tot


def _moe_ffn(tb, xs, kpair, w1p, b1p, w2p, b2p, sW1, sb1, sW2, sb2, gate):
    grid_spec = pltpu.PrefetchScalarGridSpec(
        num_scalar_prefetch=1,
        grid=(NH, G),
        in_specs=[
            pl.BlockSpec((BLK, C), lambda j, i, tb: (i, 0)),
            pl.BlockSpec((1, EPB, C), lambda j, i, tb: (tb[i], 0, 0)),
            pl.BlockSpec((1, EPB, C, HB), lambda j, i, tb: (tb[i], 0, 0, j)),
            pl.BlockSpec((1, EPB, HB), lambda j, i, tb: (tb[i], 0, j)),
            pl.BlockSpec((1, EPB, HB, C), lambda j, i, tb: (tb[i], 0, j, 0)),
            pl.BlockSpec((1, EPB, C), lambda j, i, tb: (tb[i], 0, 0)),
            pl.BlockSpec((C, HB), lambda j, i, tb: (0, j)),
            pl.BlockSpec((1, HB), lambda j, i, tb: (0, j)),
            pl.BlockSpec((HB, C), lambda j, i, tb: (j, 0)),
            pl.BlockSpec((1, C), lambda j, i, tb: (0, 0)),
            pl.BlockSpec(memory_space=pltpu.SMEM),
        ],
        out_specs=pl.BlockSpec((BLK, C), lambda j, i, tb: (i, 0)),
        scratch_shapes=[pltpu.VMEM((G, BLK, C), jnp.float32)],
    )
    return pl.pallas_call(
        _moe_body,
        grid_spec=grid_spec,
        compiler_params=pltpu.CompilerParams(
            vmem_limit_bytes=63 * 1024 * 1024),
        out_shape=jax.ShapeDtypeStruct((T_PAD, C), jnp.float32),
    )(tb, xs, kpair, w1p, b1p, w2p, b2p, sW1, sb1, sW2, sb2, gate)


def kernel(x, op_id, expert_key, sW1, sb1, sW2, sb2, eW1, eb1, eW2, eb2,
           gate_logit):
    x2 = x.reshape(T, C)
    ids = jnp.clip(op_id.reshape(T).astype(jnp.int32), 0, NB - 1)
    kpair = expert_key.reshape(NB, EPB, C)
    gate = gate_logit.reshape(1)

    xs, inv, tb = _sc_sort_gather(ids, x2)

    w1p = eW1.reshape(NB, EPB, C, H)
    b1p = eb1.reshape(NB, EPB, H)
    w2p = eW2.reshape(NB, EPB, H, C)
    b2p = eb2.reshape(NB, EPB, C)

    os = _moe_ffn(tb, xs, kpair, w1p, b1p, w2p, b2p,
                  sW1.astype(jnp.bfloat16), sb1.reshape(1, H),
                  sW2.astype(jnp.bfloat16), sb2.reshape(1, C), gate)

    out = _sc_unsort(os, inv)
    return out.reshape(x.shape)

# --- scband reference (transcript-rebuilt; emitter-appended) ---
"""Pipeline reference for scband-mo-effn-hkv-22703197127137 (READ-ONLY COPY).

The authoritative reference and input builder live on the scoring server;
editing this copy changes nothing except your own understanding.
"""

import jax, jax.numpy as jnp
import numpy as np

B, T, C, H = 1, 2048, 768, 3072
N_BUCKET, EPB, K, TAU = 4, 2, 2, 1.0
E = N_BUCKET * EPB


def setup_inputs(seed: int = 0):
    key = jax.random.key(seed)
    ks = jax.random.split(key, 12)
    x = jax.random.normal(ks[0], (B, T, C), dtype=jnp.float32)
    op_id = jax.random.randint(ks[1], (B, T), 0, N_BUCKET)
    expert_key = jax.random.normal(ks[2], (N_BUCKET, EPB, C), dtype=jnp.float32) / np.sqrt(C)
    s1 = 1.0 / np.sqrt(C)
    s2 = 1.0 / np.sqrt(H)
    sW1 = jax.random.uniform(ks[3], (C, H), minval=-s1, maxval=s1, dtype=jnp.float32)
    sb1 = jax.random.uniform(ks[4], (H,), minval=-s1, maxval=s1, dtype=jnp.float32)
    sW2 = jax.random.uniform(ks[5], (H, C), minval=-s2, maxval=s2, dtype=jnp.float32)
    sb2 = jax.random.uniform(ks[6], (C,), minval=-s2, maxval=s2, dtype=jnp.float32)
    eW1 = jax.random.uniform(ks[7], (E, C, H), minval=-s1, maxval=s1, dtype=jnp.float32)
    eb1 = jax.random.uniform(ks[8], (E, H), minval=-s1, maxval=s1, dtype=jnp.float32)
    eW2 = jax.random.uniform(ks[9], (E, H, C), minval=-s2, maxval=s2, dtype=jnp.float32)
    eb2 = jax.random.uniform(ks[10], (E, C), minval=-s2, maxval=s2, dtype=jnp.float32)
    gate_logit = jnp.array(-2.0, dtype=jnp.float32)
    return {'x': x, 'op_id': op_id, 'expert_key': expert_key, 'sW1': sW1, 'sb1': sb1, 'sW2': sW2, 'sb2': sb2, 'eW1': eW1, 'eb1': eb1, 'eW2': eW2, 'eb2': eb2, 'gate_logit': gate_logit}


def reference(x, op_id, expert_key, sW1, sb1, sW2, sb2, eW1, eb1, eW2, eb2, gate_logit):
    Bb, Tt, Cc = x.shape
    # --- HierKVRouter ---
    bucket = jnp.clip(op_id, 0, N_BUCKET - 1)
    h_n = x / jnp.maximum(jnp.linalg.norm(x, axis=-1, keepdims=True), 1e-12)
    keys = expert_key / jnp.maximum(jnp.linalg.norm(expert_key, axis=-1, keepdims=True), 1e-12)
    keys_bt = keys[bucket]  # (B,T,EPB,C) gather by bucket id
    score = jnp.sum(h_n[..., None, :] * keys_bt, axis=-1) / max(TAU, 1e-6)
    probs_local = jax.nn.softmax(score, axis=-1)
    topv, local = jax.lax.top_k(probs_local, K)
    w = topv / (jnp.sum(topv, axis=-1, keepdims=True) + 1e-9)
    gid = bucket[..., None] * EPB + local  # (B,T,K) global expert ids
    # --- expert FFNs: compute all experts on all tokens, then gather selected ---
    x_flat = x.reshape(-1, Cc)  # (N,C)
    hmid = jax.nn.relu(jnp.einsum('nc,ech->enh', x_flat, eW1) + eb1[:, None, :])
    eout = jnp.einsum('enh,ehc->enc', hmid, eW2) + eb2[:, None, :]  # (E,N,C)
    eout_t = jnp.transpose(eout, (1, 0, 2))  # (N,E,C)
    gid_flat = gid.reshape(-1, K)
    sel = jnp.take_along_axis(eout_t, gid_flat[..., None], axis=1)  # (N,K,C)
    moe_out = jnp.sum(sel * w.reshape(-1, K)[..., None], axis=1).reshape(Bb, Tt, Cc)
    # --- shared dense FFN + gated combine ---
    dense = jax.nn.relu(x @ sW1 + sb1) @ sW2 + sb2
    alpha = jax.nn.sigmoid(gate_logit)
    return dense + alpha * moe_out

if __name__ == "__main__":
    import jax
    _d = setup_inputs()
    print(jax.jit(kernel)(*tuple(_d.values())))

</pallas_src>

<mosaic_0001>
#map = affine_map<(d0, d1) -> (0, 0)>
#map1 = affine_map<(d0, d1) -> (0)>
module attributes {stable_mosaic.version = 14 : i64} {
  func.func @_sc_unsort_body(%arg0: i32, %arg1: i32, %arg2: memref<4096x768xf32, #tpu.memory_space<hbm>>, %arg3: memref<2048xi32, #tpu.memory_space<hbm>>, %arg4: memref<2048x768xf32, #tpu.memory_space<hbm>>, %arg5: memref<64xi32, #tpu.memory_space<vmem>>, %arg6: memref<64x768xf32, #tpu.memory_space<vmem>>, %arg7: memref<!tpu.dma_semaphore, #tpu.memory_space<semaphore_mem>>) attributes {dimension_semantics = [#tpu.dimension_semantics<core_parallel>, #tpu.dimension_semantics<subcore_parallel>], iteration_bounds = array<i64: 2, 16>, scalar_prefetch = 0 : i64, scratch_operands = 3 : i64, tpu.core_type = #tpu.core_type<sc_vector_subcore>, window_params = [{transform_indices = #map}, {transform_indices = #map1}, {transform_indices = #map}]} {
    %mul3A = arith.constant 16 : i32
    %mul3A_0 = arith.muli %arg0, %mul3A : i32
    %add3A = arith.addi %mul3A_0, %arg1 : i32
    %mul3A_1 = arith.constant 64 : i32
    %mul3A_2 = arith.muli %add3A, %mul3A_1 : i32
    "tpu.region"() ({
      %run_scoped3A = tpu.sem_alloc : memref<!tpu.dma_semaphore, #tpu.memory_space<semaphore_mem>>
      %dma_start3A_7 = tpu.memref_slice %arg3[%mul3A_2] : memref<2048xi32, #tpu.memory_space<hbm>> -> memref<64xi32, #tpu.memory_space<hbm>>
      %dma_start3A_8 = tpu.memref_slice %arg3[%mul3A_2] : memref<2048xi32, #tpu.memory_space<hbm>> -> memref<64xi32, #tpu.memory_space<hbm>>
      tpu.enqueue_dma source(%dma_start3A_8 : memref<64xi32, #tpu.memory_space<hbm>>) target(%arg5 : memref<64xi32, #tpu.memory_space<vmem>>) target_semaphore(%run_scoped3A : memref<!tpu.dma_semaphore, #tpu.memory_space<semaphore_mem>>)
      %dma_wait3A_9 = tpu.memref_slice %arg3[%mul3A_2] : memref<2048xi32, #tpu.memory_space<hbm>> -> memref<64xi32, #tpu.memory_space<hbm>>
      %dma_wait3A_10 = tpu.memref_slice %arg3[%mul3A_2] : memref<2048xi32, #tpu.memory_space<hbm>> -> memref<64xi32, #tpu.memory_space<hbm>>
      tpu.wait_dma2 semaphore(%run_scoped3A : memref<!tpu.dma_semaphore, #tpu.memory_space<semaphore_mem>>) src(%dma_wait3A_10 : memref<64xi32, #tpu.memory_space<hbm>>) dst(%arg5 : memref<64xi32, #tpu.memory_space<vmem>>)
      tpu.yield
    }) : () -> ()
    %dma_start3A = arith.constant 0 : i32
    %dma_start3A_3 = arith.constant 0 : i32
    %dma_start3A_4 = tpu.memref_slice %arg2[%dma_start3A, %dma_start3A_3] : memref<4096x768xf32, #tpu.memory_space<hbm>> -> memref<4096x768xf32, #tpu.memory_space<hbm>>
    tpu.enqueue_indirect_dma source(%dma_start3A_4 : memref<4096x768xf32, #tpu.memory_space<hbm>>) target(%arg6 : memref<64x768xf32, #tpu.memory_space<vmem>>) offsets(%arg5 : memref<64xi32, #tpu.memory_space<vmem>>) semaphore(%arg7 : memref<!tpu.dma_semaphore, #tpu.memory_space<semaphore_mem>>)
    %dma_wait3A = arith.constant 0 : i32
    %dma_wait3A_5 = arith.constant 0 : i32
    %dma_wait3A_6 = tpu.memref_slice %arg2[%dma_wait3A, %dma_wait3A_5] : memref<4096x768xf32, #tpu.memory_space<hbm>> -> memref<4096x768xf32, #tpu.memory_space<hbm>>
    tpu.wait_indirect_dma semaphore(%arg7 : memref<!tpu.dma_semaphore, #tpu.memory_space<semaphore_mem>>) src(%dma_wait3A_6 : memref<4096x768xf32, #tpu.memory_space<hbm>>) dst(%arg6 : memref<64x768xf32, #tpu.memory_space<vmem>>)
    "tpu.region"() ({
      %run_scoped3A = tpu.sem_alloc : memref<!tpu.dma_semaphore, #tpu.memory_space<semaphore_mem>>
      %dma_start3A_7 = arith.constant 0 : i32
      %dma_start3A_8 = tpu.memref_slice %arg4[%mul3A_2, %dma_start3A_7] : memref<2048x768xf32, #tpu.memory_space<hbm>> -> memref<64x768xf32, #tpu.memory_space<hbm>>
      %dma_start3A_9 = arith.constant 0 : i32
      %dma_start3A_10 = tpu.memref_slice %arg4[%mul3A_2, %dma_start3A_9] : memref<2048x768xf32, #tpu.memory_space<hbm>> -> memref<64x768xf32, #tpu.memory_space<hbm>>
      tpu.enqueue_dma source(%arg6 : memref<64x768xf32, #tpu.memory_space<vmem>>) target(%dma_start3A_10 : memref<64x768xf32, #tpu.memory_space<hbm>>) target_semaphore(%run_scoped3A : memref<!tpu.dma_semaphore, #tpu.memory_space<semaphore_mem>>)
      %dma_wait3A_11 = arith.constant 0 : i32
      %dma_wait3A_12 = tpu.memref_slice %arg4[%mul3A_2, %dma_wait3A_11] : memref<2048x768xf32, #tpu.memory_space<hbm>> -> memref<64x768xf32, #tpu.memory_space<hbm>>
      %dma_wait3A_13 = arith.constant 0 : i32
      %dma_wait3A_14 = tpu.memref_slice %arg4[%mul3A_2, %dma_wait3A_13] : memref<2048x768xf32, #tpu.memory_space<hbm>> -> memref<64x768xf32, #tpu.memory_space<hbm>>
      tpu.wait_dma2 semaphore(%run_scoped3A : memref<!tpu.dma_semaphore, #tpu.memory_space<semaphore_mem>>) src(%arg6 : memref<64x768xf32, #tpu.memory_space<vmem>>) dst(%dma_wait3A_14 : memref<64x768xf32, #tpu.memory_space<hbm>>)
      tpu.yield
    }) : () -> ()
    return
  }
}

#map = affine_map<(d0, d1) -> (0)>
#map1 = affine_map<(d0, d1) -> (0, 0)>
module attributes {stable_mosaic.version = 14 : i64} {
  func.func @_sc_sort_body(%arg0: i32, %arg1: i32, %arg2: memref<2048xi32, #tpu.memory_space<hbm>>, %arg3: memref<2048x768xf32, #tpu.memory_space<hbm>>, %arg4: memref<4096x768xf32, #tpu.memory_space<hbm>>, %arg5: memref<2048xi32, #tpu.memory_space<hbm>>, %arg6: memref<32xi32, #tpu.memory_space<hbm>>, %arg7: memref<128xi32, #tpu.memory_space<vmem>>, %arg8: memref<32xi32, #tpu.memory_space<vmem>>, %arg9: memref<512xi32, #tpu.memory_space<vmem>>, %arg10: memref<64xi32, #tpu.memory_space<vmem>>, %arg11: memref<32xi32, #tpu.memory_space<vmem>>, %arg12: memref<64x768xf32, #tpu.memory_space<vmem>>, %arg13: memref<512xi32, #tpu.memory_space<vmem_shared>>, %arg14: memref<!tpu.dma_semaphore, #tpu.memory_space<semaphore_mem>>) attributes {dimension_semantics = [#tpu.dimension_semantics<core_parallel>, #tpu.dimension_semantics<subcore_parallel>], iteration_bounds = array<i64: 2, 16>, scalar_prefetch = 0 : i64, scratch_operands = 8 : i64, tpu.core_type = #tpu.core_type<sc_vector_subcore>, window_params = [{transform_indices = #map}, {transform_indices = #map1}, {transform_indices = #map1}, {transform_indices = #map}, {transform_indices = #map}]} {
    %mul3A = arith.constant 16 : i32
    %mul3A_0 = arith.muli %arg0, %mul3A : i32
    %add3A = arith.addi %mul3A_0, %arg1 : i32
    %iota3A = tpu.iota {dimensions = array<i32: 0>} : vector<16xi32>
    %mul3A_1 = arith.constant 2 : i32
    %mul3A_2 = arith.muli %arg1, %mul3A_1 : i32
    %mul3A_3 = arith.constant 64 : i32
    %mul3A_4 = arith.muli %mul3A_2, %mul3A_3 : i32
    "tpu.region"() ({
      %run_scoped3A = tpu.sem_alloc : memref<!tpu.dma_semaphore, #tpu.memory_space<semaphore_mem>>
      %dma_start3A_1167 = tpu.memref_slice %arg2[%mul3A_4] : memref<2048xi32, #tpu.memory_space<hbm>> -> memref<128xi32, #tpu.memory_space<hbm>>
      %dma_start3A_1168 = tpu.memref_slice %arg2[%mul3A_4] : memref<2048xi32, #tpu.memory_space<hbm>> -> memref<128xi32, #tpu.memory_space<hbm>>
      tpu.enqueue_dma source(%dma_start3A_1168 : memref<128xi32, #tpu.memory_space<hbm>>) target(%arg7 : memref<128xi32, #tpu.memory_space<vmem>>) target_semaphore(%run_scoped3A : memref<!tpu.dma_semaphore, #tpu.memory_space<semaphore_mem>>)
      %dma_wait3A_1169 = tpu.memref_slice %arg2[%mul3A_4] : memref<2048xi32, #tpu.memory_space<hbm>> -> memref<128xi32, #tpu.memory_space<hbm>>
      %dma_wait3A_1170 = tpu.memref_slice %arg2[%mul3A_4] : memref<2048xi32, #tpu.memory_space<hbm>> -> memref<128xi32, #tpu.memory_space<hbm>>
      tpu.wait_dma2 semaphore(%run_scoped3A : memref<!tpu.dma_semaphore, #tpu.memory_space<semaphore_mem>>) src(%dma_wait3A_1170 : memref<128xi32, #tpu.memory_space<hbm>>) dst(%arg7 : memref<128xi32, #tpu.memory_space<vmem>>)
      tpu.yield
    }) : () -> ()
    %get3A = arith.constant 0 : index
    %get3A_5 = tpu.vector_load %arg7[%get3A] {strides = array<i32>} : memref<128xi32, #tpu.memory_space<vmem>>, vector<16xi32>,
    %eq3A = arith.constant 0 : i32
    %eq3A_6 = vector.broadcast %eq3A : i32 to vector<16xi32>
    %eq3A_7 = arith.cmpi eq, %get3A_5, %eq3A_6 : vector<16xi32>
    %convert_element_type3A = arith.extui %eq3A_7 : vector<16xi1> to vector<16xi32>
    %reduce_sum3A = arith.constant true
    %reduce_sum3A_8 = vector.broadcast %reduce_sum3A : i1 to vector<16xi1>
    %reduce_sum3A_9 = tpu.scan <sum>, %convert_element_type3A masked %reduce_sum3A_8 : vector<16xi32>, vector<16xi1> -> vector<16xi32>
    %reduce_sum3A_10 = vector.extract %reduce_sum3A_9[15] : i32 from vector<16xi32>
    %add3A_11 = arith.constant 0 : i32
    %add3A_12 = arith.addi %add3A_11, %reduce_sum3A_10 : i32
    %eq3A_13 = arith.constant 1 : i32
    %eq3A_14 = vector.broadcast %eq3A_13 : i32 to vector<16xi32>
    %eq3A_15 = arith.cmpi eq, %get3A_5, %eq3A_14 : vector<16xi32>
    %convert_element_type3A_16 = arith.extui %eq3A_15 : vector<16xi1> to vector<16xi32>
    %reduce_sum3A_17 = arith.constant true
    %reduce_sum3A_18 = vector.broadcast %reduce_sum3A_17 : i1 to vector<16xi1>
    %reduce_sum3A_19 = tpu.scan <sum>, %convert_element_type3A_16 masked %reduce_sum3A_18 : vector<16xi32>, vector<16xi1> -> vector<16xi32>
    %reduce_sum3A_20 = vector.extract %reduce_sum3A_19[15] : i32 from vector<16xi32>
    %add3A_21 = arith.constant 0 : i32
    %add3A_22 = arith.addi %add3A_21, %reduce_sum3A_20 : i32
    %eq3A_23 = arith.constant 2 : i32
    %eq3A_24 = vector.broadcast %eq3A_23 : i32 to vector<16xi32>
    %eq3A_25 = arith.cmpi eq, %get3A_5, %eq3A_24 : vector<16xi32>
    %convert_element_type3A_26 = arith.extui %eq3A_25 : vector<16xi1> to vector<16xi32>
    %reduce_sum3A_27 = arith.constant true
    %reduce_sum3A_28 = vector.broadcast %reduce_sum3A_27 : i1 to vector<16xi1>
    %reduce_sum3A_29 = tpu.scan <sum>, %convert_element_type3A_26 masked %reduce_sum3A_28 : vector<16xi32>, vector<16xi1> -> vector<16xi32>
    %reduce_sum3A_30 = vector.extract %reduce_sum3A_29[15] : i32 from vector<16xi32>
    %add3A_31 = arith.constant 0 : i32
    %add3A_32 = arith.addi %add3A_31, %reduce_sum3A_30 : i32
    %eq3A_33 = arith.constant 3 : i32
    %eq3A_34 = vector.broadcast %eq3A_33 : i32 to vector<16xi32>
    %eq3A_35 = arith.cmpi eq, %get3A_5, %eq3A_34 : vector<16xi32>
    %convert_element_type3A_36 = arith.extui %eq3A_35 : vector<16xi1> to vector<16xi32>
    %reduce_sum3A_37 = arith.constant true
    %reduce_sum3A_38 = vector.broadcast %reduce_sum3A_37 : i1 to vector<16xi1>
    %reduce_sum3A_39 = tpu.scan <sum>, %convert_element_type3A_36 masked %reduce_sum3A_38 : vector<16xi32>, vector<16xi1> -> vector<16xi32>
    %reduce_sum3A_40 = vector.extract %reduce_sum3A_39[15] : i32 from vector<16xi32>
    %add3A_41 = arith.constant 0 : i32
    %add3A_42 = arith.addi %add3A_41, %reduce_sum3A_40 : i32
    %get3A_43 = arith.constant 16 : index
    %get3A_44 = tpu.vector_load %arg7[%get3A_43] {strides = array<i32>} : memref<128xi32, #tpu.memory_space<vmem>>, vector<16xi32>,
    %eq3A_45 = arith.constant 0 : i32
    %eq3A_46 = vector.broadcast %eq3A_45 : i32 to vector<16xi32>
    %eq3A_47 = arith.cmpi eq, %get3A_44, %eq3A_46 : vector<16xi32>
    %convert_element_type3A_48 = arith.extui %eq3A_47 : vector<16xi1> to vector<16xi32>
    %reduce_sum3A_49 = arith.constant true
    %reduce_sum3A_50 = vector.broadcast %reduce_sum3A_49 : i1 to vector<16xi1>
    %reduce_sum3A_51 = tpu.scan <sum>, %convert_element_type3A_48 masked %reduce_sum3A_50 : vector<16xi32>, vector<16xi1> -> vector<16xi32>
    %reduce_sum3A_52 = vector.extract %reduce_sum3A_51[15] : i32 from vector<16xi32>
    %add3A_53 = arith.addi %add3A_12, %reduce_sum3A_52 : i32
    %eq3A_54 = arith.constant 1 : i32
    %eq3A_55 = vector.broadcast %eq3A_54 : i32 to vector<16xi32>
    %eq3A_56 = arith.cmpi eq, %get3A_44, %eq3A_55 : vector<16xi32>
    %convert_element_type3A_57 = arith.extui %eq3A_56 : vector<16xi1> to vector<16xi32>
    %reduce_sum3A_58 = arith.constant true
    %reduce_sum3A_59 = vector.broadcast %reduce_sum3A_58 : i1 to vector<16xi1>
    %reduce_sum3A_60 = tpu.scan <sum>, %convert_element_type3A_57 masked %reduce_sum3A_59 : vector<16xi32>, vector<16xi1> -> vector<16xi32>
    %reduce_sum3A_61 = vector.extract %reduce_sum3A_60[15] : i32 from vector<16xi32>
    %add3A_62 = arith.addi %add3A_22, %reduce_sum3A_61 : i32
    %eq3A_63 = arith.constant 2 : i32
    %eq3A_64 = vector.broadcast %eq3A_63 : i32 to vector<16xi32>
    %eq3A_65 = arith.cmpi eq, %get3A_44, %eq3A_64 : vector<16xi32>
    %convert_element_type3A_66 = arith.extui %eq3A_65 : vector<16xi1> to vector<16xi32>
    %reduce_sum3A_67 = arith.constant true
    %reduce_sum3A_68 = vector.broadcast %reduce_sum3A_67 : i1 to vector<16xi1>
    %reduce_sum3A_69 = tpu.scan <sum>, %convert_element_type3A_66 masked %reduce_sum3A_68 : vector<16xi32>, vector<16xi1> -> vector<16xi32>
    %reduce_sum3A_70 = vector.extract %reduce_sum3A_69[15] : i32 from vector<16xi32>
    %add3A_71 = arith.addi %add3A_32, %reduce_sum3A_70 : i32
    %eq3A_72 = arith.constant 3 : i32
    %eq3A_73 = vector.broadcast %eq3A_72 : i32 to vector<16xi32>
    %eq3A_74 = arith.cmpi eq, %get3A_44, %eq3A_73 : vector<16xi32>
    %convert_element_type3A_75 = arith.extui %eq3A_74 : vector<16xi1> to vector<16xi32>
    %reduce_sum3A_76 = arith.constant true
    %reduce_sum3A_77 = vector.broadcast %reduce_sum3A_76 : i1 to vector<16xi1>
    %reduce_sum3A_78 = tpu.scan <sum>, %convert_element_type3A_75 masked %reduce_sum3A_77 : vector<16xi32>, vector<16xi1> -> vector<16xi32>
    %reduce_sum3A_79 = vector.extract %reduce_sum3A_78[15] : i32 from vector<16xi32>
    %add3A_80 = arith.addi %add3A_42, %reduce_sum3A_79 : i32
    %get3A_81 = arith.constant 32 : index
    %get3A_82 = tpu.vector_load %arg7[%get3A_81] {strides = array<i32>} : memref<128xi32, #tpu.memory_space<vmem>>, vector<16xi32>,
    %eq3A_83 = arith.constant 0 : i32
    %eq3A_84 = vector.broadcast %eq3A_83 : i32 to vector<16xi32>
    %eq3A_85 = arith.cmpi eq, %get3A_82, %eq3A_84 : vector<16xi32>
    %convert_element_type3A_86 = arith.extui %eq3A_85 : vector<16xi1> to vector<16xi32>
    %reduce_sum3A_87 = arith.constant true
    %reduce_sum3A_88 = vector.broadcast %reduce_sum3A_87 : i1 to vector<16xi1>
    %reduce_sum3A_89 = tpu.scan <sum>, %convert_element_type3A_86 masked %reduce_sum3A_88 : vector<16xi32>, vector<16xi1> -> vector<16xi32>
    %reduce_sum3A_90 = vector.extract %reduce_sum3A_89[15] : i32 from vector<16xi32>
    %add3A_91 = arith.addi %add3A_53, %reduce_sum3A_90 : i32
    %eq3A_92 = arith.constant 1 : i32
    %eq3A_93 = vector.broadcast %eq3A_92 : i32 to vector<16xi32>
    %eq3A_94 = arith.cmpi eq, %get3A_82, %eq3A_93 : vector<16xi32>
    %convert_element_type3A_95 = arith.extui %eq3A_94 : vector<16xi1> to vector<16xi32>
    %reduce_sum3A_96 = arith.constant true
    %reduce_sum3A_97 = vector.broadcast %reduce_sum3A_96 : i1 to vector<16xi1>
    %reduce_sum3A_98 = tpu.scan <sum>, %convert_element_type3A_95 masked %reduce_sum3A_97 : vector<16xi32>, vector<16xi1> -> vector<16xi32>
    %reduce_sum3A_99 = vector.extract %reduce_sum3A_98[15] : i32 from vector<16xi32>
    %add3A_100 = arith.addi %add3A_62, %reduce_sum3A_99 : i32
    %eq3A_101 = arith.constant 2 : i32
    %eq3A_102 = vector.broadcast %eq3A_101 : i32 to vector<16xi32>
    %eq3A_103 = arith.cmpi eq, %get3A_82, %eq3A_102 : vector<16xi32>
    %convert_element_type3A_104 = arith.extui %eq3A_103 : vector<16xi1> to vector<16xi32>
    %reduce_sum3A_105 = arith.constant true
    %reduce_sum3A_106 = vector.broadcast %reduce_sum3A_105 : i1 to vector<16xi1>
    %reduce_sum3A_107 = tpu.scan <sum>, %convert_element_type3A_104 masked %reduce_sum3A_106 : vector<16xi32>, vector<16xi1> -> vector<16xi32>
    %reduce_sum3A_108 = vector.extract %reduce_sum3A_107[15] : i32 from vector<16xi32>
    %add3A_109 = arith.addi %add3A_71, %reduce_sum3A_108 : i32
    %eq3A_110 = arith.constant 3 : i32
    %eq3A_111 = vector.broadcast %eq3A_110 : i32 to vector<16xi32>
    %eq3A_112 = arith.cmpi eq, %get3A_82, %eq3A_111 : vector<16xi32>
    %convert_element_type3A_113 = arith.extui %eq3A_112 : vector<16xi1> to vector<16xi32>
    %reduce_sum3A_114 = arith.constant true
    %reduce_sum3A_115 = vector.broadcast %reduce_sum3A_114 : i1 to vector<16xi1>
    %reduce_sum3A_116 = tpu.scan <sum>, %convert_element_type3A_113 masked %reduce_sum3A_115 : vector<16xi32>, vector<16xi1> -> vector<16xi32>
    %reduce_sum3A_117 = vector.extract %reduce_sum3A_116[15] : i32 from vector<16xi32>
    %add3A_118 = arith.addi %add3A_80, %reduce_sum3A_117 : i32
    %get3A_119 = arith.constant 48 : index
    %get3A_120 = tpu.vector_load %arg7[%get3A_119] {strides = array<i32>} : memref<128xi32, #tpu.memory_space<vmem>>, vector<16xi32>,
    %eq3A_121 = arith.constant 0 : i32
    %eq3A_122 = vector.broadcast %eq3A_121 : i32 to vector<16xi32>
    %eq3A_123 = arith.cmpi eq, %get3A_120, %eq3A_122 : vector<16xi32>
    %convert_element_type3A_124 = arith.extui %eq3A_123 : vector<16xi1> to vector<16xi32>
    %reduce_sum3A_125 = arith.constant true
    %reduce_sum3A_126 = vector.broadcast %reduce_sum3A_125 : i1 to vector<16xi1>
    %reduce_sum3A_127 = tpu.scan <sum>, %convert_element_type3A_124 masked %reduce_sum3A_126 : vector<16xi32>, vector<16xi1> -> vector<16xi32>
    %reduce_sum3A_128 = vector.extract %reduce_sum3A_127[15] : i32 from vector<16xi32>
    %add3A_129 = arith.addi %add3A_91, %reduce_sum3A_128 : i32
    %eq3A_130 = arith.constant 1 : i32
    %eq3A_131 = vector.broadcast %eq3A_130 : i32 to vector<16xi32>
    %eq3A_132 = arith.cmpi eq, %get3A_120, %eq3A_131 : vector<16xi32>
    %convert_element_type3A_133 = arith.extui %eq3A_132 : vector<16xi1> to vector<16xi32>
    %reduce_sum3A_134 = arith.constant true
    %reduce_sum3A_135 = vector.broadcast %reduce_sum3A_134 : i1 to vector<16xi1>
    %reduce_sum3A_136 = tpu.scan <sum>, %convert_element_type3A_133 masked %reduce_sum3A_135 : vector<16xi32>, vector<16xi1> -> vector<16xi32>
    %reduce_sum3A_137 = vector.extract %reduce_sum3A_136[15] : i32 from vector<16xi32>
    %add3A_138 = arith.addi %add3A_100, %reduce_sum3A_137 : i32
    %eq3A_139 = arith.constant 2 : i32
    %eq3A_140 = vector.broadcast %eq3A_139 : i32 to vector<16xi32>
    %eq3A_141 = arith.cmpi eq, %get3A_120, %eq3A_140 : vector<16xi32>
    %convert_element_type3A_142 = arith.extui %eq3A_141 : vector<16xi1> to vector<16xi32>
    %reduce_sum3A_143 = arith.constant true
    %reduce_sum3A_144 = vector.broadcast %reduce_sum3A_143 : i1 to vector<16xi1>
    %reduce_sum3A_145 = tpu.scan <sum>, %convert_element_type3A_142 masked %reduce_sum3A_144 : vector<16xi32>, vector<16xi1> -> vector<16xi32>
    %reduce_sum3A_146 = vector.extract %reduce_sum3A_145[15] : i32 from vector<16xi32>
    %add3A_147 = arith.addi %add3A_109, %reduce_sum3A_146 : i32
    %eq3A_148 = arith.constant 3 : i32
    %eq3A_149 = vector.broadcast %eq3A_148 : i32 to vector<16xi32>
    %eq3A_150 = arith.cmpi eq, %get3A_120, %eq3A_149 : vector<16xi32>
    %convert_element_type3A_151 = arith.extui %eq3A_150 : vector<16xi1> to vector<16xi32>
    %reduce_sum3A_152 = arith.constant true
    %reduce_sum3A_153 = vector.broadcast %reduce_sum3A_152 : i1 to vector<16xi1>
    %reduce_sum3A_154 = tpu.scan <sum>, %convert_element_type3A_151 masked %reduce_sum3A_153 : vector<16xi32>, vector<16xi1> -> vector<16xi32>
    %reduce_sum3A_155 = vector.extract %reduce_sum3A_154[15] : i32 from vector<16xi32>
    %add3A_156 = arith.addi %add3A_118, %reduce_sum3A_155 : i32
    %eq3A_157 = arith.constant 0 : i32
    %eq3A_158 = vector.broadcast %eq3A_157 : i32 to vector<16xi32>
    %eq3A_159 = arith.cmpi eq, %iota3A, %eq3A_158 : vector<16xi32>
    %jit3A = arith.constant 0 : i32
    %broadcast_in_dim3A = vector.broadcast %add3A_129 : i32 to vector<16xi32>
    %broadcast_in_dim3A_160 = vector.broadcast %jit3A : i32 to vector<16xi32>
    %select_n3A = arith.select %eq3A_159, %broadcast_in_dim3A, %broadcast_in_dim3A_160 : vector<16xi1>, vector<16xi32>
    %eq3A_161 = arith.constant 1 : i32
    %eq3A_162 = vector.broadcast %eq3A_161 : i32 to vector<16xi32>
    %eq3A_163 = arith.cmpi eq, %iota3A, %eq3A_162 : vector<16xi32>
    %jit3A_164 = arith.constant 0 : i32
    %broadcast_in_dim3A_165 = vector.broadcast %add3A_138 : i32 to vector<16xi32>
    %broadcast_in_dim3A_166 = vector.broadcast %jit3A_164 : i32 to vector<16xi32>
    %select_n3A_167 = arith.select %eq3A_163, %broadcast_in_dim3A_165, %broadcast_in_dim3A_166 : vector<16xi1>, vector<16xi32>
    %add3A_168 = arith.addi %select_n3A, %select_n3A_167 : vector<16xi32>
    %eq3A_169 = arith.constant 2 : i32
    %eq3A_170 = vector.broadcast %eq3A_169 : i32 to vector<16xi32>
    %eq3A_171 = arith.cmpi eq, %iota3A, %eq3A_170 : vector<16xi32>
    %jit3A_172 = arith.constant 0 : i32
    %broadcast_in_dim3A_173 = vector.broadcast %add3A_147 : i32 to vector<16xi32>
    %broadcast_in_dim3A_174 = vector.broadcast %jit3A_172 : i32 to vector<16xi32>
    %select_n3A_175 = arith.select %eq3A_171, %broadcast_in_dim3A_173, %broadcast_in_dim3A_174 : vector<16xi1>, vector<16xi32>
    %add3A_176 = arith.addi %add3A_168, %select_n3A_175 : vector<16xi32>
    %eq3A_177 = arith.constant 3 : i32
    %eq3A_178 = vector.broadcast %eq3A_177 : i32 to vector<16xi32>
    %eq3A_179 = arith.cmpi eq, %iota3A, %eq3A_178 : vector<16xi32>
    %jit3A_180 = arith.constant 0 : i32
    %broadcast_in_dim3A_181 = vector.broadcast %add3A_156 : i32 to vector<16xi32>
    %broadcast_in_dim3A_182 = vector.broadcast %jit3A_180 : i32 to vector<16xi32>
    %select_n3A_183 = arith.select %eq3A_179, %broadcast_in_dim3A_181, %broadcast_in_dim3A_182 : vector<16xi1>, vector<16xi32>
    %add3A_184 = arith.addi %add3A_176, %select_n3A_183 : vector<16xi32>
    %swap3A = arith.constant 0 : index
    %swap3A_185 = tpu.vector_load %arg8[%swap3A] {strides = array<i32>} : memref<32xi32, #tpu.memory_space<vmem>>, vector<16xi32>,
    tpu.vector_store %arg8[%swap3A], %add3A_184 {strides = array<i32>} : memref<32xi32, #tpu.memory_space<vmem>>, vector<16xi32>,
    %get3A_186 = arith.constant 64 : index
    %get3A_187 = tpu.vector_load %arg7[%get3A_186] {strides = array<i32>} : memref<128xi32, #tpu.memory_space<vmem>>, vector<16xi32>,
    %eq3A_188 = arith.constant 0 : i32
    %eq3A_189 = vector.broadcast %eq3A_188 : i32 to vector<16xi32>
    %eq3A_190 = arith.cmpi eq, %get3A_187, %eq3A_189 : vector<16xi32>
    %convert_element_type3A_191 = arith.extui %eq3A_190 : vector<16xi1> to vector<16xi32>
    %reduce_sum3A_192 = arith.constant true
    %reduce_sum3A_193 = vector.broadcast %reduce_sum3A_192 : i1 to vector<16xi1>
    %reduce_sum3A_194 = tpu.scan <sum>, %convert_element_type3A_191 masked %reduce_sum3A_193 : vector<16xi32>, vector<16xi1> -> vector<16xi32>
    %reduce_sum3A_195 = vector.extract %reduce_sum3A_194[15] : i32 from vector<16xi32>
    %add3A_196 = arith.constant 0 : i32
    %add3A_197 = arith.addi %add3A_196, %reduce_sum3A_195 : i32
    %eq3A_198 = arith.constant 1 : i32
    %eq3A_199 = vector.broadcast %eq3A_198 : i32 to vector<16xi32>
    %eq3A_200 = arith.cmpi eq, %get3A_187, %eq3A_199 : vector<16xi32>
    %convert_element_type3A_201 = arith.extui %eq3A_200 : vector<16xi1> to vector<16xi32>
    %reduce_sum3A_202 = arith.constant true
    %reduce_sum3A_203 = vector.broadcast %reduce_sum3A_202 : i1 to vector<16xi1>
    %reduce_sum3A_204 = tpu.scan <sum>, %convert_element_type3A_201 masked %reduce_sum3A_203 : vector<16xi32>, vector<16xi1> -> vector<16xi32>
    %reduce_sum3A_205 = vector.extract %reduce_sum3A_204[15] : i32 from vector<16xi32>
    %add3A_206 = arith.constant 0 : i32
    %add3A_207 = arith.addi %add3A_206, %reduce_sum3A_205 : i32
    %eq3A_208 = arith.constant 2 : i32
    %eq3A_209 = vector.broadcast %eq3A_208 : i32 to vector<16xi32>
    %eq3A_210 = arith.cmpi eq, %get3A_187, %eq3A_209 : vector<16xi32>
    %convert_element_type3A_211 = arith.extui %eq3A_210 : vector<16xi1> to vector<16xi32>
    %reduce_sum3A_212 = arith.constant true
    %reduce_sum3A_213 = vector.broadcast %reduce_sum3A_212 : i1 to vector<16xi1>
    %reduce_sum3A_214 = tpu.scan <sum>, %convert_element_type3A_211 masked %reduce_sum3A_213 : vector<16xi32>, vector<16xi1> -> vector<16xi32>
    %reduce_sum3A_215 = vector.extract %reduce_sum3A_214[15] : i32 from vector<16xi32>
    %add3A_216 = arith.constant 0 : i32
    %add3A_217 = arith.addi %add3A_216, %reduce_sum3A_215 : i32
    %eq3A_218 = arith.constant 3 : i32
    %eq3A_219 = vector.broadcast %eq3A_218 : i32 to vector<16xi32>
    %eq3A_220 = arith.cmpi eq, %get3A_187, %eq3A_219 : vector<16xi32>
    %convert_element_type3A_221 = arith.extui %eq3A_220 : vector<16xi1> to vector<16xi32>
    %reduce_sum3A_222 = arith.constant true
    %reduce_sum3A_223 = vector.broadcast %reduce_sum3A_222 : i1 to vector<16xi1>
    %reduce_sum3A_224 = tpu.scan <sum>, %convert_element_type3A_221 masked %reduce_sum3A_223 : vector<16xi32>, vector<16xi1> -> vector<16xi32>
    %reduce_sum3A_225 = vector.extract %reduce_sum3A_224[15] : i32 from vector<16xi32>
    %add3A_226 = arith.constant 0 : i32
    %add3A_227 = arith.addi %add3A_226, %reduce_sum3A_225 : i32
    %get3A_228 = arith.constant 80 : index
    %get3A_229 = tpu.vector_load %arg7[%get3A_228] {strides = array<i32>} : memref<128xi32, #tpu.memory_space<vmem>>, vector<16xi32>,
    %eq3A_230 = arith.constant 0 : i32
    %eq3A_231 = vector.broadcast %eq3A_230 : i32 to vector<16xi32>
    %eq3A_232 = arith.cmpi eq, %get3A_229, %eq3A_231 : vector<16xi32>
    %convert_element_type3A_233 = arith.extui %eq3A_232 : vector<16xi1> to vector<16xi32>
    %reduce_sum3A_234 = arith.constant true
    %reduce_sum3A_235 = vector.broadcast %reduce_sum3A_234 : i1 to vector<16xi1>
    %reduce_sum3A_236 = tpu.scan <sum>, %convert_element_type3A_233 masked %reduce_sum3A_235 : vector<16xi32>, vector<16xi1> -> vector<16xi32>
    %reduce_sum3A_237 = vector.extract %reduce_sum3A_236[15] : i32 from vector<16xi32>
    %add3A_238 = arith.addi %add3A_197, %reduce_sum3A_237 : i32
    %eq3A_239 = arith.constant 1 : i32
    %eq3A_240 = vector.broadcast %eq3A_239 : i32 to vector<16xi32>
    %eq3A_241 = arith.cmpi eq, %get3A_229, %eq3A_240 : vector<16xi32>
    %convert_element_type3A_242 = arith.extui %eq3A_241 : vector<16xi1> to vector<16xi32>
    %reduce_sum3A_243 = arith.constant true
    %reduce_sum3A_244 = vector.broadcast %reduce_sum3A_243 : i1 to vector<16xi1>
    %reduce_sum3A_245 = tpu.scan <sum>, %convert_element_type3A_242 masked %reduce_sum3A_244 : vector<16xi32>, vector<16xi1> -> vector<16xi32>
    %reduce_sum3A_246 = vector.extract %reduce_sum3A_245[15] : i32 from vector<16xi32>
    %add3A_247 = arith.addi %add3A_207, %reduce_sum3A_246 : i32
    %eq3A_248 = arith.constant 2 : i32
    %eq3A_249 = vector.broadcast %eq3A_248 : i32 to vector<16xi32>
    %eq3A_250 = arith.cmpi eq, %get3A_229, %eq3A_249 : vector<16xi32>
    %convert_element_type3A_251 = arith.extui %eq3A_250 : vector<16xi1> to vector<16xi32>
    %reduce_sum3A_252 = arith.constant true
    %reduce_sum3A_253 = vector.broadcast %reduce_sum3A_252 : i1 to vector<16xi1>
    %reduce_sum3A_254 = tpu.scan <sum>, %convert_element_type3A_251 masked %reduce_sum3A_253 : vector<16xi32>, vector<16xi1> -> vector<16xi32>
    %reduce_sum3A_255 = vector.extract %reduce_sum3A_254[15] : i32 from vector<16xi32>
    %add3A_256 = arith.addi %add3A_217, %reduce_sum3A_255 : i32
    %eq3A_257 = arith.constant 3 : i32
    %eq3A_258 = vector.broadcast %eq3A_257 : i32 to vector<16xi32>
    %eq3A_259 = arith.cmpi eq, %get3A_229, %eq3A_258 : vector<16xi32>
    %convert_element_type3A_260 = arith.extui %eq3A_259 : vector<16xi1> to vector<16xi32>
    %reduce_sum3A_261 = arith.constant true
    %reduce_sum3A_262 = vector.broadcast %reduce_sum3A_261 : i1 to vector<16xi1>
    %reduce_sum3A_263 = tpu.scan <sum>, %convert_element_type3A_260 masked %reduce_sum3A_262 : vector<16xi32>, vector<16xi1> -> vector<16xi32>
    %reduce_sum3A_264 = vector.extract %reduce_sum3A_263[15] : i32 from vector<16xi32>
    %add3A_265 = arith.addi %add3A_227, %reduce_sum3A_264 : i32
    %get3A_266 = arith.constant 96 : index
    %get3A_267 = tpu.vector_load %arg7[%get3A_266] {strides = array<i32>} : memref<128xi32, #tpu.memory_space<vmem>>, vector<16xi32>,
    %eq3A_268 = arith.constant 0 : i32
    %eq3A_269 = vector.broadcast %eq3A_268 : i32 to vector<16xi32>
    %eq3A_270 = arith.cmpi eq, %get3A_267, %eq3A_269 : vector<16xi32>
    %convert_element_type3A_271 = arith.extui %eq3A_270 : vector<16xi1> to vector<16xi32>
    %reduce_sum3A_272 = arith.constant true
    %reduce_sum3A_273 = vector.broadcast %reduce_sum3A_272 : i1 to vector<16xi1>
    %reduce_sum3A_274 = tpu.scan <sum>, %convert_element_type3A_271 masked %reduce_sum3A_273 : vector<16xi32>, vector<16xi1> -> vector<16xi32>
    %reduce_sum3A_275 = vector.extract %reduce_sum3A_274[15] : i32 from vector<16xi32>
    %add3A_276 = arith.addi %add3A_238, %reduce_sum3A_275 : i32
    %eq3A_277 = arith.constant 1 : i32
    %eq3A_278 = vector.broadcast %eq3A_277 : i32 to vector<16xi32>
    %eq3A_279 = arith.cmpi eq, %get3A_267, %eq3A_278 : vector<16xi32>
    %convert_element_type3A_280 = arith.extui %eq3A_279 : vector<16xi1> to vector<16xi32>
    %reduce_sum3A_281 = arith.constant true
    %reduce_sum3A_282 = vector.broadcast %reduce_sum3A_281 : i1 to vector<16xi1>
    %reduce_sum3A_283 = tpu.scan <sum>, %convert_element_type3A_280 masked %reduce_sum3A_282 : vector<16xi32>, vector<16xi1> -> vector<16xi32>
    %reduce_sum3A_284 = vector.extract %reduce_sum3A_283[15] : i32 from vector<16xi32>
    %add3A_285 = arith.addi %add3A_247, %reduce_sum3A_284 : i32
    %eq3A_286 = arith.constant 2 : i32
    %eq3A_287 = vector.broadcast %eq3A_286 : i32 to vector<16xi32>
    %eq3A_288 = arith.cmpi eq, %get3A_267, %eq3A_287 : vector<16xi32>
    %convert_element_type3A_289 = arith.extui %eq3A_288 : vector<16xi1> to vector<16xi32>
    %reduce_sum3A_290 = arith.constant true
    %reduce_sum3A_291 = vector.broadcast %reduce_sum3A_290 : i1 to vector<16xi1>
    %reduce_sum3A_292 = tpu.scan <sum>, %convert_element_type3A_289 masked %reduce_sum3A_291 : vector<16xi32>, vector<16xi1> -> vector<16xi32>
    %reduce_sum3A_293 = vector.extract %reduce_sum3A_292[15] : i32 from vector<16xi32>
    %add3A_294 = arith.addi %add3A_256, %reduce_sum3A_293 : i32
    %eq3A_295 = arith.constant 3 : i32
    %eq3A_296 = vector.broadcast %eq3A_295 : i32 to vector<16xi32>
    %eq3A_297 = arith.cmpi eq, %get3A_267, %eq3A_296 : vector<16xi32>
    %convert_element_type3A_298 = arith.extui %eq3A_297 : vector<16xi1> to vector<16xi32>
    %reduce_sum3A_299 = arith.constant true
    %reduce_sum3A_300 = vector.broadcast %reduce_sum3A_299 : i1 to vector<16xi1>
    %reduce_sum3A_301 = tpu.scan <sum>, %convert_element_type3A_298 masked %reduce_sum3A_300 : vector<16xi32>, vector<16xi1> -> vector<16xi32>
    %reduce_sum3A_302 = vector.extract %reduce_sum3A_301[15] : i32 from vector<16xi32>
    %add3A_303 = arith.addi %add3A_265, %reduce_sum3A_302 : i32
    %get3A_304 = arith.constant 112 : index
    %get3A_305 = tpu.vector_load %arg7[%get3A_304] {strides = array<i32>} : memref<128xi32, #tpu.memory_space<vmem>>, vector<16xi32>,
    %eq3A_306 = arith.constant 0 : i32
    %eq3A_307 = vector.broadcast %eq3A_306 : i32 to vector<16xi32>
    %eq3A_308 = arith.cmpi eq, %get3A_305, %eq3A_307 : vector<16xi32>
    %convert_element_type3A_309 = arith.extui %eq3A_308 : vector<16xi1> to vector<16xi32>
    %reduce_sum3A_310 = arith.constant true
    %reduce_sum3A_311 = vector.broadcast %reduce_sum3A_310 : i1 to vector<16xi1>
    %reduce_sum3A_312 = tpu.scan <sum>, %convert_element_type3A_309 masked %reduce_sum3A_311 : vector<16xi32>, vector<16xi1> -> vector<16xi32>
    %reduce_sum3A_313 = vector.extract %reduce_sum3A_312[15] : i32 from vector<16xi32>
    %add3A_314 = arith.addi %add3A_276, %reduce_sum3A_313 : i32
    %eq3A_315 = arith.constant 1 : i32
    %eq3A_316 = vector.broadcast %eq3A_315 : i32 to vector<16xi32>
    %eq3A_317 = arith.cmpi eq, %get3A_305, %eq3A_316 : vector<16xi32>
    %convert_element_type3A_318 = arith.extui %eq3A_317 : vector<16xi1> to vector<16xi32>
    %reduce_sum3A_319 = arith.constant true
    %reduce_sum3A_320 = vector.broadcast %reduce_sum3A_319 : i1 to vector<16xi1>
    %reduce_sum3A_321 = tpu.scan <sum>, %convert_element_type3A_318 masked %reduce_sum3A_320 : vector<16xi32>, vector<16xi1> -> vector<16xi32>
    %reduce_sum3A_322 = vector.extract %reduce_sum3A_321[15] : i32 from vector<16xi32>
    %add3A_323 = arith.addi %add3A_285, %reduce_sum3A_322 : i32
    %eq3A_324 = arith.constant 2 : i32
    %eq3A_325 = vector.broadcast %eq3A_324 : i32 to vector<16xi32>
    %eq3A_326 = arith.cmpi eq, %get3A_305, %eq3A_325 : vector<16xi32>
    %convert_element_type3A_327 = arith.extui %eq3A_326 : vector<16xi1> to vector<16xi32>
    %reduce_sum3A_328 = arith.constant true
    %reduce_sum3A_329 = vector.broadcast %reduce_sum3A_328 : i1 to vector<16xi1>
    %reduce_sum3A_330 = tpu.scan <sum>, %convert_element_type3A_327 masked %reduce_sum3A_329 : vector<16xi32>, vector<16xi1> -> vector<16xi32>
    %reduce_sum3A_331 = vector.extract %reduce_sum3A_330[15] : i32 from vector<16xi32>
    %add3A_332 = arith.addi %add3A_294, %reduce_sum3A_331 : i32
    %eq3A_333 = arith.constant 3 : i32
    %eq3A_334 = vector.broadcast %eq3A_333 : i32 to vector<16xi32>
    %eq3A_335 = arith.cmpi eq, %get3A_305, %eq3A_334 : vector<16xi32>
    %convert_element_type3A_336 = arith.extui %eq3A_335 : vector<16xi1> to vector<16xi32>
    %reduce_sum3A_337 = arith.constant true
    %reduce_sum3A_338 = vector.broadcast %reduce_sum3A_337 : i1 to vector<16xi1>
    %reduce_sum3A_339 = tpu.scan <sum>, %convert_element_type3A_336 masked %reduce_sum3A_338 : vector<16xi32>, vector<16xi1> -> vector<16xi32>
    %reduce_sum3A_340 = vector.extract %reduce_sum3A_339[15] : i32 from vector<16xi32>
    %add3A_341 = arith.addi %add3A_303, %reduce_sum3A_340 : i32
    %eq3A_342 = arith.constant 0 : i32
    %eq3A_343 = vector.broadcast %eq3A_342 : i32 to vector<16xi32>
    %eq3A_344 = arith.cmpi eq, %iota3A, %eq3A_343 : vector<16xi32>
    %jit3A_345 = arith.constant 0 : i32
    %broadcast_in_dim3A_346 = vector.broadcast %add3A_314 : i32 to vector<16xi32>
    %broadcast_in_dim3A_347 = vector.broadcast %jit3A_345 : i32 to vector<16xi32>
    %select_n3A_348 = arith.select %eq3A_344, %broadcast_in_dim3A_346, %broadcast_in_dim3A_347 : vector<16xi1>, vector<16xi32>
    %eq3A_349 = arith.constant 1 : i32
    %eq3A_350 = vector.broadcast %eq3A_349 : i32 to vector<16xi32>
    %eq3A_351 = arith.cmpi eq, %iota3A, %eq3A_350 : vector<16xi32>
    %jit3A_352 = arith.constant 0 : i32
    %broadcast_in_dim3A_353 = vector.broadcast %add3A_323 : i32 to vector<16xi32>
    %broadcast_in_dim3A_354 = vector.broadcast %jit3A_352 : i32 to vector<16xi32>
    %select_n3A_355 = arith.select %eq3A_351, %broadcast_in_dim3A_353, %broadcast_in_dim3A_354 : vector<16xi1>, vector<16xi32>
    %add3A_356 = arith.addi %select_n3A_348, %select_n3A_355 : vector<16xi32>
    %eq3A_357 = arith.constant 2 : i32
    %eq3A_358 = vector.broadcast %eq3A_357 : i32 to vector<16xi32>
    %eq3A_359 = arith.cmpi eq, %iota3A, %eq3A_358 : vector<16xi32>
    %jit3A_360 = arith.constant 0 : i32
    %broadcast_in_dim3A_361 = vector.broadcast %add3A_332 : i32 to vector<16xi32>
    %broadcast_in_dim3A_362 = vector.broadcast %jit3A_360 : i32 to vector<16xi32>
    %select_n3A_363 = arith.select %eq3A_359, %broadcast_in_dim3A_361, %broadcast_in_dim3A_362 : vector<16xi1>, vector<16xi32>
    %add3A_364 = arith.addi %add3A_356, %select_n3A_363 : vector<16xi32>
    %eq3A_365 = arith.constant 3 : i32
    %eq3A_366 = vector.broadcast %eq3A_365 : i32 to vector<16xi32>
    %eq3A_367 = arith.cmpi eq, %iota3A, %eq3A_366 : vector<16xi32>
    %jit3A_368 = arith.constant 0 : i32
    %broadcast_in_dim3A_369 = vector.broadcast %add3A_341 : i32 to vector<16xi32>
    %broadcast_in_dim3A_370 = vector.broadcast %jit3A_368 : i32 to vector<16xi32>
    %select_n3A_371 = arith.select %eq3A_367, %broadcast_in_dim3A_369, %broadcast_in_dim3A_370 : vector<16xi1>, vector<16xi32>
    %add3A_372 = arith.addi %add3A_364, %select_n3A_371 : vector<16xi32>
    %swap3A_373 = arith.constant 16 : index
    %swap3A_374 = tpu.vector_load %arg8[%swap3A_373] {strides = array<i32>} : memref<32xi32, #tpu.memory_space<vmem>>, vector<16xi32>,
    tpu.vector_store %arg8[%swap3A_373], %add3A_372 {strides = array<i32>} : memref<32xi32, #tpu.memory_space<vmem>>, vector<16xi32>,
    %mul3A_375 = arith.constant 2 : i32
    %mul3A_376 = arith.muli %arg1, %mul3A_375 : i32
    %mul3A_377 = arith.constant 16 : i32
    %mul3A_378 = arith.muli %mul3A_376, %mul3A_377 : i32
    "tpu.region"() ({
      %run_scoped3A = tpu.sem_alloc : memref<!tpu.dma_semaphore, #tpu.memory_space<semaphore_mem>>
      %dma_start3A_1167 = tpu.memref_slice %arg13[%mul3A_378] : memref<512xi32, #tpu.memory_space<vmem_shared>> -> memref<32xi32, #tpu.memory_space<vmem_shared>>
      %dma_start3A_1168 = tpu.memref_slice %arg13[%mul3A_378] : memref<512xi32, #tpu.memory_space<vmem_shared>> -> memref<32xi32, #tpu.memory_space<vmem_shared>>
      tpu.enqueue_dma source(%arg8 : memref<32xi32, #tpu.memory_space<vmem>>) target(%dma_start3A_1168 : memref<32xi32, #tpu.memory_space<vmem_shared>>) target_semaphore(%run_scoped3A : memref<!tpu.dma_semaphore, #tpu.memory_space<semaphore_mem>>)
      %dma_wait3A_1169 = tpu.memref_slice %arg13[%mul3A_378] : memref<512xi32, #tpu.memory_space<vmem_shared>> -> memref<32xi32, #tpu.memory_space<vmem_shared>>
      %dma_wait3A_1170 = tpu.memref_slice %arg13[%mul3A_378] : memref<512xi32, #tpu.memory_space<vmem_shared>> -> memref<32xi32, #tpu.memory_space<vmem_shared>>
      tpu.wait_dma2 semaphore(%run_scoped3A : memref<!tpu.dma_semaphore, #tpu.memory_space<semaphore_mem>>) src(%arg8 : memref<32xi32, #tpu.memory_space<vmem>>) dst(%dma_wait3A_1170 : memref<32xi32, #tpu.memory_space<vmem_shared>>)
      tpu.yield
    }) : () -> ()
    %barrier3A = arith.constant 0 : index
    tpu.barrier barrier_id(%barrier3A)
    "tpu.region"() ({
      %run_scoped3A = tpu.sem_alloc : memref<!tpu.dma_semaphore, #tpu.memory_space<semaphore_mem>>
      tpu.enqueue_dma source(%arg13 : memref<512xi32, #tpu.memory_space<vmem_shared>>) target(%arg9 : memref<512xi32, #tpu.memory_space<vmem>>) target_semaphore(%run_scoped3A : memref<!tpu.dma_semaphore, #tpu.memory_space<semaphore_mem>>)
      tpu.wait_dma2 semaphore(%run_scoped3A : memref<!tpu.dma_semaphore, #tpu.memory_space<semaphore_mem>>) src(%arg13 : memref<512xi32, #tpu.memory_space<vmem_shared>>) dst(%arg9 : memref<512xi32, #tpu.memory_space<vmem>>)
      tpu.yield
    }) : () -> ()
    %broadcast_in_dim3A_379 = arith.constant 0 : i32
    %broadcast_in_dim3A_380 = vector.broadcast %broadcast_in_dim3A_379 : i32 to vector<16xi32>
    %broadcast_in_dim3A_381 = arith.constant 0 : i32
    %broadcast_in_dim3A_382 = vector.broadcast %broadcast_in_dim3A_381 : i32 to vector<16xi32>
    %get3A_383 = arith.constant 0 : index
    %get3A_384 = tpu.vector_load %arg9[%get3A_383] {strides = array<i32>} : memref<512xi32, #tpu.memory_space<vmem>>, vector<16xi32>,
    %add3A_385 = arith.addi %broadcast_in_dim3A_380, %get3A_384 : vector<16xi32>
    %broadcast_in_dim3A_386 = arith.constant 0 : i32
    %broadcast_in_dim3A_387 = vector.broadcast %broadcast_in_dim3A_386 : i32 to vector<16xi32>
    %lt3A = vector.broadcast %add3A : i32 to vector<16xi32>
    %lt3A_388 = arith.cmpi slt, %broadcast_in_dim3A_387, %lt3A : vector<16xi32>
    %mul3A_389 = arith.constant 0 : i32
    %mul3A_390 = vector.broadcast %mul3A_389 : i32 to vector<16xi32>
    %mul3A_391 = arith.muli %get3A_384, %mul3A_390 : vector<16xi32>
    %select_n3A_392 = arith.select %lt3A_388, %get3A_384, %mul3A_391 : vector<16xi1>, vector<16xi32>
    %add3A_393 = arith.addi %broadcast_in_dim3A_382, %select_n3A_392 : vector<16xi32>
    %get3A_394 = arith.constant 16 : index
    %get3A_395 = tpu.vector_load %arg9[%get3A_394] {strides = array<i32>} : memref<512xi32, #tpu.memory_space<vmem>>, vector<16xi32>,
    %add3A_396 = arith.addi %add3A_385, %get3A_395 : vector<16xi32>
    %broadcast_in_dim3A_397 = arith.constant 1 : i32
    %broadcast_in_dim3A_398 = vector.broadcast %broadcast_in_dim3A_397 : i32 to vector<16xi32>
    %lt3A_399 = vector.broadcast %add3A : i32 to vector<16xi32>
    %lt3A_400 = arith.cmpi slt, %broadcast_in_dim3A_398, %lt3A_399 : vector<16xi32>
    %mul3A_401 = arith.constant 0 : i32
    %mul3A_402 = vector.broadcast %mul3A_401 : i32 to vector<16xi32>
    %mul3A_403 = arith.muli %get3A_395, %mul3A_402 : vector<16xi32>
    %select_n3A_404 = arith.select %lt3A_400, %get3A_395, %mul3A_403 : vector<16xi1>, vector<16xi32>
    %add3A_405 = arith.addi %add3A_393, %select_n3A_404 : vector<16xi32>
    %get3A_406 = arith.constant 32 : index
    %get3A_407 = tpu.vector_load %arg9[%get3A_406] {strides = array<i32>} : memref<512xi32, #tpu.memory_space<vmem>>, vector<16xi32>,
    %add3A_408 = arith.addi %add3A_396, %get3A_407 : vector<16xi32>
    %broadcast_in_dim3A_409 = arith.constant 2 : i32
    %broadcast_in_dim3A_410 = vector.broadcast %broadcast_in_dim3A_409 : i32 to vector<16xi32>
    %lt3A_411 = vector.broadcast %add3A : i32 to vector<16xi32>
    %lt3A_412 = arith.cmpi slt, %broadcast_in_dim3A_410, %lt3A_411 : vector<16xi32>
    %mul3A_413 = arith.constant 0 : i32
    %mul3A_414 = vector.broadcast %mul3A_413 : i32 to vector<16xi32>
    %mul3A_415 = arith.muli %get3A_407, %mul3A_414 : vector<16xi32>
    %select_n3A_416 = arith.select %lt3A_412, %get3A_407, %mul3A_415 : vector<16xi1>, vector<16xi32>
    %add3A_417 = arith.addi %add3A_405, %select_n3A_416 : vector<16xi32>
    %get3A_418 = arith.constant 48 : index
    %get3A_419 = tpu.vector_load %arg9[%get3A_418] {strides = array<i32>} : memref<512xi32, #tpu.memory_space<vmem>>, vector<16xi32>,
    %add3A_420 = arith.addi %add3A_408, %get3A_419 : vector<16xi32>
    %broadcast_in_dim3A_421 = arith.constant 3 : i32
    %broadcast_in_dim3A_422 = vector.broadcast %broadcast_in_dim3A_421 : i32 to vector<16xi32>
    %lt3A_423 = vector.broadcast %add3A : i32 to vector<16xi32>
    %lt3A_424 = arith.cmpi slt, %broadcast_in_dim3A_422, %lt3A_423 : vector<16xi32>
    %mul3A_425 = arith.constant 0 : i32
    %mul3A_426 = vector.broadcast %mul3A_425 : i32 to vector<16xi32>
    %mul3A_427 = arith.muli %get3A_419, %mul3A_426 : vector<16xi32>
    %select_n3A_428 = arith.select %lt3A_424, %get3A_419, %mul3A_427 : vector<16xi1>, vector<16xi32>
    %add3A_429 = arith.addi %add3A_417, %select_n3A_428 : vector<16xi32>
    %get3A_430 = arith.constant 64 : index
    %get3A_431 = tpu.vector_load %arg9[%get3A_430] {strides = array<i32>} : memref<512xi32, #tpu.memory_space<vmem>>, vector<16xi32>,
    %add3A_432 = arith.addi %add3A_420, %get3A_431 : vector<16xi32>
    %broadcast_in_dim3A_433 = arith.constant 4 : i32
    %broadcast_in_dim3A_434 = vector.broadcast %broadcast_in_dim3A_433 : i32 to vector<16xi32>
    %lt3A_435 = vector.broadcast %add3A : i32 to vector<16xi32>
    %lt3A_436 = arith.cmpi slt, %broadcast_in_dim3A_434, %lt3A_435 : vector<16xi32>
    %mul3A_437 = arith.constant 0 : i32
    %mul3A_438 = vector.broadcast %mul3A_437 : i32 to vector<16xi32>
    %mul3A_439 = arith.muli %get3A_431, %mul3A_438 : vector<16xi32>
    %select_n3A_440 = arith.select %lt3A_436, %get3A_431, %mul3A_439 : vector<16xi1>, vector<16xi32>
    %add3A_441 = arith.addi %add3A_429, %select_n3A_440 : vector<16xi32>
    %get3A_442 = arith.constant 80 : index
    %get3A_443 = tpu.vector_load %arg9[%get3A_442] {strides = array<i32>} : memref<512xi32, #tpu.memory_space<vmem>>, vector<16xi32>,
    %add3A_444 = arith.addi %add3A_432, %get3A_443 : vector<16xi32>
    %broadcast_in_dim3A_445 = arith.constant 5 : i32
    %broadcast_in_dim3A_446 = vector.broadcast %broadcast_in_dim3A_445 : i32 to vector<16xi32>
    %lt3A_447 = vector.broadcast %add3A : i32 to vector<16xi32>
    %lt3A_448 = arith.cmpi slt, %broadcast_in_dim3A_446, %lt3A_447 : vector<16xi32>
    %mul3A_449 = arith.constant 0 : i32
    %mul3A_450 = vector.broadcast %mul3A_449 : i32 to vector<16xi32>
    %mul3A_451 = arith.muli %get3A_443, %mul3A_450 : vector<16xi32>
    %select_n3A_452 = arith.select %lt3A_448, %get3A_443, %mul3A_451 : vector<16xi1>, vector<16xi32>
    %add3A_453 = arith.addi %add3A_441, %select_n3A_452 : vector<16xi32>
    %get3A_454 = arith.constant 96 : index
    %get3A_455 = tpu.vector_load %arg9[%get3A_454] {strides = array<i32>} : memref<512xi32, #tpu.memory_space<vmem>>, vector<16xi32>,
    %add3A_456 = arith.addi %add3A_444, %get3A_455 : vector<16xi32>
    %broadcast_in_dim3A_457 = arith.constant 6 : i32
    %broadcast_in_dim3A_458 = vector.broadcast %broadcast_in_dim3A_457 : i32 to vector<16xi32>
    %lt3A_459 = vector.broadcast %add3A : i32 to vector<16xi32>
    %lt3A_460 = arith.cmpi slt, %broadcast_in_dim3A_458, %lt3A_459 : vector<16xi32>
    %mul3A_461 = arith.constant 0 : i32
    %mul3A_462 = vector.broadcast %mul3A_461 : i32 to vector<16xi32>
    %mul3A_463 = arith.muli %get3A_455, %mul3A_462 : vector<16xi32>
    %select_n3A_464 = arith.select %lt3A_460, %get3A_455, %mul3A_463 : vector<16xi1>, vector<16xi32>
    %add3A_465 = arith.addi %add3A_453, %select_n3A_464 : vector<16xi32>
    %get3A_466 = arith.constant 112 : index
    %get3A_467 = tpu.vector_load %arg9[%get3A_466] {strides = array<i32>} : memref<512xi32, #tpu.memory_space<vmem>>, vector<16xi32>,
    %add3A_468 = arith.addi %add3A_456, %get3A_467 : vector<16xi32>
    %broadcast_in_dim3A_469 = arith.constant 7 : i32
    %broadcast_in_dim3A_470 = vector.broadcast %broadcast_in_dim3A_469 : i32 to vector<16xi32>
    %lt3A_471 = vector.broadcast %add3A : i32 to vector<16xi32>
    %lt3A_472 = arith.cmpi slt, %broadcast_in_dim3A_470, %lt3A_471 : vector<16xi32>
    %mul3A_473 = arith.constant 0 : i32
    %mul3A_474 = vector.broadcast %mul3A_473 : i32 to vector<16xi32>
    %mul3A_475 = arith.muli %get3A_467, %mul3A_474 : vector<16xi32>
    %select_n3A_476 = arith.select %lt3A_472, %get3A_467, %mul3A_475 : vector<16xi1>, vector<16xi32>
    %add3A_477 = arith.addi %add3A_465, %select_n3A_476 : vector<16xi32>
    %get3A_478 = arith.constant 128 : index
    %get3A_479 = tpu.vector_load %arg9[%get3A_478] {strides = array<i32>} : memref<512xi32, #tpu.memory_space<vmem>>, vector<16xi32>,
    %add3A_480 = arith.addi %add3A_468, %get3A_479 : vector<16xi32>
    %broadcast_in_dim3A_481 = arith.constant 8 : i32
    %broadcast_in_dim3A_482 = vector.broadcast %broadcast_in_dim3A_481 : i32 to vector<16xi32>
    %lt3A_483 = vector.broadcast %add3A : i32 to vector<16xi32>
    %lt3A_484 = arith.cmpi slt, %broadcast_in_dim3A_482, %lt3A_483 : vector<16xi32>
    %mul3A_485 = arith.constant 0 : i32
    %mul3A_486 = vector.broadcast %mul3A_485 : i32 to vector<16xi32>
    %mul3A_487 = arith.muli %get3A_479, %mul3A_486 : vector<16xi32>
    %select_n3A_488 = arith.select %lt3A_484, %get3A_479, %mul3A_487 : vector<16xi1>, vector<16xi32>
    %add3A_489 = arith.addi %add3A_477, %select_n3A_488 : vector<16xi32>
    %get3A_490 = arith.constant 144 : index
    %get3A_491 = tpu.vector_load %arg9[%get3A_490] {strides = array<i32>} : memref<512xi32, #tpu.memory_space<vmem>>, vector<16xi32>,
    %add3A_492 = arith.addi %add3A_480, %get3A_491 : vector<16xi32>
    %broadcast_in_dim3A_493 = arith.constant 9 : i32
    %broadcast_in_dim3A_494 = vector.broadcast %broadcast_in_dim3A_493 : i32 to vector<16xi32>
    %lt3A_495 = vector.broadcast %add3A : i32 to vector<16xi32>
    %lt3A_496 = arith.cmpi slt, %broadcast_in_dim3A_494, %lt3A_495 : vector<16xi32>
    %mul3A_497 = arith.constant 0 : i32
    %mul3A_498 = vector.broadcast %mul3A_497 : i32 to vector<16xi32>
    %mul3A_499 = arith.muli %get3A_491, %mul3A_498 : vector<16xi32>
    %select_n3A_500 = arith.select %lt3A_496, %get3A_491, %mul3A_499 : vector<16xi1>, vector<16xi32>
    %add3A_501 = arith.addi %add3A_489, %select_n3A_500 : vector<16xi32>
    %get3A_502 = arith.constant 160 : index
    %get3A_503 = tpu.vector_load %arg9[%get3A_502] {strides = array<i32>} : memref<512xi32, #tpu.memory_space<vmem>>, vector<16xi32>,
    %add3A_504 = arith.addi %add3A_492, %get3A_503 : vector<16xi32>
    %broadcast_in_dim3A_505 = arith.constant 10 : i32
    %broadcast_in_dim3A_506 = vector.broadcast %broadcast_in_dim3A_505 : i32 to vector<16xi32>
    %lt3A_507 = vector.broadcast %add3A : i32 to vector<16xi32>
    %lt3A_508 = arith.cmpi slt, %broadcast_in_dim3A_506, %lt3A_507 : vector<16xi32>
    %mul3A_509 = arith.constant 0 : i32
    %mul3A_510 = vector.broadcast %mul3A_509 : i32 to vector<16xi32>
    %mul3A_511 = arith.muli %get3A_503, %mul3A_510 : vector<16xi32>
    %select_n3A_512 = arith.select %lt3A_508, %get3A_503, %mul3A_511 : vector<16xi1>, vector<16xi32>
    %add3A_513 = arith.addi %add3A_501, %select_n3A_512 : vector<16xi32>
    %get3A_514 = arith.constant 176 : index
    %get3A_515 = tpu.vector_load %arg9[%get3A_514] {strides = array<i32>} : memref<512xi32, #tpu.memory_space<vmem>>, vector<16xi32>,
    %add3A_516 = arith.addi %add3A_504, %get3A_515 : vector<16xi32>
    %broadcast_in_dim3A_517 = arith.constant 11 : i32
    %broadcast_in_dim3A_518 = vector.broadcast %broadcast_in_dim3A_517 : i32 to vector<16xi32>
    %lt3A_519 = vector.broadcast %add3A : i32 to vector<16xi32>
    %lt3A_520 = arith.cmpi slt, %broadcast_in_dim3A_518, %lt3A_519 : vector<16xi32>
    %mul3A_521 = arith.constant 0 : i32
    %mul3A_522 = vector.broadcast %mul3A_521 : i32 to vector<16xi32>
    %mul3A_523 = arith.muli %get3A_515, %mul3A_522 : vector<16xi32>
    %select_n3A_524 = arith.select %lt3A_520, %get3A_515, %mul3A_523 : vector<16xi1>, vector<16xi32>
    %add3A_525 = arith.addi %add3A_513, %select_n3A_524 : vector<16xi32>
    %get3A_526 = arith.constant 192 : index
    %get3A_527 = tpu.vector_load %arg9[%get3A_526] {strides = array<i32>} : memref<512xi32, #tpu.memory_space<vmem>>, vector<16xi32>,
    %add3A_528 = arith.addi %add3A_516, %get3A_527 : vector<16xi32>
    %broadcast_in_dim3A_529 = arith.constant 12 : i32
    %broadcast_in_dim3A_530 = vector.broadcast %broadcast_in_dim3A_529 : i32 to vector<16xi32>
    %lt3A_531 = vector.broadcast %add3A : i32 to vector<16xi32>
    %lt3A_532 = arith.cmpi slt, %broadcast_in_dim3A_530, %lt3A_531 : vector<16xi32>
    %mul3A_533 = arith.constant 0 : i32
    %mul3A_534 = vector.broadcast %mul3A_533 : i32 to vector<16xi32>
    %mul3A_535 = arith.muli %get3A_527, %mul3A_534 : vector<16xi32>
    %select_n3A_536 = arith.select %lt3A_532, %get3A_527, %mul3A_535 : vector<16xi1>, vector<16xi32>
    %add3A_537 = arith.addi %add3A_525, %select_n3A_536 : vector<16xi32>
    %get3A_538 = arith.constant 208 : index
    %get3A_539 = tpu.vector_load %arg9[%get3A_538] {strides = array<i32>} : memref<512xi32, #tpu.memory_space<vmem>>, vector<16xi32>,
    %add3A_540 = arith.addi %add3A_528, %get3A_539 : vector<16xi32>
    %broadcast_in_dim3A_541 = arith.constant 13 : i32
    %broadcast_in_dim3A_542 = vector.broadcast %broadcast_in_dim3A_541 : i32 to vector<16xi32>
    %lt3A_543 = vector.broadcast %add3A : i32 to vector<16xi32>
    %lt3A_544 = arith.cmpi slt, %broadcast_in_dim3A_542, %lt3A_543 : vector<16xi32>
    %mul3A_545 = arith.constant 0 : i32
    %mul3A_546 = vector.broadcast %mul3A_545 : i32 to vector<16xi32>
    %mul3A_547 = arith.muli %get3A_539, %mul3A_546 : vector<16xi32>
    %select_n3A_548 = arith.select %lt3A_544, %get3A_539, %mul3A_547 : vector<16xi1>, vector<16xi32>
    %add3A_549 = arith.addi %add3A_537, %select_n3A_548 : vector<16xi32>
    %get3A_550 = arith.constant 224 : index
    %get3A_551 = tpu.vector_load %arg9[%get3A_550] {strides = array<i32>} : memref<512xi32, #tpu.memory_space<vmem>>, vector<16xi32>,
    %add3A_552 = arith.addi %add3A_540, %get3A_551 : vector<16xi32>
    %broadcast_in_dim3A_553 = arith.constant 14 : i32
    %broadcast_in_dim3A_554 = vector.broadcast %broadcast_in_dim3A_553 : i32 to vector<16xi32>
    %lt3A_555 = vector.broadcast %add3A : i32 to vector<16xi32>
    %lt3A_556 = arith.cmpi slt, %broadcast_in_dim3A_554, %lt3A_555 : vector<16xi32>
    %mul3A_557 = arith.constant 0 : i32
    %mul3A_558 = vector.broadcast %mul3A_557 : i32 to vector<16xi32>
    %mul3A_559 = arith.muli %get3A_551, %mul3A_558 : vector<16xi32>
    %select_n3A_560 = arith.select %lt3A_556, %get3A_551, %mul3A_559 : vector<16xi1>, vector<16xi32>
    %add3A_561 = arith.addi %add3A_549, %select_n3A_560 : vector<16xi32>
    %get3A_562 = arith.constant 240 : index
    %get3A_563 = tpu.vector_load %arg9[%get3A_562] {strides = array<i32>} : memref<512xi32, #tpu.memory_space<vmem>>, vector<16xi32>,
    %add3A_564 = arith.addi %add3A_552, %get3A_563 : vector<16xi32>
    %broadcast_in_dim3A_565 = arith.constant 15 : i32
    %broadcast_in_dim3A_566 = vector.broadcast %broadcast_in_dim3A_565 : i32 to vector<16xi32>
    %lt3A_567 = vector.broadcast %add3A : i32 to vector<16xi32>
    %lt3A_568 = arith.cmpi slt, %broadcast_in_dim3A_566, %lt3A_567 : vector<16xi32>
    %mul3A_569 = arith.constant 0 : i32
    %mul3A_570 = vector.broadcast %mul3A_569 : i32 to vector<16xi32>
    %mul3A_571 = arith.muli %get3A_563, %mul3A_570 : vector<16xi32>
    %select_n3A_572 = arith.select %lt3A_568, %get3A_563, %mul3A_571 : vector<16xi1>, vector<16xi32>
    %add3A_573 = arith.addi %add3A_561, %select_n3A_572 : vector<16xi32>
    %get3A_574 = arith.constant 256 : index
    %get3A_575 = tpu.vector_load %arg9[%get3A_574] {strides = array<i32>} : memref<512xi32, #tpu.memory_space<vmem>>, vector<16xi32>,
    %add3A_576 = arith.addi %add3A_564, %get3A_575 : vector<16xi32>
    %broadcast_in_dim3A_577 = arith.constant 16 : i32
    %broadcast_in_dim3A_578 = vector.broadcast %broadcast_in_dim3A_577 : i32 to vector<16xi32>
    %lt3A_579 = vector.broadcast %add3A : i32 to vector<16xi32>
    %lt3A_580 = arith.cmpi slt, %broadcast_in_dim3A_578, %lt3A_579 : vector<16xi32>
    %mul3A_581 = arith.constant 0 : i32
    %mul3A_582 = vector.broadcast %mul3A_581 : i32 to vector<16xi32>
    %mul3A_583 = arith.muli %get3A_575, %mul3A_582 : vector<16xi32>
    %select_n3A_584 = arith.select %lt3A_580, %get3A_575, %mul3A_583 : vector<16xi1>, vector<16xi32>
    %add3A_585 = arith.addi %add3A_573, %select_n3A_584 : vector<16xi32>
    %get3A_586 = arith.constant 272 : index
    %get3A_587 = tpu.vector_load %arg9[%get3A_586] {strides = array<i32>} : memref<512xi32, #tpu.memory_space<vmem>>, vector<16xi32>,
    %add3A_588 = arith.addi %add3A_576, %get3A_587 : vector<16xi32>
    %broadcast_in_dim3A_589 = arith.constant 17 : i32
    %broadcast_in_dim3A_590 = vector.broadcast %broadcast_in_dim3A_589 : i32 to vector<16xi32>
    %lt3A_591 = vector.broadcast %add3A : i32 to vector<16xi32>
    %lt3A_592 = arith.cmpi slt, %broadcast_in_dim3A_590, %lt3A_591 : vector<16xi32>
    %mul3A_593 = arith.constant 0 : i32
    %mul3A_594 = vector.broadcast %mul3A_593 : i32 to vector<16xi32>
    %mul3A_595 = arith.muli %get3A_587, %mul3A_594 : vector<16xi32>
    %select_n3A_596 = arith.select %lt3A_592, %get3A_587, %mul3A_595 : vector<16xi1>, vector<16xi32>
    %add3A_597 = arith.addi %add3A_585, %select_n3A_596 : vector<16xi32>
    %get3A_598 = arith.constant 288 : index
    %get3A_599 = tpu.vector_load %arg9[%get3A_598] {strides = array<i32>} : memref<512xi32, #tpu.memory_space<vmem>>, vector<16xi32>,
    %add3A_600 = arith.addi %add3A_588, %get3A_599 : vector<16xi32>
    %broadcast_in_dim3A_601 = arith.constant 18 : i32
    %broadcast_in_dim3A_602 = vector.broadcast %broadcast_in_dim3A_601 : i32 to vector<16xi32>
    %lt3A_603 = vector.broadcast %add3A : i32 to vector<16xi32>
    %lt3A_604 = arith.cmpi slt, %broadcast_in_dim3A_602, %lt3A_603 : vector<16xi32>
    %mul3A_605 = arith.constant 0 : i32
    %mul3A_606 = vector.broadcast %mul3A_605 : i32 to vector<16xi32>
    %mul3A_607 = arith.muli %get3A_599, %mul3A_606 : vector<16xi32>
    %select_n3A_608 = arith.select %lt3A_604, %get3A_599, %mul3A_607 : vector<16xi1>, vector<16xi32>
    %add3A_609 = arith.addi %add3A_597, %select_n3A_608 : vector<16xi32>
    %get3A_610 = arith.constant 304 : index
    %get3A_611 = tpu.vector_load %arg9[%get3A_610] {strides = array<i32>} : memref<512xi32, #tpu.memory_space<vmem>>, vector<16xi32>,
    %add3A_612 = arith.addi %add3A_600, %get3A_611 : vector<16xi32>
    %broadcast_in_dim3A_613 = arith.constant 19 : i32
    %broadcast_in_dim3A_614 = vector.broadcast %broadcast_in_dim3A_613 : i32 to vector<16xi32>
    %lt3A_615 = vector.broadcast %add3A : i32 to vector<16xi32>
    %lt3A_616 = arith.cmpi slt, %broadcast_in_dim3A_614, %lt3A_615 : vector<16xi32>
    %mul3A_617 = arith.constant 0 : i32
    %mul3A_618 = vector.broadcast %mul3A_617 : i32 to vector<16xi32>
    %mul3A_619 = arith.muli %get3A_611, %mul3A_618 : vector<16xi32>
    %select_n3A_620 = arith.select %lt3A_616, %get3A_611, %mul3A_619 : vector<16xi1>, vector<16xi32>
    %add3A_621 = arith.addi %add3A_609, %select_n3A_620 : vector<16xi32>
    %get3A_622 = arith.constant 320 : index
    %get3A_623 = tpu.vector_load %arg9[%get3A_622] {strides = array<i32>} : memref<512xi32, #tpu.memory_space<vmem>>, vector<16xi32>,
    %add3A_624 = arith.addi %add3A_612, %get3A_623 : vector<16xi32>
    %broadcast_in_dim3A_625 = arith.constant 20 : i32
    %broadcast_in_dim3A_626 = vector.broadcast %broadcast_in_dim3A_625 : i32 to vector<16xi32>
    %lt3A_627 = vector.broadcast %add3A : i32 to vector<16xi32>
    %lt3A_628 = arith.cmpi slt, %broadcast_in_dim3A_626, %lt3A_627 : vector<16xi32>
    %mul3A_629 = arith.constant 0 : i32
    %mul3A_630 = vector.broadcast %mul3A_629 : i32 to vector<16xi32>
    %mul3A_631 = arith.muli %get3A_623, %mul3A_630 : vector<16xi32>
    %select_n3A_632 = arith.select %lt3A_628, %get3A_623, %mul3A_631 : vector<16xi1>, vector<16xi32>
    %add3A_633 = arith.addi %add3A_621, %select_n3A_632 : vector<16xi32>
    %get3A_634 = arith.constant 336 : index
    %get3A_635 = tpu.vector_load %arg9[%get3A_634] {strides = array<i32>} : memref<512xi32, #tpu.memory_space<vmem>>, vector<16xi32>,
    %add3A_636 = arith.addi %add3A_624, %get3A_635 : vector<16xi32>
    %broadcast_in_dim3A_637 = arith.constant 21 : i32
    %broadcast_in_dim3A_638 = vector.broadcast %broadcast_in_dim3A_637 : i32 to vector<16xi32>
    %lt3A_639 = vector.broadcast %add3A : i32 to vector<16xi32>
    %lt3A_640 = arith.cmpi slt, %broadcast_in_dim3A_638, %lt3A_639 : vector<16xi32>
    %mul3A_641 = arith.constant 0 : i32
    %mul3A_642 = vector.broadcast %mul3A_641 : i32 to vector<16xi32>
    %mul3A_643 = arith.muli %get3A_635, %mul3A_642 : vector<16xi32>
    %select_n3A_644 = arith.select %lt3A_640, %get3A_635, %mul3A_643 : vector<16xi1>, vector<16xi32>
    %add3A_645 = arith.addi %add3A_633, %select_n3A_644 : vector<16xi32>
    %get3A_646 = arith.constant 352 : index
    %get3A_647 = tpu.vector_load %arg9[%get3A_646] {strides = array<i32>} : memref<512xi32, #tpu.memory_space<vmem>>, vector<16xi32>,
    %add3A_648 = arith.addi %add3A_636, %get3A_647 : vector<16xi32>
    %broadcast_in_dim3A_649 = arith.constant 22 : i32
    %broadcast_in_dim3A_650 = vector.broadcast %broadcast_in_dim3A_649 : i32 to vector<16xi32>
    %lt3A_651 = vector.broadcast %add3A : i32 to vector<16xi32>
    %lt3A_652 = arith.cmpi slt, %broadcast_in_dim3A_650, %lt3A_651 : vector<16xi32>
    %mul3A_653 = arith.constant 0 : i32
    %mul3A_654 = vector.broadcast %mul3A_653 : i32 to vector<16xi32>
    %mul3A_655 = arith.muli %get3A_647, %mul3A_654 : vector<16xi32>
    %select_n3A_656 = arith.select %lt3A_652, %get3A_647, %mul3A_655 : vector<16xi1>, vector<16xi32>
    %add3A_657 = arith.addi %add3A_645, %select_n3A_656 : vector<16xi32>
    %get3A_658 = arith.constant 368 : index
    %get3A_659 = tpu.vector_load %arg9[%get3A_658] {strides = array<i32>} : memref<512xi32, #tpu.memory_space<vmem>>, vector<16xi32>,
    %add3A_660 = arith.addi %add3A_648, %get3A_659 : vector<16xi32>
    %broadcast_in_dim3A_661 = arith.constant 23 : i32
    %broadcast_in_dim3A_662 = vector.broadcast %broadcast_in_dim3A_661 : i32 to vector<16xi32>
    %lt3A_663 = vector.broadcast %add3A : i32 to vector<16xi32>
    %lt3A_664 = arith.cmpi slt, %broadcast_in_dim3A_662, %lt3A_663 : vector<16xi32>
    %mul3A_665 = arith.constant 0 : i32
    %mul3A_666 = vector.broadcast %mul3A_665 : i32 to vector<16xi32>
    %mul3A_667 = arith.muli %get3A_659, %mul3A_666 : vector<16xi32>
    %select_n3A_668 = arith.select %lt3A_664, %get3A_659, %mul3A_667 : vector<16xi1>, vector<16xi32>
    %add3A_669 = arith.addi %add3A_657, %select_n3A_668 : vector<16xi32>
    %get3A_670 = arith.constant 384 : index
    %get3A_671 = tpu.vector_load %arg9[%get3A_670] {strides = array<i32>} : memref<512xi32, #tpu.memory_space<vmem>>, vector<16xi32>,
    %add3A_672 = arith.addi %add3A_660, %get3A_671 : vector<16xi32>
    %broadcast_in_dim3A_673 = arith.constant 24 : i32
    %broadcast_in_dim3A_674 = vector.broadcast %broadcast_in_dim3A_673 : i32 to vector<16xi32>
    %lt3A_675 = vector.broadcast %add3A : i32 to vector<16xi32>
    %lt3A_676 = arith.cmpi slt, %broadcast_in_dim3A_674, %lt3A_675 : vector<16xi32>
    %mul3A_677 = arith.constant 0 : i32
    %mul3A_678 = vector.broadcast %mul3A_677 : i32 to vector<16xi32>
    %mul3A_679 = arith.muli %get3A_671, %mul3A_678 : vector<16xi32>
    %select_n3A_680 = arith.select %lt3A_676, %get3A_671, %mul3A_679 : vector<16xi1>, vector<16xi32>
    %add3A_681 = arith.addi %add3A_669, %select_n3A_680 : vector<16xi32>
    %get3A_682 = arith.constant 400 : index
    %get3A_683 = tpu.vector_load %arg9[%get3A_682] {strides = array<i32>} : memref<512xi32, #tpu.memory_space<vmem>>, vector<16xi32>,
    %add3A_684 = arith.addi %add3A_672, %get3A_683 : vector<16xi32>
    %broadcast_in_dim3A_685 = arith.constant 25 : i32
    %broadcast_in_dim3A_686 = vector.broadcast %broadcast_in_dim3A_685 : i32 to vector<16xi32>
    %lt3A_687 = vector.broadcast %add3A : i32 to vector<16xi32>
    %lt3A_688 = arith.cmpi slt, %broadcast_in_dim3A_686, %lt3A_687 : vector<16xi32>
    %mul3A_689 = arith.constant 0 : i32
    %mul3A_690 = vector.broadcast %mul3A_689 : i32 to vector<16xi32>
    %mul3A_691 = arith.muli %get3A_683, %mul3A_690 : vector<16xi32>
    %select_n3A_692 = arith.select %lt3A_688, %get3A_683, %mul3A_691 : vector<16xi1>, vector<16xi32>
    %add3A_693 = arith.addi %add3A_681, %select_n3A_692 : vector<16xi32>
    %get3A_694 = arith.constant 416 : index
    %get3A_695 = tpu.vector_load %arg9[%get3A_694] {strides = array<i32>} : memref<512xi32, #tpu.memory_space<vmem>>, vector<16xi32>,
    %add3A_696 = arith.addi %add3A_684, %get3A_695 : vector<16xi32>
    %broadcast_in_dim3A_697 = arith.constant 26 : i32
    %broadcast_in_dim3A_698 = vector.broadcast %broadcast_in_dim3A_697 : i32 to vector<16xi32>
    %lt3A_699 = vector.broadcast %add3A : i32 to vector<16xi32>
    %lt3A_700 = arith.cmpi slt, %broadcast_in_dim3A_698, %lt3A_699 : vector<16xi32>
    %mul3A_701 = arith.constant 0 : i32
    %mul3A_702 = vector.broadcast %mul3A_701 : i32 to vector<16xi32>
    %mul3A_703 = arith.muli %get3A_695, %mul3A_702 : vector<16xi32>
    %select_n3A_704 = arith.select %lt3A_700, %get3A_695, %mul3A_703 : vector<16xi1>, vector<16xi32>
    %add3A_705 = arith.addi %add3A_693, %select_n3A_704 : vector<16xi32>
    %get3A_706 = arith.constant 432 : index
    %get3A_707 = tpu.vector_load %arg9[%get3A_706] {strides = array<i32>} : memref<512xi32, #tpu.memory_space<vmem>>, vector<16xi32>,
    %add3A_708 = arith.addi %add3A_696, %get3A_707 : vector<16xi32>
    %broadcast_in_dim3A_709 = arith.constant 27 : i32
    %broadcast_in_dim3A_710 = vector.broadcast %broadcast_in_dim3A_709 : i32 to vector<16xi32>
    %lt3A_711 = vector.broadcast %add3A : i32 to vector<16xi32>
    %lt3A_712 = arith.cmpi slt, %broadcast_in_dim3A_710, %lt3A_711 : vector<16xi32>
    %mul3A_713 = arith.constant 0 : i32
    %mul3A_714 = vector.broadcast %mul3A_713 : i32 to vector<16xi32>
    %mul3A_715 = arith.muli %get3A_707, %mul3A_714 : vector<16xi32>
    %select_n3A_716 = arith.select %lt3A_712, %get3A_707, %mul3A_715 : vector<16xi1>, vector<16xi32>
    %add3A_717 = arith.addi %add3A_705, %select_n3A_716 : vector<16xi32>
    %get3A_718 = arith.constant 448 : index
    %get3A_719 = tpu.vector_load %arg9[%get3A_718] {strides = array<i32>} : memref<512xi32, #tpu.memory_space<vmem>>, vector<16xi32>,
    %add3A_720 = arith.addi %add3A_708, %get3A_719 : vector<16xi32>
    %broadcast_in_dim3A_721 = arith.constant 28 : i32
    %broadcast_in_dim3A_722 = vector.broadcast %broadcast_in_dim3A_721 : i32 to vector<16xi32>
    %lt3A_723 = vector.broadcast %add3A : i32 to vector<16xi32>
    %lt3A_724 = arith.cmpi slt, %broadcast_in_dim3A_722, %lt3A_723 : vector<16xi32>
    %mul3A_725 = arith.constant 0 : i32
    %mul3A_726 = vector.broadcast %mul3A_725 : i32 to vector<16xi32>
    %mul3A_727 = arith.muli %get3A_719, %mul3A_726 : vector<16xi32>
    %select_n3A_728 = arith.select %lt3A_724, %get3A_719, %mul3A_727 : vector<16xi1>, vector<16xi32>
    %add3A_729 = arith.addi %add3A_717, %select_n3A_728 : vector<16xi32>
    %get3A_730 = arith.constant 464 : index
    %get3A_731 = tpu.vector_load %arg9[%get3A_730] {strides = array<i32>} : memref<512xi32, #tpu.memory_space<vmem>>, vector<16xi32>,
    %add3A_732 = arith.addi %add3A_720, %get3A_731 : vector<16xi32>
    %broadcast_in_dim3A_733 = arith.constant 29 : i32
    %broadcast_in_dim3A_734 = vector.broadcast %broadcast_in_dim3A_733 : i32 to vector<16xi32>
    %lt3A_735 = vector.broadcast %add3A : i32 to vector<16xi32>
    %lt3A_736 = arith.cmpi slt, %broadcast_in_dim3A_734, %lt3A_735 : vector<16xi32>
    %mul3A_737 = arith.constant 0 : i32
    %mul3A_738 = vector.broadcast %mul3A_737 : i32 to vector<16xi32>
    %mul3A_739 = arith.muli %get3A_731, %mul3A_738 : vector<16xi32>
    %select_n3A_740 = arith.select %lt3A_736, %get3A_731, %mul3A_739 : vector<16xi1>, vector<16xi32>
    %add3A_741 = arith.addi %add3A_729, %select_n3A_740 : vector<16xi32>
    %get3A_742 = arith.constant 480 : index
    %get3A_743 = tpu.vector_load %arg9[%get3A_742] {strides = array<i32>} : memref<512xi32, #tpu.memory_space<vmem>>, vector<16xi32>,
    %add3A_744 = arith.addi %add3A_732, %get3A_743 : vector<16xi32>
    %broadcast_in_dim3A_745 = arith.constant 30 : i32
    %broadcast_in_dim3A_746 = vector.broadcast %broadcast_in_dim3A_745 : i32 to vector<16xi32>
    %lt3A_747 = vector.broadcast %add3A : i32 to vector<16xi32>
    %lt3A_748 = arith.cmpi slt, %broadcast_in_dim3A_746, %lt3A_747 : vector<16xi32>
    %mul3A_749 = arith.constant 0 : i32
    %mul3A_750 = vector.broadcast %mul3A_749 : i32 to vector<16xi32>
    %mul3A_751 = arith.muli %get3A_743, %mul3A_750 : vector<16xi32>
    %select_n3A_752 = arith.select %lt3A_748, %get3A_743, %mul3A_751 : vector<16xi1>, vector<16xi32>
    %add3A_753 = arith.addi %add3A_741, %select_n3A_752 : vector<16xi32>
    %get3A_754 = arith.constant 496 : index
    %get3A_755 = tpu.vector_load %arg9[%get3A_754] {strides = array<i32>} : memref<512xi32, #tpu.memory_space<vmem>>, vector<16xi32>,
    %add3A_756 = arith.addi %add3A_744, %get3A_755 : vector<16xi32>
    %broadcast_in_dim3A_757 = arith.constant 31 : i32
    %broadcast_in_dim3A_758 = vector.broadcast %broadcast_in_dim3A_757 : i32 to vector<16xi32>
    %lt3A_759 = vector.broadcast %add3A : i32 to vector<16xi32>
    %lt3A_760 = arith.cmpi slt, %broadcast_in_dim3A_758, %lt3A_759 : vector<16xi32>
    %mul3A_761 = arith.constant 0 : i32
    %mul3A_762 = vector.broadcast %mul3A_761 : i32 to vector<16xi32>
    %mul3A_763 = arith.muli %get3A_755, %mul3A_762 : vector<16xi32>
    %select_n3A_764 = arith.select %lt3A_760, %get3A_755, %mul3A_763 : vector<16xi1>, vector<16xi32>
    %add3A_765 = arith.addi %add3A_753, %select_n3A_764 : vector<16xi32>
    %add3A_766 = arith.constant 512 : i32
    %add3A_767 = vector.broadcast %add3A_766 : i32 to vector<16xi32>
    %add3A_768 = arith.addi %add3A_756, %add3A_767 : vector<16xi32>
    %sub3A = arith.constant 1 : i32
    %sub3A_769 = vector.broadcast %sub3A : i32 to vector<16xi32>
    %sub3A_770 = arith.subi %add3A_768, %sub3A_769 : vector<16xi32>
    %shift_right_arithmetic3A = arith.constant 9 : i32
    %shift_right_arithmetic3A_771 = vector.broadcast %shift_right_arithmetic3A : i32 to vector<16xi32>
    %shift_right_arithmetic3A_772 = arith.shrsi %sub3A_770, %shift_right_arithmetic3A_771 : vector<16xi32>
    %shift_left3A = arith.constant 9 : i32
    %shift_left3A_773 = vector.broadcast %shift_left3A : i32 to vector<16xi32>
    %shift_left3A_774 = arith.shli %shift_right_arithmetic3A_772, %shift_left3A_773 : vector<16xi32>
    %cumsum3A = arith.constant true
    %cumsum3A_775 = vector.broadcast %cumsum3A : i1 to vector<16xi1>
    %cumsum3A_776 = tpu.scan <sum>, %shift_left3A_774 masked %cumsum3A_775 : vector<16xi32>, vector<16xi1> -> vector<16xi32>
    %sub3A_777 = arith.subi %cumsum3A_776, %shift_left3A_774 : vector<16xi32>
    %add3A_778 = arith.addi %sub3A_777, %add3A_765 : vector<16xi32>
    %eq3A_779 = arith.constant 0 : i32
    %eq3A_780 = vector.broadcast %eq3A_779 : i32 to vector<16xi32>
    %eq3A_781 = arith.cmpi eq, %iota3A, %eq3A_780 : vector<16xi32>
    %jit3A_782 = arith.constant 0 : i32
    %broadcast_in_dim3A_783 = vector.broadcast %jit3A_782 : i32 to vector<16xi32>
    %select_n3A_784 = arith.select %eq3A_781, %add3A_778, %broadcast_in_dim3A_783 : vector<16xi1>, vector<16xi32>
    %reduce_sum3A_785 = arith.constant true
    %reduce_sum3A_786 = vector.broadcast %reduce_sum3A_785 : i1 to vector<16xi1>
    %reduce_sum3A_787 = tpu.scan <sum>, %select_n3A_784 masked %reduce_sum3A_786 : vector<16xi32>, vector<16xi1> -> vector<16xi32>
    %reduce_sum3A_788 = vector.extract %reduce_sum3A_787[15] : i32 from vector<16xi32>
    %eq3A_789 = arith.constant 1 : i32
    %eq3A_790 = vector.broadcast %eq3A_789 : i32 to vector<16xi32>
    %eq3A_791 = arith.cmpi eq, %iota3A, %eq3A_790 : vector<16xi32>
    %jit3A_792 = arith.constant 0 : i32
    %broadcast_in_dim3A_793 = vector.broadcast %jit3A_792 : i32 to vector<16xi32>
    %select_n3A_794 = arith.select %eq3A_791, %add3A_778, %broadcast_in_dim3A_793 : vector<16xi1>, vector<16xi32>
    %reduce_sum3A_795 = arith.constant true
    %reduce_sum3A_796 = vector.broadcast %reduce_sum3A_795 : i1 to vector<16xi1>
    %reduce_sum3A_797 = tpu.scan <sum>, %select_n3A_794 masked %reduce_sum3A_796 : vector<16xi32>, vector<16xi1> -> vector<16xi32>
    %reduce_sum3A_798 = vector.extract %reduce_sum3A_797[15] : i32 from vector<16xi32>
    %eq3A_799 = arith.constant 2 : i32
    %eq3A_800 = vector.broadcast %eq3A_799 : i32 to vector<16xi32>
    %eq3A_801 = arith.cmpi eq, %iota3A, %eq3A_800 : vector<16xi32>
    %jit3A_802 = arith.constant 0 : i32
    %broadcast_in_dim3A_803 = vector.broadcast %jit3A_802 : i32 to vector<16xi32>
    %select_n3A_804 = arith.select %eq3A_801, %add3A_778, %broadcast_in_dim3A_803 : vector<16xi1>, vector<16xi32>
    %reduce_sum3A_805 = arith.constant true
    %reduce_sum3A_806 = vector.broadcast %reduce_sum3A_805 : i1 to vector<16xi1>
    %reduce_sum3A_807 = tpu.scan <sum>, %select_n3A_804 masked %reduce_sum3A_806 : vector<16xi32>, vector<16xi1> -> vector<16xi32>
    %reduce_sum3A_808 = vector.extract %reduce_sum3A_807[15] : i32 from vector<16xi32>
    %eq3A_809 = arith.constant 3 : i32
    %eq3A_810 = vector.broadcast %eq3A_809 : i32 to vector<16xi32>
    %eq3A_811 = arith.cmpi eq, %iota3A, %eq3A_810 : vector<16xi32>
    %jit3A_812 = arith.constant 0 : i32
    %broadcast_in_dim3A_813 = vector.broadcast %jit3A_812 : i32 to vector<16xi32>
    %select_n3A_814 = arith.select %eq3A_811, %add3A_778, %broadcast_in_dim3A_813 : vector<16xi1>, vector<16xi32>
    %reduce_sum3A_815 = arith.constant true
    %reduce_sum3A_816 = vector.broadcast %reduce_sum3A_815 : i1 to vector<16xi1>
    %reduce_sum3A_817 = tpu.scan <sum>, %select_n3A_814 masked %reduce_sum3A_816 : vector<16xi32>, vector<16xi1> -> vector<16xi32>
    %reduce_sum3A_818 = vector.extract %reduce_sum3A_817[15] : i32 from vector<16xi32>
    %eq3A_819 = arith.constant 0 : i32
    %eq3A_820 = arith.cmpi eq, %arg1, %eq3A_819 : i32
    %eq3A_821 = arith.constant 0 : i32
    %eq3A_822 = arith.cmpi eq, %arg0, %eq3A_821 : i32
    %and3A = arith.andi %eq3A_820, %eq3A_822 : i1
    %convert_element_type3A_823 = arith.extui %and3A : i1 to i32
    %cond3A = arith.constant 0 : i32
    %cond3A_824 = arith.cmpi ne, %convert_element_type3A_823, %cond3A : i32
    scf.if %cond3A_824 {
      %eq3A_1167 = arith.constant 0 : i32
      %eq3A_1168 = vector.broadcast %eq3A_1167 : i32 to vector<16xi32>
      %eq3A_1169 = arith.cmpi eq, %iota3A, %eq3A_1168 : vector<16xi32>
      %jit3A_1170 = arith.constant 0 : i32
      %broadcast_in_dim3A_1171 = vector.broadcast %jit3A_1170 : i32 to vector<16xi32>
      %select_n3A_1172 = arith.select %eq3A_1169, %cumsum3A_776, %broadcast_in_dim3A_1171 : vector<16xi1>, vector<16xi32>
      %reduce_sum3A_1173 = arith.constant true
      %reduce_sum3A_1174 = vector.broadcast %reduce_sum3A_1173 : i1 to vector<16xi1>
      %reduce_sum3A_1175 = tpu.scan <sum>, %select_n3A_1172 masked %reduce_sum3A_1174 : vector<16xi32>, vector<16xi1> -> vector<16xi32>
      %reduce_sum3A_1176 = vector.extract %reduce_sum3A_1175[15] : i32 from vector<16xi32>
      %eq3A_1177 = arith.constant 1 : i32
      %eq3A_1178 = vector.broadcast %eq3A_1177 : i32 to vector<16xi32>
      %eq3A_1179 = arith.cmpi eq, %iota3A, %eq3A_1178 : vector<16xi32>
      %jit3A_1180 = arith.constant 0 : i32
      %broadcast_in_dim3A_1181 = vector.broadcast %jit3A_1180 : i32 to vector<16xi32>
      %select_n3A_1182 = arith.select %eq3A_1179, %cumsum3A_776, %broadcast_in_dim3A_1181 : vector<16xi1>, vector<16xi32>
      %reduce_sum3A_1183 = arith.constant true
      %reduce_sum3A_1184 = vector.broadcast %reduce_sum3A_1183 : i1 to vector<16xi1>
      %reduce_sum3A_1185 = tpu.scan <sum>, %select_n3A_1182 masked %reduce_sum3A_1184 : vector<16xi32>, vector<16xi1> -> vector<16xi32>
      %reduce_sum3A_1186 = vector.extract %reduce_sum3A_1185[15] : i32 from vector<16xi32>
      %eq3A_1187 = arith.constant 2 : i32
      %eq3A_1188 = vector.broadcast %eq3A_1187 : i32 to vector<16xi32>
      %eq3A_1189 = arith.cmpi eq, %iota3A, %eq3A_1188 : vector<16xi32>
      %jit3A_1190 = arith.constant 0 : i32
      %broadcast_in_dim3A_1191 = vector.broadcast %jit3A_1190 : i32 to vector<16xi32>
      %select_n3A_1192 = arith.select %eq3A_1189, %cumsum3A_776, %broadcast_in_dim3A_1191 : vector<16xi1>, vector<16xi32>
      %reduce_sum3A_1193 = arith.constant true
      %reduce_sum3A_1194 = vector.broadcast %reduce_sum3A_1193 : i1 to vector<16xi1>
      %reduce_sum3A_1195 = tpu.scan <sum>, %select_n3A_1192 masked %reduce_sum3A_1194 : vector<16xi32>, vector<16xi1> -> vector<16xi32>
      %reduce_sum3A_1196 = vector.extract %reduce_sum3A_1195[15] : i32 from vector<16xi32>
      %eq3A_1197 = arith.constant 3 : i32
      %eq3A_1198 = vector.broadcast %eq3A_1197 : i32 to vector<16xi32>
      %eq3A_1199 = arith.cmpi eq, %iota3A, %eq3A_1198 : vector<16xi32>
      %jit3A_1200 = arith.constant 0 : i32
      %broadcast_in_dim3A_1201 = vector.broadcast %jit3A_1200 : i32 to vector<16xi32>
      %select_n3A_1202 = arith.select %eq3A_1199, %cumsum3A_776, %broadcast_in_dim3A_1201 : vector<16xi1>, vector<16xi32>
      %reduce_sum3A_1203 = arith.constant true
      %reduce_sum3A_1204 = vector.broadcast %reduce_sum3A_1203 : i1 to vector<16xi1>
      %reduce_sum3A_1205 = tpu.scan <sum>, %select_n3A_1202 masked %reduce_sum3A_1204 : vector<16xi32>, vector<16xi1> -> vector<16xi32>
      %reduce_sum3A_1206 = vector.extract %reduce_sum3A_1205[15] : i32 from vector<16xi32>
      %shift_right_arithmetic3A_1207 = arith.constant 9 : i32
      %shift_right_arithmetic3A_1208 = arith.shrsi %reduce_sum3A_1206, %shift_right_arithmetic3A_1207 : i32
      %add3A_1209 = arith.constant 0 : i32
      %add3A_1210 = vector.broadcast %add3A_1209 : i32 to vector<16xi32>
      %add3A_1211 = arith.addi %iota3A, %add3A_1210 : vector<16xi32>
      %mul3A_1212 = arith.constant 512 : i32
      %mul3A_1213 = vector.broadcast %mul3A_1212 : i32 to vector<16xi32>
      %mul3A_1214 = arith.muli %add3A_1211, %mul3A_1213 : vector<16xi32>
      %ge3A = vector.broadcast %reduce_sum3A_1176 : i32 to vector<16xi32>
      %ge3A_1215 = arith.cmpi sge, %mul3A_1214, %ge3A : vector<16xi32>
      %convert_element_type3A_1216 = arith.extui %ge3A_1215 : vector<16xi1> to vector<16xi32>
      %ge3A_1217 = vector.broadcast %reduce_sum3A_1186 : i32 to vector<16xi32>
      %ge3A_1218 = arith.cmpi sge, %mul3A_1214, %ge3A_1217 : vector<16xi32>
      %convert_element_type3A_1219 = arith.extui %ge3A_1218 : vector<16xi1> to vector<16xi32>
      %add3A_1220 = arith.addi %convert_element_type3A_1216, %convert_element_type3A_1219 : vector<16xi32>
      %ge3A_1221 = vector.broadcast %reduce_sum3A_1196 : i32 to vector<16xi32>
      %ge3A_1222 = arith.cmpi sge, %mul3A_1214, %ge3A_1221 : vector<16xi32>
      %convert_element_type3A_1223 = arith.extui %ge3A_1222 : vector<16xi1> to vector<16xi32>
      %add3A_1224 = arith.addi %add3A_1220, %convert_element_type3A_1223 : vector<16xi32>
      %ge3A_1225 = vector.broadcast %reduce_sum3A_1206 : i32 to vector<16xi32>
      %ge3A_1226 = arith.cmpi sge, %mul3A_1214, %ge3A_1225 : vector<16xi32>
      %convert_element_type3A_1227 = arith.extui %ge3A_1226 : vector<16xi1> to vector<16xi32>
      %add3A_1228 = arith.addi %add3A_1224, %convert_element_type3A_1227 : vector<16xi32>
      %min3A = arith.constant 3 : i32
      %min3A_1229 = vector.broadcast %min3A : i32 to vector<16xi32>
      %min3A_1230 = arith.minsi %add3A_1228, %min3A_1229 : vector<16xi32>
      %swap3A_1231 = arith.constant 0 : index
      %swap3A_1232 = tpu.vector_load %arg11[%swap3A_1231] {strides = array<i32>} : memref<32xi32, #tpu.memory_space<vmem>>, vector<16xi32>,
      tpu.vector_store %arg11[%swap3A_1231], %min3A_1230 {strides = array<i32>} : memref<32xi32, #tpu.memory_space<vmem>>, vector<16xi32>,
      %add3A_1233 = arith.constant 16 : i32
      %add3A_1234 = vector.broadcast %add3A_1233 : i32 to vector<16xi32>
      %add3A_1235 = arith.addi %iota3A, %add3A_1234 : vector<16xi32>
      %mul3A_1236 = arith.constant 512 : i32
      %mul3A_1237 = vector.broadcast %mul3A_1236 : i32 to vector<16xi32>
      %mul3A_1238 = arith.muli %add3A_1235, %mul3A_1237 : vector<16xi32>
      %ge3A_1239 = vector.broadcast %reduce_sum3A_1176 : i32 to vector<16xi32>
      %ge3A_1240 = arith.cmpi sge, %mul3A_1238, %ge3A_1239 : vector<16xi32>
      %convert_element_type3A_1241 = arith.extui %ge3A_1240 : vector<16xi1> to vector<16xi32>
      %ge3A_1242 = vector.broadcast %reduce_sum3A_1186 : i32 to vector<16xi32>
      %ge3A_1243 = arith.cmpi sge, %mul3A_1238, %ge3A_1242 : vector<16xi32>
      %convert_element_type3A_1244 = arith.extui %ge3A_1243 : vector<16xi1> to vector<16xi32>
      %add3A_1245 = arith.addi %convert_element_type3A_1241, %convert_element_type3A_1244 : vector<16xi32>
      %ge3A_1246 = vector.broadcast %reduce_sum3A_1196 : i32 to vector<16xi32>
      %ge3A_1247 = arith.cmpi sge, %mul3A_1238, %ge3A_1246 : vector<16xi32>
      %convert_element_type3A_1248 = arith.extui %ge3A_1247 : vector<16xi1> to vector<16xi32>
      %add3A_1249 = arith.addi %add3A_1245, %convert_element_type3A_1248 : vector<16xi32>
      %ge3A_1250 = vector.broadcast %reduce_sum3A_1206 : i32 to vector<16xi32>
      %ge3A_1251 = arith.cmpi sge, %mul3A_1238, %ge3A_1250 : vector<16xi32>
      %convert_element_type3A_1252 = arith.extui %ge3A_1251 : vector<16xi1> to vector<16xi32>
      %add3A_1253 = arith.addi %add3A_1249, %convert_element_type3A_1252 : vector<16xi32>
      %min3A_1254 = arith.constant 3 : i32
      %min3A_1255 = vector.broadcast %min3A_1254 : i32 to vector<16xi32>
      %min3A_1256 = arith.minsi %add3A_1253, %min3A_1255 : vector<16xi32>
      %eq3A_1257 = arith.constant 15 : i32
      %eq3A_1258 = vector.broadcast %eq3A_1257 : i32 to vector<16xi32>
      %eq3A_1259 = arith.cmpi eq, %iota3A, %eq3A_1258 : vector<16xi32>
      %broadcast_in_dim3A_1260 = vector.broadcast %shift_right_arithmetic3A_1208 : i32 to vector<16xi32>
      %select_n3A_1261 = arith.select %eq3A_1259, %broadcast_in_dim3A_1260, %min3A_1256 : vector<16xi1>, vector<16xi32>
      %swap3A_1262 = arith.constant 16 : index
      %swap3A_1263 = tpu.vector_load %arg11[%swap3A_1262] {strides = array<i32>} : memref<32xi32, #tpu.memory_space<vmem>>, vector<16xi32>,
      tpu.vector_store %arg11[%swap3A_1262], %select_n3A_1261 {strides = array<i32>} : memref<32xi32, #tpu.memory_space<vmem>>, vector<16xi32>,
      "tpu.region"() ({
        %run_scoped3A = tpu.sem_alloc : memref<!tpu.dma_semaphore, #tpu.memory_space<semaphore_mem>>
        tpu.enqueue_dma source(%arg11 : memref<32xi32, #tpu.memory_space<vmem>>) target(%arg6 : memref<32xi32, #tpu.memory_space<hbm>>) target_semaphore(%run_scoped3A : memref<!tpu.dma_semaphore, #tpu.memory_space<semaphore_mem>>)
        tpu.wait_dma2 semaphore(%run_scoped3A : memref<!tpu.dma_semaphore, #tpu.memory_space<semaphore_mem>>) src(%arg11 : memref<32xi32, #tpu.memory_space<vmem>>) dst(%arg6 : memref<32xi32, #tpu.memory_space<hbm>>)
        tpu.yield
      }) : () -> ()
    } else {
    }
    %mul3A_825 = arith.constant 64 : i32
    %mul3A_826 = arith.muli %add3A, %mul3A_825 : i32
    "tpu.region"() ({
      %run_scoped3A = tpu.sem_alloc : memref<!tpu.dma_semaphore, #tpu.memory_space<semaphore_mem>>
      %dma_start3A_1167 = arith.constant 0 : i32
      %dma_start3A_1168 = tpu.memref_slice %arg7[%dma_start3A_1167] : memref<128xi32, #tpu.memory_space<vmem>> -> memref<64xi32, #tpu.memory_space<vmem>>
      %dma_start3A_1169 = tpu.memref_slice %arg2[%mul3A_826] : memref<2048xi32, #tpu.memory_space<hbm>> -> memref<64xi32, #tpu.memory_space<hbm>>
      %dma_start3A_1170 = arith.constant 0 : i32
      %dma_start3A_1171 = tpu.memref_slice %arg7[%dma_start3A_1170] : memref<128xi32, #tpu.memory_space<vmem>> -> memref<64xi32, #tpu.memory_space<vmem>>
      %dma_start3A_1172 = tpu.memref_slice %arg2[%mul3A_826] : memref<2048xi32, #tpu.memory_space<hbm>> -> memref<64xi32, #tpu.memory_space<hbm>>
      tpu.enqueue_dma source(%dma_start3A_1172 : memref<64xi32, #tpu.memory_space<hbm>>) target(%dma_start3A_1171 : memref<64xi32, #tpu.memory_space<vmem>>) target_semaphore(%run_scoped3A : memref<!tpu.dma_semaphore, #tpu.memory_space<semaphore_mem>>)
      %dma_wait3A_1173 = arith.constant 0 : i32
      %dma_wait3A_1174 = tpu.memref_slice %arg7[%dma_wait3A_1173] : memref<128xi32, #tpu.memory_space<vmem>> -> memref<64xi32, #tpu.memory_space<vmem>>
      %dma_wait3A_1175 = tpu.memref_slice %arg2[%mul3A_826] : memref<2048xi32, #tpu.memory_space<hbm>> -> memref<64xi32, #tpu.memory_space<hbm>>
      %dma_wait3A_1176 = arith.constant 0 : i32
      %dma_wait3A_1177 = tpu.memref_slice %arg7[%dma_wait3A_1176] : memref<128xi32, #tpu.memory_space<vmem>> -> memref<64xi32, #tpu.memory_space<vmem>>
      %dma_wait3A_1178 = tpu.memref_slice %arg2[%mul3A_826] : memref<2048xi32, #tpu.memory_space<hbm>> -> memref<64xi32, #tpu.memory_space<hbm>>
      tpu.wait_dma2 semaphore(%run_scoped3A : memref<!tpu.dma_semaphore, #tpu.memory_space<semaphore_mem>>) src(%dma_wait3A_1178 : memref<64xi32, #tpu.memory_space<hbm>>) dst(%dma_wait3A_1177 : memref<64xi32, #tpu.memory_space<vmem>>)
      tpu.yield
    }) : () -> ()
    %get3A_827 = arith.constant 0 : index
    %get3A_828 = tpu.vector_load %arg7[%get3A_827] {strides = array<i32>} : memref<128xi32, #tpu.memory_space<vmem>>, vector<16xi32>,
    %eq3A_829 = arith.constant 0 : i32
    %eq3A_830 = vector.broadcast %eq3A_829 : i32 to vector<16xi32>
    %eq3A_831 = arith.cmpi eq, %get3A_828, %eq3A_830 : vector<16xi32>
    %convert_element_type3A_832 = arith.extui %eq3A_831 : vector<16xi1> to vector<16xi32>
    %eq3A_833 = arith.constant 1 : i32
    %eq3A_834 = vector.broadcast %eq3A_833 : i32 to vector<16xi32>
    %eq3A_835 = arith.cmpi eq, %get3A_828, %eq3A_834 : vector<16xi32>
    %convert_element_type3A_836 = arith.extui %eq3A_835 : vector<16xi1> to vector<16xi32>
    %eq3A_837 = arith.constant 2 : i32
    %eq3A_838 = vector.broadcast %eq3A_837 : i32 to vector<16xi32>
    %eq3A_839 = arith.cmpi eq, %get3A_828, %eq3A_838 : vector<16xi32>
    %convert_element_type3A_840 = arith.extui %eq3A_839 : vector<16xi1> to vector<16xi32>
    %eq3A_841 = arith.constant 3 : i32
    %eq3A_842 = vector.broadcast %eq3A_841 : i32 to vector<16xi32>
    %eq3A_843 = arith.cmpi eq, %get3A_828, %eq3A_842 : vector<16xi32>
    %convert_element_type3A_844 = arith.extui %eq3A_843 : vector<16xi1> to vector<16xi32>
    %mul3A_845 = vector.broadcast %reduce_sum3A_788 : i32 to vector<16xi32>
    %mul3A_846 = arith.muli %convert_element_type3A_832, %mul3A_845 : vector<16xi32>
    %mul3A_847 = vector.broadcast %reduce_sum3A_798 : i32 to vector<16xi32>
    %mul3A_848 = arith.muli %convert_element_type3A_836, %mul3A_847 : vector<16xi32>
    %add3A_849 = arith.addi %mul3A_846, %mul3A_848 : vector<16xi32>
    %mul3A_850 = vector.broadcast %reduce_sum3A_808 : i32 to vector<16xi32>
    %mul3A_851 = arith.muli %convert_element_type3A_840, %mul3A_850 : vector<16xi32>
    %add3A_852 = arith.addi %add3A_849, %mul3A_851 : vector<16xi32>
    %mul3A_853 = vector.broadcast %reduce_sum3A_818 : i32 to vector<16xi32>
    %mul3A_854 = arith.muli %convert_element_type3A_844, %mul3A_853 : vector<16xi32>
    %add3A_855 = arith.addi %add3A_852, %mul3A_854 : vector<16xi32>
    %cumsum3A_856 = arith.constant true
    %cumsum3A_857 = vector.broadcast %cumsum3A_856 : i1 to vector<16xi1>
    %cumsum3A_858 = tpu.scan <sum>, %convert_element_type3A_832 masked %cumsum3A_857 : vector<16xi32>, vector<16xi1> -> vector<16xi32>
    %sub3A_859 = arith.constant 1 : i32
    %sub3A_860 = vector.broadcast %sub3A_859 : i32 to vector<16xi32>
    %sub3A_861 = arith.subi %cumsum3A_858, %sub3A_860 : vector<16xi32>
    %mul3A_862 = arith.muli %convert_element_type3A_832, %sub3A_861 : vector<16xi32>
    %cumsum3A_863 = arith.constant true
    %cumsum3A_864 = vector.broadcast %cumsum3A_863 : i1 to vector<16xi1>
    %cumsum3A_865 = tpu.scan <sum>, %convert_element_type3A_836 masked %cumsum3A_864 : vector<16xi32>, vector<16xi1> -> vector<16xi32>
    %sub3A_866 = arith.constant 1 : i32
    %sub3A_867 = vector.broadcast %sub3A_866 : i32 to vector<16xi32>
    %sub3A_868 = arith.subi %cumsum3A_865, %sub3A_867 : vector<16xi32>
    %mul3A_869 = arith.muli %convert_element_type3A_836, %sub3A_868 : vector<16xi32>
    %add3A_870 = arith.addi %mul3A_862, %mul3A_869 : vector<16xi32>
    %cumsum3A_871 = arith.constant true
    %cumsum3A_872 = vector.broadcast %cumsum3A_871 : i1 to vector<16xi1>
    %cumsum3A_873 = tpu.scan <sum>, %convert_element_type3A_840 masked %cumsum3A_872 : vector<16xi32>, vector<16xi1> -> vector<16xi32>
    %sub3A_874 = arith.constant 1 : i32
    %sub3A_875 = vector.broadcast %sub3A_874 : i32 to vector<16xi32>
    %sub3A_876 = arith.subi %cumsum3A_873, %sub3A_875 : vector<16xi32>
    %mul3A_877 = arith.muli %convert_element_type3A_840, %sub3A_876 : vector<16xi32>
    %add3A_878 = arith.addi %add3A_870, %mul3A_877 : vector<16xi32>
    %cumsum3A_879 = arith.constant true
    %cumsum3A_880 = vector.broadcast %cumsum3A_879 : i1 to vector<16xi1>
    %cumsum3A_881 = tpu.scan <sum>, %convert_element_type3A_844 masked %cumsum3A_880 : vector<16xi32>, vector<16xi1> -> vector<16xi32>
    %sub3A_882 = arith.constant 1 : i32
    %sub3A_883 = vector.broadcast %sub3A_882 : i32 to vector<16xi32>
    %sub3A_884 = arith.subi %cumsum3A_881, %sub3A_883 : vector<16xi32>
    %mul3A_885 = arith.muli %convert_element_type3A_844, %sub3A_884 : vector<16xi32>
    %add3A_886 = arith.addi %add3A_878, %mul3A_885 : vector<16xi32>
    %add3A_887 = arith.addi %add3A_855, %add3A_886 : vector<16xi32>
    %swap3A_888 = arith.constant 0 : index
    %swap3A_889 = tpu.vector_load %arg10[%swap3A_888] {strides = array<i32>} : memref<64xi32, #tpu.memory_space<vmem>>, vector<16xi32>,
    tpu.vector_store %arg10[%swap3A_888], %add3A_887 {strides = array<i32>} : memref<64xi32, #tpu.memory_space<vmem>>, vector<16xi32>,
    %reduce_sum3A_890 = arith.constant true
    %reduce_sum3A_891 = vector.broadcast %reduce_sum3A_890 : i1 to vector<16xi1>
    %reduce_sum3A_892 = tpu.scan <sum>, %convert_element_type3A_832 masked %reduce_sum3A_891 : vector<16xi32>, vector<16xi1> -> vector<16xi32>
    %reduce_sum3A_893 = vector.extract %reduce_sum3A_892[15] : i32 from vector<16xi32>
    %add3A_894 = arith.addi %reduce_sum3A_788, %reduce_sum3A_893 : i32
    %reduce_sum3A_895 = arith.constant true
    %reduce_sum3A_896 = vector.broadcast %reduce_sum3A_895 : i1 to vector<16xi1>
    %reduce_sum3A_897 = tpu.scan <sum>, %convert_element_type3A_836 masked %reduce_sum3A_896 : vector<16xi32>, vector<16xi1> -> vector<16xi32>
    %reduce_sum3A_898 = vector.extract %reduce_sum3A_897[15] : i32 from vector<16xi32>
    %add3A_899 = arith.addi %reduce_sum3A_798, %reduce_sum3A_898 : i32
    %reduce_sum3A_900 = arith.constant true
    %reduce_sum3A_901 = vector.broadcast %reduce_sum3A_900 : i1 to vector<16xi1>
    %reduce_sum3A_902 = tpu.scan <sum>, %convert_element_type3A_840 masked %reduce_sum3A_901 : vector<16xi32>, vector<16xi1> -> vector<16xi32>
    %reduce_sum3A_903 = vector.extract %reduce_sum3A_902[15] : i32 from vector<16xi32>
    %add3A_904 = arith.addi %reduce_sum3A_808, %reduce_sum3A_903 : i32
    %reduce_sum3A_905 = arith.constant true
    %reduce_sum3A_906 = vector.broadcast %reduce_sum3A_905 : i1 to vector<16xi1>
    %reduce_sum3A_907 = tpu.scan <sum>, %convert_element_type3A_844 masked %reduce_sum3A_906 : vector<16xi32>, vector<16xi1> -> vector<16xi32>
    %reduce_sum3A_908 = vector.extract %reduce_sum3A_907[15] : i32 from vector<16xi32>
    %add3A_909 = arith.addi %reduce_sum3A_818, %reduce_sum3A_908 : i32
    %get3A_910 = arith.constant 16 : index
    %get3A_911 = tpu.vector_load %arg7[%get3A_910] {strides = array<i32>} : memref<128xi32, #tpu.memory_space<vmem>>, vector<16xi32>,
    %eq3A_912 = arith.constant 0 : i32
    %eq3A_913 = vector.broadcast %eq3A_912 : i32 to vector<16xi32>
    %eq3A_914 = arith.cmpi eq, %get3A_911, %eq3A_913 : vector<16xi32>
    %convert_element_type3A_915 = arith.extui %eq3A_914 : vector<16xi1> to vector<16xi32>
    %eq3A_916 = arith.constant 1 : i32
    %eq3A_917 = vector.broadcast %eq3A_916 : i32 to vector<16xi32>
    %eq3A_918 = arith.cmpi eq, %get3A_911, %eq3A_917 : vector<16xi32>
    %convert_element_type3A_919 = arith.extui %eq3A_918 : vector<16xi1> to vector<16xi32>
    %eq3A_920 = arith.constant 2 : i32
    %eq3A_921 = vector.broadcast %eq3A_920 : i32 to vector<16xi32>
    %eq3A_922 = arith.cmpi eq, %get3A_911, %eq3A_921 : vector<16xi32>
    %convert_element_type3A_923 = arith.extui %eq3A_922 : vector<16xi1> to vector<16xi32>
    %eq3A_924 = arith.constant 3 : i32
    %eq3A_925 = vector.broadcast %eq3A_924 : i32 to vector<16xi32>
    %eq3A_926 = arith.cmpi eq, %get3A_911, %eq3A_925 : vector<16xi32>
    %convert_element_type3A_927 = arith.extui %eq3A_926 : vector<16xi1> to vector<16xi32>
    %mul3A_928 = vector.broadcast %add3A_894 : i32 to vector<16xi32>
    %mul3A_929 = arith.muli %convert_element_type3A_915, %mul3A_928 : vector<16xi32>
    %mul3A_930 = vector.broadcast %add3A_899 : i32 to vector<16xi32>
    %mul3A_931 = arith.muli %convert_element_type3A_919, %mul3A_930 : vector<16xi32>
    %add3A_932 = arith.addi %mul3A_929, %mul3A_931 : vector<16xi32>
    %mul3A_933 = vector.broadcast %add3A_904 : i32 to vector<16xi32>
    %mul3A_934 = arith.muli %convert_element_type3A_923, %mul3A_933 : vector<16xi32>
    %add3A_935 = arith.addi %add3A_932, %mul3A_934 : vector<16xi32>
    %mul3A_936 = vector.broadcast %add3A_909 : i32 to vector<16xi32>
    %mul3A_937 = arith.muli %convert_element_type3A_927, %mul3A_936 : vector<16xi32>
    %add3A_938 = arith.addi %add3A_935, %mul3A_937 : vector<16xi32>
    %cumsum3A_939 = arith.constant true
    %cumsum3A_940 = vector.broadcast %cumsum3A_939 : i1 to vector<16xi1>
    %cumsum3A_941 = tpu.scan <sum>, %convert_element_type3A_915 masked %cumsum3A_940 : vector<16xi32>, vector<16xi1> -> vector<16xi32>
    %sub3A_942 = arith.constant 1 : i32
    %sub3A_943 = vector.broadcast %sub3A_942 : i32 to vector<16xi32>
    %sub3A_944 = arith.subi %cumsum3A_941, %sub3A_943 : vector<16xi32>
    %mul3A_945 = arith.muli %convert_element_type3A_915, %sub3A_944 : vector<16xi32>
    %cumsum3A_946 = arith.constant true
    %cumsum3A_947 = vector.broadcast %cumsum3A_946 : i1 to vector<16xi1>
    %cumsum3A_948 = tpu.scan <sum>, %convert_element_type3A_919 masked %cumsum3A_947 : vector<16xi32>, vector<16xi1> -> vector<16xi32>
    %sub3A_949 = arith.constant 1 : i32
    %sub3A_950 = vector.broadcast %sub3A_949 : i32 to vector<16xi32>
    %sub3A_951 = arith.subi %cumsum3A_948, %sub3A_950 : vector<16xi32>
    %mul3A_952 = arith.muli %convert_element_type3A_919, %sub3A_951 : vector<16xi32>
    %add3A_953 = arith.addi %mul3A_945, %mul3A_952 : vector<16xi32>
    %cumsum3A_954 = arith.constant true
    %cumsum3A_955 = vector.broadcast %cumsum3A_954 : i1 to vector<16xi1>
    %cumsum3A_956 = tpu.scan <sum>, %convert_element_type3A_923 masked %cumsum3A_955 : vector<16xi32>, vector<16xi1> -> vector<16xi32>
    %sub3A_957 = arith.constant 1 : i32
    %sub3A_958 = vector.broadcast %sub3A_957 : i32 to vector<16xi32>
    %sub3A_959 = arith.subi %cumsum3A_956, %sub3A_958 : vector<16xi32>
    %mul3A_960 = arith.muli %convert_element_type3A_923, %sub3A_959 : vector<16xi32>
    %add3A_961 = arith.addi %add3A_953, %mul3A_960 : vector<16xi32>
    %cumsum3A_962 = arith.constant true
    %cumsum3A_963 = vector.broadcast %cumsum3A_962 : i1 to vector<16xi1>
    %cumsum3A_964 = tpu.scan <sum>, %convert_element_type3A_927 masked %cumsum3A_963 : vector<16xi32>, vector<16xi1> -> vector<16xi32>
    %sub3A_965 = arith.constant 1 : i32
    %sub3A_966 = vector.broadcast %sub3A_965 : i32 to vector<16xi32>
    %sub3A_967 = arith.subi %cumsum3A_964, %sub3A_966 : vector<16xi32>
    %mul3A_968 = arith.muli %convert_element_type3A_927, %sub3A_967 : vector<16xi32>
    %add3A_969 = arith.addi %add3A_961, %mul3A_968 : vector<16xi32>
    %add3A_970 = arith.addi %add3A_938, %add3A_969 : vector<16xi32>
    %swap3A_971 = arith.constant 16 : index
    %swap3A_972 = tpu.vector_load %arg10[%swap3A_971] {strides = array<i32>} : memref<64xi32, #tpu.memory_space<vmem>>, vector<16xi32>,
    tpu.vector_store %arg10[%swap3A_971], %add3A_970 {strides = array<i32>} : memref<64xi32, #tpu.memory_space<vmem>>, vector<16xi32>,
    %reduce_sum3A_973 = arith.constant true
    %reduce_sum3A_974 = vector.broadcast %reduce_sum3A_973 : i1 to vector<16xi1>
    %reduce_sum3A_975 = tpu.scan <sum>, %convert_element_type3A_915 masked %reduce_sum3A_974 : vector<16xi32>, vector<16xi1> -> vector<16xi32>
    %reduce_sum3A_976 = vector.extract %reduce_sum3A_975[15] : i32 from vector<16xi32>
    %add3A_977 = arith.addi %add3A_894, %reduce_sum3A_976 : i32
    %reduce_sum3A_978 = arith.constant true
    %reduce_sum3A_979 = vector.broadcast %reduce_sum3A_978 : i1 to vector<16xi1>
    %reduce_sum3A_980 = tpu.scan <sum>, %convert_element_type3A_919 masked %reduce_sum3A_979 : vector<16xi32>, vector<16xi1> -> vector<16xi32>
    %reduce_sum3A_981 = vector.extract %reduce_sum3A_980[15] : i32 from vector<16xi32>
    %add3A_982 = arith.addi %add3A_899, %reduce_sum3A_981 : i32
    %reduce_sum3A_983 = arith.constant true
    %reduce_sum3A_984 = vector.broadcast %reduce_sum3A_983 : i1 to vector<16xi1>
    %reduce_sum3A_985 = tpu.scan <sum>, %convert_element_type3A_923 masked %reduce_sum3A_984 : vector<16xi32>, vector<16xi1> -> vector<16xi32>
    %reduce_sum3A_986 = vector.extract %reduce_sum3A_985[15] : i32 from vector<16xi32>
    %add3A_987 = arith.addi %add3A_904, %reduce_sum3A_986 : i32
    %reduce_sum3A_988 = arith.constant true
    %reduce_sum3A_989 = vector.broadcast %reduce_sum3A_988 : i1 to vector<16xi1>
    %reduce_sum3A_990 = tpu.scan <sum>, %convert_element_type3A_927 masked %reduce_sum3A_989 : vector<16xi32>, vector<16xi1> -> vector<16xi32>
    %reduce_sum3A_991 = vector.extract %reduce_sum3A_990[15] : i32 from vector<16xi32>
    %add3A_992 = arith.addi %add3A_909, %reduce_sum3A_991 : i32
    %get3A_993 = arith.constant 32 : index
    %get3A_994 = tpu.vector_load %arg7[%get3A_993] {strides = array<i32>} : memref<128xi32, #tpu.memory_space<vmem>>, vector<16xi32>,
    %eq3A_995 = arith.constant 0 : i32
    %eq3A_996 = vector.broadcast %eq3A_995 : i32 to vector<16xi32>
    %eq3A_997 = arith.cmpi eq, %get3A_994, %eq3A_996 : vector<16xi32>
    %convert_element_type3A_998 = arith.extui %eq3A_997 : vector<16xi1> to vector<16xi32>
    %eq3A_999 = arith.constant 1 : i32
    %eq3A_1000 = vector.broadcast %eq3A_999 : i32 to vector<16xi32>
    %eq3A_1001 = arith.cmpi eq, %get3A_994, %eq3A_1000 : vector<16xi32>
    %convert_element_type3A_1002 = arith.extui %eq3A_1001 : vector<16xi1> to vector<16xi32>
    %eq3A_1003 = arith.constant 2 : i32
    %eq3A_1004 = vector.broadcast %eq3A_1003 : i32 to vector<16xi32>
    %eq3A_1005 = arith.cmpi eq, %get3A_994, %eq3A_1004 : vector<16xi32>
    %convert_element_type3A_1006 = arith.extui %eq3A_1005 : vector<16xi1> to vector<16xi32>
    %eq3A_1007 = arith.constant 3 : i32
    %eq3A_1008 = vector.broadcast %eq3A_1007 : i32 to vector<16xi32>
    %eq3A_1009 = arith.cmpi eq, %get3A_994, %eq3A_1008 : vector<16xi32>
    %convert_element_type3A_1010 = arith.extui %eq3A_1009 : vector<16xi1> to vector<16xi32>
    %mul3A_1011 = vector.broadcast %add3A_977 : i32 to vector<16xi32>
    %mul3A_1012 = arith.muli %convert_element_type3A_998, %mul3A_1011 : vector<16xi32>
    %mul3A_1013 = vector.broadcast %add3A_982 : i32 to vector<16xi32>
    %mul3A_1014 = arith.muli %convert_element_type3A_1002, %mul3A_1013 : vector<16xi32>
    %add3A_1015 = arith.addi %mul3A_1012, %mul3A_1014 : vector<16xi32>
    %mul3A_1016 = vector.broadcast %add3A_987 : i32 to vector<16xi32>
    %mul3A_1017 = arith.muli %convert_element_type3A_1006, %mul3A_1016 : vector<16xi32>
    %add3A_1018 = arith.addi %add3A_1015, %mul3A_1017 : vector<16xi32>
    %mul3A_1019 = vector.broadcast %add3A_992 : i32 to vector<16xi32>
    %mul3A_1020 = arith.muli %convert_element_type3A_1010, %mul3A_1019 : vector<16xi32>
    %add3A_1021 = arith.addi %add3A_1018, %mul3A_1020 : vector<16xi32>
    %cumsum3A_1022 = arith.constant true
    %cumsum3A_1023 = vector.broadcast %cumsum3A_1022 : i1 to vector<16xi1>
    %cumsum3A_1024 = tpu.scan <sum>, %convert_element_type3A_998 masked %cumsum3A_1023 : vector<16xi32>, vector<16xi1> -> vector<16xi32>
    %sub3A_1025 = arith.constant 1 : i32
    %sub3A_1026 = vector.broadcast %sub3A_1025 : i32 to vector<16xi32>
    %sub3A_1027 = arith.subi %cumsum3A_1024, %sub3A_1026 : vector<16xi32>
    %mul3A_1028 = arith.muli %convert_element_type3A_998, %sub3A_1027 : vector<16xi32>
    %cumsum3A_1029 = arith.constant true
    %cumsum3A_1030 = vector.broadcast %cumsum3A_1029 : i1 to vector<16xi1>
    %cumsum3A_1031 = tpu.scan <sum>, %convert_element_type3A_1002 masked %cumsum3A_1030 : vector<16xi32>, vector<16xi1> -> vector<16xi32>
    %sub3A_1032 = arith.constant 1 : i32
    %sub3A_1033 = vector.broadcast %sub3A_1032 : i32 to vector<16xi32>
    %sub3A_1034 = arith.subi %cumsum3A_1031, %sub3A_1033 : vector<16xi32>
    %mul3A_1035 = arith.muli %convert_element_type3A_1002, %sub3A_1034 : vector<16xi32>
    %add3A_1036 = arith.addi %mul3A_1028, %mul3A_1035 : vector<16xi32>
    %cumsum3A_1037 = arith.constant true
    %cumsum3A_1038 = vector.broadcast %cumsum3A_1037 : i1 to vector<16xi1>
    %cumsum3A_1039 = tpu.scan <sum>, %convert_element_type3A_1006 masked %cumsum3A_1038 : vector<16xi32>, vector<16xi1> -> vector<16xi32>
    %sub3A_1040 = arith.constant 1 : i32
    %sub3A_1041 = vector.broadcast %sub3A_1040 : i32 to vector<16xi32>
    %sub3A_1042 = arith.subi %cumsum3A_1039, %sub3A_1041 : vector<16xi32>
    %mul3A_1043 = arith.muli %convert_element_type3A_1006, %sub3A_1042 : vector<16xi32>
    %add3A_1044 = arith.addi %add3A_1036, %mul3A_1043 : vector<16xi32>
    %cumsum3A_1045 = arith.constant true
    %cumsum3A_1046 = vector.broadcast %cumsum3A_1045 : i1 to vector<16xi1>
    %cumsum3A_1047 = tpu.scan <sum>, %convert_element_type3A_1010 masked %cumsum3A_1046 : vector<16xi32>, vector<16xi1> -> vector<16xi32>
    %sub3A_1048 = arith.constant 1 : i32
    %sub3A_1049 = vector.broadcast %sub3A_1048 : i32 to vector<16xi32>
    %sub3A_1050 = arith.subi %cumsum3A_1047, %sub3A_1049 : vector<16xi32>
    %mul3A_1051 = arith.muli %convert_element_type3A_1010, %sub3A_1050 : vector<16xi32>
    %add3A_1052 = arith.addi %add3A_1044, %mul3A_1051 : vector<16xi32>
    %add3A_1053 = arith.addi %add3A_1021, %add3A_1052 : vector<16xi32>
    %swap3A_1054 = arith.constant 32 : index
    %swap3A_1055 = tpu.vector_load %arg10[%swap3A_1054] {strides = array<i32>} : memref<64xi32, #tpu.memory_space<vmem>>, vector<16xi32>,
    tpu.vector_store %arg10[%swap3A_1054], %add3A_1053 {strides = array<i32>} : memref<64xi32, #tpu.memory_space<vmem>>, vector<16xi32>,
    %reduce_sum3A_1056 = arith.constant true
    %reduce_sum3A_1057 = vector.broadcast %reduce_sum3A_1056 : i1 to vector<16xi1>
    %reduce_sum3A_1058 = tpu.scan <sum>, %convert_element_type3A_998 masked %reduce_sum3A_1057 : vector<16xi32>, vector<16xi1> -> vector<16xi32>
    %reduce_sum3A_1059 = vector.extract %reduce_sum3A_1058[15] : i32 from vector<16xi32>
    %add3A_1060 = arith.addi %add3A_977, %reduce_sum3A_1059 : i32
    %reduce_sum3A_1061 = arith.constant true
    %reduce_sum3A_1062 = vector.broadcast %reduce_sum3A_1061 : i1 to vector<16xi1>
    %reduce_sum3A_1063 = tpu.scan <sum>, %convert_element_type3A_1002 masked %reduce_sum3A_1062 : vector<16xi32>, vector<16xi1> -> vector<16xi32>
    %reduce_sum3A_1064 = vector.extract %reduce_sum3A_1063[15] : i32 from vector<16xi32>
    %add3A_1065 = arith.addi %add3A_982, %reduce_sum3A_1064 : i32
    %reduce_sum3A_1066 = arith.constant true
    %reduce_sum3A_1067 = vector.broadcast %reduce_sum3A_1066 : i1 to vector<16xi1>
    %reduce_sum3A_1068 = tpu.scan <sum>, %convert_element_type3A_1006 masked %reduce_sum3A_1067 : vector<16xi32>, vector<16xi1> -> vector<16xi32>
    %reduce_sum3A_1069 = vector.extract %reduce_sum3A_1068[15] : i32 from vector<16xi32>
    %add3A_1070 = arith.addi %add3A_987, %reduce_sum3A_1069 : i32
    %reduce_sum3A_1071 = arith.constant true
    %reduce_sum3A_1072 = vector.broadcast %reduce_sum3A_1071 : i1 to vector<16xi1>
    %reduce_sum3A_1073 = tpu.scan <sum>, %convert_element_type3A_1010 masked %reduce_sum3A_1072 : vector<16xi32>, vector<16xi1> -> vector<16xi32>
    %reduce_sum3A_1074 = vector.extract %reduce_sum3A_1073[15] : i32 from vector<16xi32>
    %add3A_1075 = arith.addi %add3A_992, %reduce_sum3A_1074 : i32
    %get3A_1076 = arith.constant 48 : index
    %get3A_1077 = tpu.vector_load %arg7[%get3A_1076] {strides = array<i32>} : memref<128xi32, #tpu.memory_space<vmem>>, vector<16xi32>,
    %eq3A_1078 = arith.constant 0 : i32
    %eq3A_1079 = vector.broadcast %eq3A_1078 : i32 to vector<16xi32>
    %eq3A_1080 = arith.cmpi eq, %get3A_1077, %eq3A_1079 : vector<16xi32>
    %convert_element_type3A_1081 = arith.extui %eq3A_1080 : vector<16xi1> to vector<16xi32>
    %eq3A_1082 = arith.constant 1 : i32
    %eq3A_1083 = vector.broadcast %eq3A_1082 : i32 to vector<16xi32>
    %eq3A_1084 = arith.cmpi eq, %get3A_1077, %eq3A_1083 : vector<16xi32>
    %convert_element_type3A_1085 = arith.extui %eq3A_1084 : vector<16xi1> to vector<16xi32>
    %eq3A_1086 = arith.constant 2 : i32
    %eq3A_1087 = vector.broadcast %eq3A_1086 : i32 to vector<16xi32>
    %eq3A_1088 = arith.cmpi eq, %get3A_1077, %eq3A_1087 : vector<16xi32>
    %convert_element_type3A_1089 = arith.extui %eq3A_1088 : vector<16xi1> to vector<16xi32>
    %eq3A_1090 = arith.constant 3 : i32
    %eq3A_1091 = vector.broadcast %eq3A_1090 : i32 to vector<16xi32>
    %eq3A_1092 = arith.cmpi eq, %get3A_1077, %eq3A_1091 : vector<16xi32>
    %convert_element_type3A_1093 = arith.extui %eq3A_1092 : vector<16xi1> to vector<16xi32>
    %mul3A_1094 = vector.broadcast %add3A_1060 : i32 to vector<16xi32>
    %mul3A_1095 = arith.muli %convert_element_type3A_1081, %mul3A_1094 : vector<16xi32>
    %mul3A_1096 = vector.broadcast %add3A_1065 : i32 to vector<16xi32>
    %mul3A_1097 = arith.muli %convert_element_type3A_1085, %mul3A_1096 : vector<16xi32>
    %add3A_1098 = arith.addi %mul3A_1095, %mul3A_1097 : vector<16xi32>
    %mul3A_1099 = vector.broadcast %add3A_1070 : i32 to vector<16xi32>
    %mul3A_1100 = arith.muli %convert_element_type3A_1089, %mul3A_1099 : vector<16xi32>
    %add3A_1101 = arith.addi %add3A_1098, %mul3A_1100 : vector<16xi32>
    %mul3A_1102 = vector.broadcast %add3A_1075 : i32 to vector<16xi32>
    %mul3A_1103 = arith.muli %convert_element_type3A_1093, %mul3A_1102 : vector<16xi32>
    %add3A_1104 = arith.addi %add3A_1101, %mul3A_1103 : vector<16xi32>
    %cumsum3A_1105 = arith.constant true
    %cumsum3A_1106 = vector.broadcast %cumsum3A_1105 : i1 to vector<16xi1>
    %cumsum3A_1107 = tpu.scan <sum>, %convert_element_type3A_1081 masked %cumsum3A_1106 : vector<16xi32>, vector<16xi1> -> vector<16xi32>
    %sub3A_1108 = arith.constant 1 : i32
    %sub3A_1109 = vector.broadcast %sub3A_1108 : i32 to vector<16xi32>
    %sub3A_1110 = arith.subi %cumsum3A_1107, %sub3A_1109 : vector<16xi32>
    %mul3A_1111 = arith.muli %convert_element_type3A_1081, %sub3A_1110 : vector<16xi32>
    %cumsum3A_1112 = arith.constant true
    %cumsum3A_1113 = vector.broadcast %cumsum3A_1112 : i1 to vector<16xi1>
    %cumsum3A_1114 = tpu.scan <sum>, %convert_element_type3A_1085 masked %cumsum3A_1113 : vector<16xi32>, vector<16xi1> -> vector<16xi32>
    %sub3A_1115 = arith.constant 1 : i32
    %sub3A_1116 = vector.broadcast %sub3A_1115 : i32 to vector<16xi32>
    %sub3A_1117 = arith.subi %cumsum3A_1114, %sub3A_1116 : vector<16xi32>
    %mul3A_1118 = arith.muli %convert_element_type3A_1085, %sub3A_1117 : vector<16xi32>
    %add3A_1119 = arith.addi %mul3A_1111, %mul3A_1118 : vector<16xi32>
    %cumsum3A_1120 = arith.constant true
    %cumsum3A_1121 = vector.broadcast %cumsum3A_1120 : i1 to vector<16xi1>
    %cumsum3A_1122 = tpu.scan <sum>, %convert_element_type3A_1089 masked %cumsum3A_1121 : vector<16xi32>, vector<16xi1> -> vector<16xi32>
    %sub3A_1123 = arith.constant 1 : i32
    %sub3A_1124 = vector.broadcast %sub3A_1123 : i32 to vector<16xi32>
    %sub3A_1125 = arith.subi %cumsum3A_1122, %sub3A_1124 : vector<16xi32>
    %mul3A_1126 = arith.muli %convert_element_type3A_1089, %sub3A_1125 : vector<16xi32>
    %add3A_1127 = arith.addi %add3A_1119, %mul3A_1126 : vector<16xi32>
    %cumsum3A_1128 = arith.constant true
    %cumsum3A_1129 = vector.broadcast %cumsum3A_1128 : i1 to vector<16xi1>
    %cumsum3A_1130 = tpu.scan <sum>, %convert_element_type3A_1093 masked %cumsum3A_1129 : vector<16xi32>, vector<16xi1> -> vector<16xi32>
    %sub3A_1131 = arith.constant 1 : i32
    %sub3A_1132 = vector.broadcast %sub3A_1131 : i32 to vector<16xi32>
    %sub3A_1133 = arith.subi %cumsum3A_1130, %sub3A_1132 : vector<16xi32>
    %mul3A_1134 = arith.muli %convert_element_type3A_1093, %sub3A_1133 : vector<16xi32>
    %add3A_1135 = arith.addi %add3A_1127, %mul3A_1134 : vector<16xi32>
    %add3A_1136 = arith.addi %add3A_1104, %add3A_1135 : vector<16xi32>
    %swap3A_1137 = arith.constant 48 : index
    %swap3A_1138 = tpu.vector_load %arg10[%swap3A_1137] {strides = array<i32>} : memref<64xi32, #tpu.memory_space<vmem>>, vector<16xi32>,
    tpu.vector_store %arg10[%swap3A_1137], %add3A_1136 {strides = array<i32>} : memref<64xi32, #tpu.memory_space<vmem>>, vector<16xi32>,
    %reduce_sum3A_1139 = arith.constant true
    %reduce_sum3A_1140 = vector.broadcast %reduce_sum3A_1139 : i1 to vector<16xi1>
    %reduce_sum3A_1141 = tpu.scan <sum>, %convert_element_type3A_1081 masked %reduce_sum3A_1140 : vector<16xi32>, vector<16xi1> -> vector<16xi32>
    %reduce_sum3A_1142 = vector.extract %reduce_sum3A_1141[15] : i32 from vector<16xi32>
    %add3A_1143 = arith.addi %add3A_1060, %reduce_sum3A_1142 : i32
    %reduce_sum3A_1144 = arith.constant true
    %reduce_sum3A_1145 = vector.broadcast %reduce_sum3A_1144 : i1 to vector<16xi1>
    %reduce_sum3A_1146 = tpu.scan <sum>, %convert_element_type3A_1085 masked %reduce_sum3A_1145 : vector<16xi32>, vector<16xi1> -> vector<16xi32>
    %reduce_sum3A_1147 = vector.extract %reduce_sum3A_1146[15] : i32 from vector<16xi32>
    %add3A_1148 = arith.addi %add3A_1065, %reduce_sum3A_1147 : i32
    %reduce_sum3A_1149 = arith.constant true
    %reduce_sum3A_1150 = vector.broadcast %reduce_sum3A_1149 : i1 to vector<16xi1>
    %reduce_sum3A_1151 = tpu.scan <sum>, %convert_element_type3A_1089 masked %reduce_sum3A_1150 : vector<16xi32>, vector<16xi1> -> vector<16xi32>
    %reduce_sum3A_1152 = vector.extract %reduce_sum3A_1151[15] : i32 from vector<16xi32>
    %add3A_1153 = arith.addi %add3A_1070, %reduce_sum3A_1152 : i32
    %reduce_sum3A_1154 = arith.constant true
    %reduce_sum3A_1155 = vector.broadcast %reduce_sum3A_1154 : i1 to vector<16xi1>
    %reduce_sum3A_1156 = tpu.scan <sum>, %convert_element_type3A_1093 masked %reduce_sum3A_1155 : vector<16xi32>, vector<16xi1> -> vector<16xi32>
    %reduce_sum3A_1157 = vector.extract %reduce_sum3A_1156[15] : i32 from vector<16xi32>
    %add3A_1158 = arith.addi %add3A_1075, %reduce_sum3A_1157 : i32
    %mul3A_1159 = arith.constant 64 : i32
    %mul3A_1160 = arith.muli %add3A, %mul3A_1159 : i32
    "tpu.region"() ({
      %run_scoped3A = tpu.sem_alloc : memref<!tpu.dma_semaphore, #tpu.memory_space<semaphore_mem>>
      %dma_start3A_1167 = tpu.memref_slice %arg5[%mul3A_1160] : memref<2048xi32, #tpu.memory_space<hbm>> -> memref<64xi32, #tpu.memory_space<hbm>>
      %dma_start3A_1168 = tpu.memref_slice %arg5[%mul3A_1160] : memref<2048xi32, #tpu.memory_space<hbm>> -> memref<64xi32, #tpu.memory_space<hbm>>
      tpu.enqueue_dma source(%arg10 : memref<64xi32, #tpu.memory_space<vmem>>) target(%dma_start3A_1168 : memref<64xi32, #tpu.memory_space<hbm>>) target_semaphore(%run_scoped3A : memref<!tpu.dma_semaphore, #tpu.memory_space<semaphore_mem>>)
      %dma_wait3A_1169 = tpu.memref_slice %arg5[%mul3A_1160] : memref<2048xi32, #tpu.memory_space<hbm>> -> memref<64xi32, #tpu.memory_space<hbm>>
      %dma_wait3A_1170 = tpu.memref_slice %arg5[%mul3A_1160] : memref<2048xi32, #tpu.memory_space<hbm>> -> memref<64xi32, #tpu.memory_space<hbm>>
      tpu.wait_dma2 semaphore(%run_scoped3A : memref<!tpu.dma_semaphore, #tpu.memory_space<semaphore_mem>>) src(%arg10 : memref<64xi32, #tpu.memory_space<vmem>>) dst(%dma_wait3A_1170 : memref<64xi32, #tpu.memory_space<hbm>>)
      tpu.yield
    }) : () -> ()
    %mul3A_1161 = arith.constant 64 : i32
    %mul3A_1162 = arith.muli %add3A, %mul3A_1161 : i32
    "tpu.region"() ({
      %run_scoped3A = tpu.sem_alloc : memref<!tpu.dma_semaphore, #tpu.memory_space<semaphore_mem>>
      %dma_start3A_1167 = arith.constant 0 : i32
      %dma_start3A_1168 = tpu.memref_slice %arg3[%mul3A_1162, %dma_start3A_1167] : memref<2048x768xf32, #tpu.memory_space<hbm>> -> memref<64x768xf32, #tpu.memory_space<hbm>>
      %dma_start3A_1169 = arith.constant 0 : i32
      %dma_start3A_1170 = tpu.memref_slice %arg3[%mul3A_1162, %dma_start3A_1169] : memref<2048x768xf32, #tpu.memory_space<hbm>> -> memref<64x768xf32, #tpu.memory_space<hbm>>
      tpu.enqueue_dma source(%dma_start3A_1170 : memref<64x768xf32, #tpu.memory_space<hbm>>) target(%arg12 : memref<64x768xf32, #tpu.memory_space<vmem>>) target_semaphore(%run_scoped3A : memref<!tpu.dma_semaphore, #tpu.memory_space<semaphore_mem>>)
      %dma_wait3A_1171 = arith.constant 0 : i32
      %dma_wait3A_1172 = tpu.memref_slice %arg3[%mul3A_1162, %dma_wait3A_1171] : memref<2048x768xf32, #tpu.memory_space<hbm>> -> memref<64x768xf32, #tpu.memory_space<hbm>>
      %dma_wait3A_1173 = arith.constant 0 : i32
      %dma_wait3A_1174 = tpu.memref_slice %arg3[%mul3A_1162, %dma_wait3A_1173] : memref<2048x768xf32, #tpu.memory_space<hbm>> -> memref<64x768xf32, #tpu.memory_space<hbm>>
      tpu.wait_dma2 semaphore(%run_scoped3A : memref<!tpu.dma_semaphore, #tpu.memory_space<semaphore_mem>>) src(%dma_wait3A_1174 : memref<64x768xf32, #tpu.memory_space<hbm>>) dst(%arg12 : memref<64x768xf32, #tpu.memory_space<vmem>>)
      tpu.yield
    }) : () -> ()
    %dma_start3A = arith.constant 0 : i32
    %dma_start3A_1163 = arith.constant 0 : i32
    %dma_start3A_1164 = tpu.memref_slice %arg4[%dma_start3A, %dma_start3A_1163] : memref<4096x768xf32, #tpu.memory_space<hbm>> -> memref<4096x768xf32, #tpu.memory_space<hbm>>
    tpu.enqueue_indirect_dma source(%arg12 : memref<64x768xf32, #tpu.memory_space<vmem>>) target(%dma_start3A_1164 : memref<4096x768xf32, #tpu.memory_space<hbm>>) offsets(%arg10 : memref<64xi32, #tpu.memory_space<vmem>>) semaphore(%arg14 : memref<!tpu.dma_semaphore, #tpu.memory_space<semaphore_mem>>)
    %dma_wait3A = arith.constant 0 : i32
    %dma_wait3A_1165 = arith.constant 0 : i32
    %dma_wait3A_1166 = tpu.memref_slice %arg4[%dma_wait3A, %dma_wait3A_1165] : memref<4096x768xf32, #tpu.memory_space<hbm>> -> memref<4096x768xf32, #tpu.memory_space<hbm>>
    tpu.wait_indirect_dma semaphore(%arg14 : memref<!tpu.dma_semaphore, #tpu.memory_space<semaphore_mem>>) src(%arg12 : memref<64x768xf32, #tpu.memory_space<vmem>>) dst(%dma_wait3A_1166 : memref<4096x768xf32, #tpu.memory_space<hbm>>)
    return
  }
}

module attributes {stable_mosaic.version = 14 : i64} {
  func.func @_moe_body(%arg0: i32, %arg1: i32, %arg2: memref<32xi32, #tpu.memory_space<smem>>, %arg3: memref<512x768xf32, #tpu.memory_space<vmem>>, %arg4: memref<1x2x768xf32, #tpu.memory_space<vmem>>, %arg5: memref<1x2x768x1024xf32, #tpu.memory_space<vmem>>, %arg6: memref<1x2x1024xf32, #tpu.memory_space<vmem>>, %arg7: memref<1x2x1024x768xf32, #tpu.memory_space<vmem>>, %arg8: memref<1x2x768xf32, #tpu.memory_space<vmem>>, %arg9: memref<768x1024xbf16, #tpu.memory_space<vmem>>, %arg10: memref<1x1024xf32, #tpu.memory_space<vmem>>, %arg11: memref<1024x768xbf16, #tpu.memory_space<vmem>>, %arg12: memref<1x768xf32, #tpu.memory_space<vmem>>, %arg13: memref<1xf32, #tpu.memory_space<smem>>, %arg14: memref<512x768xf32, #tpu.memory_space<vmem>>, %arg15: memref<8x512x768xf32, #tpu.memory_space<vmem>>) attributes {dimension_semantics = [#tpu.dimension_semantics<arbitrary>, #tpu.dimension_semantics<arbitrary>], iteration_bounds = array<i64: 3, 8>, scalar_prefetch = 1 : i64, scratch_operands = 1 : i64, tpu.core_type = #tpu.core_type<tc>, window_params = [{transform_indices = @transform_0, window_bounds = array<i64: 512, 768>}, {transform_indices = @transform_1, window_bounds = array<i64: 1, 2, 768>}, {transform_indices = @transform_2, window_bounds = array<i64: 1, 2, 768, 1024>}, {transform_indices = @transform_3, window_bounds = array<i64: 1, 2, 1024>}, {transform_indices = @transform_4, window_bounds = array<i64: 1, 2, 1024, 768>}, {transform_indices = @transform_5, window_bounds = array<i64: 1, 2, 768>}, {transform_indices = @transform_6, window_bounds = array<i64: 768, 1024>}, {transform_indices = @transform_7, window_bounds = array<i64: 1, 1024>}, {transform_indices = @transform_8, window_bounds = array<i64: 1024, 768>}, {pipeline_mode = #tpu.pipeline_mode<synchronous>, transform_indices = @transform_9, window_bounds = array<i64: 1, 768>}, {transform_indices = @transform_10, window_bounds = array<i64: 1>}, {transform_indices = @transform_11, window_bounds = array<i64: 512, 768>}]} {
    %get3A = arith.constant 31 : index
    %get3A_0 = memref.load %arg2[%get3A] : memref<32xi32, #tpu.memory_space<smem>>
    %lt3A = arith.cmpi slt, %arg1, %get3A_0 : i32
    %convert_element_type3A = arith.extui %lt3A : i1 to i32
    %cond3A = arith.constant 0 : i32
    %cond3A_1 = arith.cmpi ne, %convert_element_type3A, %cond3A : i32
    scf.if %cond3A_1 {
      %get3A_2 = arith.constant 0 : index
      %get3A_3 = arith.constant 0 : index
      %get3A_4 = vector.load %arg3[%get3A_2, %get3A_3] : memref<512x768xf32, #tpu.memory_space<vmem>>, vector<512x768xf32>
      %convert_element_type3A_5 = arith.truncf %get3A_4 : vector<512x768xf32> to vector<512x768xbf16>
      %get3A_6 = arith.constant 0 : index
      %get3A_7 = arith.constant 0 : index
      %get3A_8 = arith.constant 0 : index
      %get3A_9 = vector.load %arg4[%get3A_6, %get3A_7, %get3A_8] : memref<1x2x768xf32, #tpu.memory_space<vmem>>, vector<1x2x768xf32>
      %get3A_10 = vector.shape_cast %get3A_9 : vector<1x2x768xf32> to vector<2x768xf32>
      %mul3A = arith.mulf %get3A_10, %get3A_10 : vector<2x768xf32>
      %reduce_sum3A = arith.constant dense<0.000000e+00> : vector<2xf32>
      %reduce_sum3A_11 = vector.multi_reduction <add>, %mul3A, %reduce_sum3A [1] : vector<2x768xf32> to vector<2xf32>
      %broadcast_in_dim3A = vector.shape_cast %reduce_sum3A_11 : vector<2xf32> to vector<2x1xf32>
      %sqrt3A = math.sqrt %broadcast_in_dim3A : vector<2x1xf32>
      %max3A = arith.constant 9.99999996E-13 : f32
      %max3A_12 = vector.broadcast %max3A : f32 to vector<2x1xf32>
      %max3A_13 = arith.maximumf %sqrt3A, %max3A_12 : vector<2x1xf32>
      %div3A = vector.broadcast %max3A_13 : vector<2x1xf32> to vector<2x768xf32>
      %div3A_14 = arith.divf %get3A_10, %div3A : vector<2x768xf32>
      %slice3A = vector.extract_strided_slice %div3A_14 {offsets = [1, 0], sizes = [1, 768], strides = [1, 1]} : vector<2x768xf32> to vector<1x768xf32>
      %slice3A_15 = vector.extract_strided_slice %div3A_14 {offsets = [0, 0], sizes = [1, 768], strides = [1, 1]} : vector<2x768xf32> to vector<1x768xf32>
      %sub3A = arith.subf %slice3A, %slice3A_15 : vector<1x768xf32>
      %mul3A_16 = arith.mulf %get3A_4, %get3A_4 : vector<512x768xf32>
      %reduce_sum3A_17 = arith.constant dense<0.000000e+00> : vector<512xf32>
      %reduce_sum3A_18 = vector.multi_reduction <add>, %mul3A_16, %reduce_sum3A_17 [1] : vector<512x768xf32> to vector<512xf32>
      %broadcast_in_dim3A_19 = vector.shape_cast %reduce_sum3A_18 : vector<512xf32> to vector<512x1xf32>
      %sqrt3A_20 = math.sqrt %broadcast_in_dim3A_19 : vector<512x1xf32>
      %max3A_21 = arith.constant 9.99999996E-13 : f32
      %max3A_22 = vector.broadcast %max3A_21 : f32 to vector<512x1xf32>
      %max3A_23 = arith.maximumf %sqrt3A_20, %max3A_22 : vector<512x1xf32>
      %dot_general3A = arith.constant dense<0.000000e+00> : vector<512x1xf32>
      %dot_general3A_24 = tpu.matmul %get3A_4, %sub3A, %dot_general3A {dimension_numbers = #tpu.dot_dimension_numbers<[1], [1], [0], [0], [0, 0, 1, 0], [], []>, transpose_lhs_hint = false} : vector<512x768xf32>, vector<1x768xf32>, vector<512x1xf32> -> vector<512x1xf32>
      %div3A_25 = arith.divf %dot_general3A_24, %max3A_23 : vector<512x1xf32>
      %div3A_26 = arith.constant 1.000000e+00 : f32
      %div3A_27 = vector.broadcast %div3A_26 : f32 to vector<512x1xf32>
      %div3A_28 = arith.divf %div3A_25, %div3A_27 : vector<512x1xf32>
      %logistic3A = arith.negf %div3A_28 : vector<512x1xf32>
      %logistic3A_29 = math.exp %logistic3A : vector<512x1xf32>
      %logistic3A_30 = arith.constant 1.000000e+00 : f32
      %logistic3A_31 = vector.broadcast %logistic3A_30 : f32 to vector<512x1xf32>
      %logistic3A_32 = arith.addf %logistic3A_31, %logistic3A_29 : vector<512x1xf32>
      %logistic3A_33 = arith.divf %logistic3A_31, %logistic3A_32 : vector<512x1xf32>
      %get3A_34 = arith.constant 0 : index
      %get3A_35 = memref.load %arg13[%get3A_34] : memref<1xf32, #tpu.memory_space<smem>>
      %logistic3A_36 = arith.negf %get3A_35 : f32
      %logistic3A_37 = math.exp %logistic3A_36 : f32
      %logistic3A_38 = arith.constant 1.000000e+00 : f32
      %logistic3A_39 = arith.addf %logistic3A_38, %logistic3A_37 : f32
      %logistic3A_40 = arith.divf %logistic3A_38, %logistic3A_39 : f32
      %get3A_41 = arith.constant 0 : index
      %get3A_42 = arith.constant 0 : index
      %get3A_43 = arith.constant 0 : index
      %get3A_44 = arith.constant 0 : index
      %get3A_45 = vector.load %arg5[%get3A_41, %get3A_42, %get3A_43, %get3A_44] : memref<1x2x768x1024xf32, #tpu.memory_space<vmem>>, vector<1x2x768x1024xf32>
      %get3A_46 = vector.shape_cast %get3A_45 : vector<1x2x768x1024xf32> to vector<2x768x1024xf32>
      %convert_element_type3A_47 = arith.truncf %get3A_46 : vector<2x768x1024xf32> to vector<2x768x1024xbf16>
      %get3A_48 = arith.constant 0 : index
      %get3A_49 = arith.constant 0 : index
      %get3A_50 = arith.constant 0 : index
      %get3A_51 = arith.constant 0 : index
      %get3A_52 = vector.load %arg7[%get3A_48, %get3A_49, %get3A_50, %get3A_51] : memref<1x2x1024x768xf32, #tpu.memory_space<vmem>>, vector<1x2x1024x768xf32>
      %get3A_53 = vector.shape_cast %get3A_52 : vector<1x2x1024x768xf32> to vector<2x1024x768xf32>
      %convert_element_type3A_54 = arith.truncf %get3A_53 : vector<2x1024x768xf32> to vector<2x1024x768xbf16>
      %slice3A_55 = vector.extract_strided_slice %convert_element_type3A_47 {offsets = [0, 0, 0], sizes = [1, 768, 1024], strides = [1, 1, 1]} : vector<2x768x1024xbf16> to vector<1x768x1024xbf16>
      %squeeze3A = vector.shape_cast %slice3A_55 : vector<1x768x1024xbf16> to vector<768x1024xbf16>
      %dot_general3A_56 = arith.constant dense<0.000000e+00> : vector<512x1024xf32>
      %dot_general3A_57 = tpu.matmul %convert_element_type3A_5, %squeeze3A, %dot_general3A_56 {dimension_numbers = #tpu.dot_dimension_numbers<[1], [0], [0], [1], [0, 0, 1, 1], [], []>, transpose_lhs_hint = false} : vector<512x768xbf16>, vector<768x1024xbf16>, vector<512x1024xf32> -> vector<512x1024xf32>
      %get3A_58 = arith.constant 0 : index
      %get3A_59 = arith.constant 0 : index
      %get3A_60 = arith.constant 0 : index
      %get3A_61 = vector.load %arg6[%get3A_58, %get3A_59, %get3A_60] : memref<1x2x1024xf32, #tpu.memory_space<vmem>>, vector<1x1x1024xf32>
      %get3A_62 = vector.shape_cast %get3A_61 : vector<1x1x1024xf32> to vector<1024xf32>
      %broadcast_in_dim3A_63 = vector.shape_cast %get3A_62 : vector<1024xf32> to vector<1x1024xf32>
      %add3A = vector.broadcast %broadcast_in_dim3A_63 : vector<1x1024xf32> to vector<512x1024xf32>
      %add3A_64 = arith.addf %dot_general3A_57, %add3A : vector<512x1024xf32>
      %max3A_65 = arith.constant 0.000000e+00 : f32
      %max3A_66 = vector.broadcast %max3A_65 : f32 to vector<512x1024xf32>
      %max3A_67 = arith.maximumf %add3A_64, %max3A_66 : vector<512x1024xf32>
      %convert_element_type3A_68 = arith.truncf %max3A_67 : vector<512x1024xf32> to vector<512x1024xbf16>
      %slice3A_69 = vector.extract_strided_slice %convert_element_type3A_47 {offsets = [1, 0, 0], sizes = [1, 768, 1024], strides = [1, 1, 1]} : vector<2x768x1024xbf16> to vector<1x768x1024xbf16>
      %squeeze3A_70 = vector.shape_cast %slice3A_69 : vector<1x768x1024xbf16> to vector<768x1024xbf16>
      %dot_general3A_71 = arith.constant dense<0.000000e+00> : vector<512x1024xf32>
      %dot_general3A_72 = tpu.matmul %convert_element_type3A_5, %squeeze3A_70, %dot_general3A_71 {dimension_numbers = #tpu.dot_dimension_numbers<[1], [0], [0], [1], [0, 0, 1, 1], [], []>, transpose_lhs_hint = false} : vector<512x768xbf16>, vector<768x1024xbf16>, vector<512x1024xf32> -> vector<512x1024xf32>
      %get3A_73 = arith.constant 0 : index
      %get3A_74 = arith.constant 1 : index
      %get3A_75 = arith.constant 0 : index
      %get3A_76 = vector.load %arg6[%get3A_73, %get3A_74, %get3A_75] : memref<1x2x1024xf32, #tpu.memory_space<vmem>>, vector<1x1x1024xf32>
      %get3A_77 = vector.shape_cast %get3A_76 : vector<1x1x1024xf32> to vector<1024xf32>
      %broadcast_in_dim3A_78 = vector.shape_cast %get3A_77 : vector<1024xf32> to vector<1x1024xf32>
      %add3A_79 = vector.broadcast %broadcast_in_dim3A_78 : vector<1x1024xf32> to vector<512x1024xf32>
      %add3A_80 = arith.addf %dot_general3A_72, %add3A_79 : vector<512x1024xf32>
      %max3A_81 = arith.constant 0.000000e+00 : f32
      %max3A_82 = vector.broadcast %max3A_81 : f32 to vector<512x1024xf32>
      %max3A_83 = arith.maximumf %add3A_80, %max3A_82 : vector<512x1024xf32>
      %convert_element_type3A_84 = arith.truncf %max3A_83 : vector<512x1024xf32> to vector<512x1024xbf16>
      %slice3A_85 = vector.extract_strided_slice %convert_element_type3A_54 {offsets = [0, 0, 0], sizes = [1, 1024, 768], strides = [1, 1, 1]} : vector<2x1024x768xbf16> to vector<1x1024x768xbf16>
      %squeeze3A_86 = vector.shape_cast %slice3A_85 : vector<1x1024x768xbf16> to vector<1024x768xbf16>
      %dot_general3A_87 = arith.constant dense<0.000000e+00> : vector<512x768xf32>
      %dot_general3A_88 = tpu.matmul %convert_element_type3A_68, %squeeze3A_86, %dot_general3A_87 {dimension_numbers = #tpu.dot_dimension_numbers<[1], [0], [0], [1], [0, 0, 1, 1], [], []>, transpose_lhs_hint = false} : vector<512x1024xbf16>, vector<1024x768xbf16>, vector<512x768xf32> -> vector<512x768xf32>
      %slice3A_89 = vector.extract_strided_slice %convert_element_type3A_54 {offsets = [1, 0, 0], sizes = [1, 1024, 768], strides = [1, 1, 1]} : vector<2x1024x768xbf16> to vector<1x1024x768xbf16>
      %squeeze3A_90 = vector.shape_cast %slice3A_89 : vector<1x1024x768xbf16> to vector<1024x768xbf16>
      %dot_general3A_91 = arith.constant dense<0.000000e+00> : vector<512x768xf32>
      %dot_general3A_92 = tpu.matmul %convert_element_type3A_84, %squeeze3A_90, %dot_general3A_91 {dimension_numbers = #tpu.dot_dimension_numbers<[1], [0], [0], [1], [0, 0, 1, 1], [], []>, transpose_lhs_hint = false} : vector<512x1024xbf16>, vector<1024x768xbf16>, vector<512x768xf32> -> vector<512x768xf32>
      %get3A_93 = arith.constant 0 : index
      %get3A_94 = arith.constant 0 : index
      %get3A_95 = vector.load %arg9[%get3A_93, %get3A_94] : memref<768x1024xbf16, #tpu.memory_space<vmem>>, vector<768x1024xbf16>
      %dot_general3A_96 = arith.constant dense<0.000000e+00> : vector<512x1024xf32>
      %dot_general3A_97 = tpu.matmul %convert_element_type3A_5, %get3A_95, %dot_general3A_96 {dimension_numbers = #tpu.dot_dimension_numbers<[1], [0], [0], [1], [0, 0, 1, 1], [], []>, transpose_lhs_hint = false} : vector<512x768xbf16>, vector<768x1024xbf16>, vector<512x1024xf32> -> vector<512x1024xf32>
      %get3A_98 = arith.constant 0 : index
      %get3A_99 = arith.constant 0 : index
      %get3A_100 = vector.load %arg10[%get3A_98, %get3A_99] : memref<1x1024xf32, #tpu.memory_space<vmem>>, vector<1x1024xf32>
      %add3A_101 = vector.broadcast %get3A_100 : vector<1x1024xf32> to vector<512x1024xf32>
      %add3A_102 = arith.addf %dot_general3A_97, %add3A_101 : vector<512x1024xf32>
      %max3A_103 = arith.constant 0.000000e+00 : f32
      %max3A_104 = vector.broadcast %max3A_103 : f32 to vector<512x1024xf32>
      %max3A_105 = arith.maximumf %add3A_102, %max3A_104 : vector<512x1024xf32>
      %convert_element_type3A_106 = arith.truncf %max3A_105 : vector<512x1024xf32> to vector<512x1024xbf16>
      %get3A_107 = arith.constant 0 : index
      %get3A_108 = arith.constant 0 : index
      %get3A_109 = vector.load %arg11[%get3A_107, %get3A_108] : memref<1024x768xbf16, #tpu.memory_space<vmem>>, vector<1024x768xbf16>
      %dot_general3A_110 = arith.constant dense<0.000000e+00> : vector<512x768xf32>
      %dot_general3A_111 = tpu.matmul %convert_element_type3A_106, %get3A_109, %dot_general3A_110 {dimension_numbers = #tpu.dot_dimension_numbers<[1], [0], [0], [1], [0, 0, 1, 1], [], []>, transpose_lhs_hint = false} : vector<512x1024xbf16>, vector<1024x768xbf16>, vector<512x768xf32> -> vector<512x768xf32>
      %sub3A_112 = arith.constant 1.000000e+00 : f32
      %sub3A_113 = vector.broadcast %sub3A_112 : f32 to vector<512x1xf32>
      %sub3A_114 = arith.subf %sub3A_113, %logistic3A_33 : vector<512x1xf32>
      %mul3A_115 = vector.broadcast %sub3A_114 : vector<512x1xf32> to vector<512x768xf32>
      %mul3A_116 = arith.mulf %mul3A_115, %dot_general3A_88 : vector<512x768xf32>
      %mul3A_117 = vector.broadcast %logistic3A_33 : vector<512x1xf32> to vector<512x768xf32>
      %mul3A_118 = arith.mulf %mul3A_117, %dot_general3A_92 : vector<512x768xf32>
      %add3A_119 = arith.addf %mul3A_116, %mul3A_118 : vector<512x768xf32>
      %mul3A_120 = vector.broadcast %logistic3A_40 : f32 to vector<512x768xf32>
      %mul3A_121 = arith.mulf %mul3A_120, %add3A_119 : vector<512x768xf32>
      %add3A_122 = arith.addf %dot_general3A_111, %mul3A_121 : vector<512x768xf32>
      %eq3A = arith.constant 0 : i32
      %eq3A_123 = arith.cmpi eq, %arg0, %eq3A : i32
      %convert_element_type3A_124 = arith.extui %eq3A_123 : i1 to i32
      %cond3A_125 = arith.constant 0 : i32
      %cond3A_126 = arith.cmpi ne, %convert_element_type3A_124, %cond3A_125 : i32
      scf.if %cond3A_126 {
        %get3A_131 = arith.constant 0 : index
        %get3A_132 = arith.constant 0 : index
        %get3A_133 = vector.load %arg12[%get3A_131, %get3A_132] : memref<1x768xf32, #tpu.memory_space<vmem>>, vector<1x768xf32>
        %add3A_134 = vector.broadcast %get3A_133 : vector<1x768xf32> to vector<512x768xf32>
        %add3A_135 = arith.addf %add3A_122, %add3A_134 : vector<512x768xf32>
        %sub3A_136 = arith.constant 1.000000e+00 : f32
        %sub3A_137 = vector.broadcast %sub3A_136 : f32 to vector<512x1xf32>
        %sub3A_138 = arith.subf %sub3A_137, %logistic3A_33 : vector<512x1xf32>
        %get3A_139 = arith.constant 0 : index
        %get3A_140 = arith.constant 0 : index
        %get3A_141 = arith.constant 0 : index
        %get3A_142 = vector.load %arg8[%get3A_139, %get3A_140, %get3A_141] : memref<1x2x768xf32, #tpu.memory_space<vmem>>, vector<1x1x768xf32>
        %get3A_143 = vector.shape_cast %get3A_142 : vector<1x1x768xf32> to vector<768xf32>
        %broadcast_in_dim3A_144 = vector.shape_cast %get3A_143 : vector<768xf32> to vector<1x768xf32>
        %mul3A_145 = vector.broadcast %sub3A_138 : vector<512x1xf32> to vector<512x768xf32>
        %mul3A_146 = vector.broadcast %broadcast_in_dim3A_144 : vector<1x768xf32> to vector<512x768xf32>
        %mul3A_147 = arith.mulf %mul3A_145, %mul3A_146 : vector<512x768xf32>
        %get3A_148 = arith.constant 0 : index
        %get3A_149 = arith.constant 1 : index
        %get3A_150 = arith.constant 0 : index
        %get3A_151 = vector.load %arg8[%get3A_148, %get3A_149, %get3A_150] : memref<1x2x768xf32, #tpu.memory_space<vmem>>, vector<1x1x768xf32>
        %get3A_152 = vector.shape_cast %get3A_151 : vector<1x1x768xf32> to vector<768xf32>
        %broadcast_in_dim3A_153 = vector.shape_cast %get3A_152 : vector<768xf32> to vector<1x768xf32>
        %mul3A_154 = vector.broadcast %logistic3A_33 : vector<512x1xf32> to vector<512x768xf32>
        %mul3A_155 = vector.broadcast %broadcast_in_dim3A_153 : vector<1x768xf32> to vector<512x768xf32>
        %mul3A_156 = arith.mulf %mul3A_154, %mul3A_155 : vector<512x768xf32>
        %add3A_157 = arith.addf %mul3A_147, %mul3A_156 : vector<512x768xf32>
        %mul3A_158 = vector.broadcast %logistic3A_40 : f32 to vector<512x768xf32>
        %mul3A_159 = arith.mulf %mul3A_158, %add3A_157 : vector<512x768xf32>
        %add3A_160 = arith.addf %add3A_135, %mul3A_159 : vector<512x768xf32>
        %swap3A = arith.index_cast %arg1 : i32 to index
        %swap3A_161 = arith.constant 0 : index
        %swap3A_162 = arith.constant 0 : index
        %swap3A_163 = vector.load %arg15[%swap3A, %swap3A_161, %swap3A_162] : memref<8x512x768xf32, #tpu.memory_space<vmem>>, vector<1x512x768xf32>
        %swap3A_164 = vector.shape_cast %swap3A_163 : vector<1x512x768xf32> to vector<512x768xf32>
        %swap3A_165 = vector.shape_cast %add3A_160 : vector<512x768xf32> to vector<1x512x768xf32>
        tpu.vector_store %arg15[%swap3A, %swap3A_161, %swap3A_162], %swap3A_165 {strides = array<i32>} : memref<8x512x768xf32, #tpu.memory_space<vmem>>, vector<1x512x768xf32>,
      } else {
      }
      %gt3A = arith.constant 0 : i32
      %gt3A_127 = arith.cmpi sgt, %arg0, %gt3A : i32
      %convert_element_type3A_128 = arith.extui %gt3A_127 : i1 to i32
      %cond3A_129 = arith.constant 0 : i32
      %cond3A_130 = arith.cmpi ne, %convert_element_type3A_128, %cond3A_129 : i32
      scf.if %cond3A_130 {
        %get3A_131 = arith.index_cast %arg1 : i32 to index
        %get3A_132 = arith.constant 0 : index
        %get3A_133 = arith.constant 0 : index
        %get3A_134 = vector.load %arg15[%get3A_131, %get3A_132, %get3A_133] : memref<8x512x768xf32, #tpu.memory_space<vmem>>, vector<1x512x768xf32>
        %get3A_135 = vector.shape_cast %get3A_134 : vector<1x512x768xf32> to vector<512x768xf32>
        %add3A_136 = arith.addf %get3A_135, %add3A_122 : vector<512x768xf32>
        %swap3A = arith.index_cast %arg1 : i32 to index
        %swap3A_137 = arith.constant 0 : index
        %swap3A_138 = arith.constant 0 : index
        %swap3A_139 = vector.load %arg15[%swap3A, %swap3A_137, %swap3A_138] : memref<8x512x768xf32, #tpu.memory_space<vmem>>, vector<1x512x768xf32>
        %swap3A_140 = vector.shape_cast %swap3A_139 : vector<1x512x768xf32> to vector<512x768xf32>
        %swap3A_141 = vector.shape_cast %add3A_136 : vector<512x768xf32> to vector<1x512x768xf32>
        tpu.vector_store %arg15[%swap3A, %swap3A_137, %swap3A_138], %swap3A_141 {strides = array<i32>} : memref<8x512x768xf32, #tpu.memory_space<vmem>>, vector<1x512x768xf32>,
        %swap3A_142 = arith.constant 0 : index
        %swap3A_143 = arith.constant 0 : index
        %swap3A_144 = vector.load %arg14[%swap3A_142, %swap3A_143] : memref<512x768xf32, #tpu.memory_space<vmem>>, vector<512x768xf32>
        tpu.vector_store %arg14[%swap3A_142, %swap3A_143], %add3A_136 {strides = array<i32>} : memref<512x768xf32, #tpu.memory_space<vmem>>, vector<512x768xf32>,
      } else {
      }
    } else {
    }
    return
  }
  func.func @transform_0(%arg0: i32, %arg1: i32, %arg2: memref<32xi32, #tpu.memory_space<smem>>) -> (i32, i32) {
    %c0_i32 = arith.constant 0 : i32
    %c0_i32_0 = arith.constant 0 : i32
    return %arg1, %c0_i32 : i32, i32
  }
  func.func @transform_1(%arg0: i32, %arg1: i32, %arg2: memref<32xi32, #tpu.memory_space<smem>>) -> (i32, i32, i32) {
    %get3A = arith.index_cast %arg1 : i32 to index
    %get3A_0 = memref.load %arg2[%get3A] : memref<32xi32, #tpu.memory_space<smem>>
    %c0_i32 = arith.constant 0 : i32
    %c0_i32_1 = arith.constant 0 : i32
    %c0_i32_2 = arith.constant 0 : i32
    return %get3A_0, %c0_i32, %c0_i32_1 : i32, i32, i32
  }
  func.func @transform_2(%arg0: i32, %arg1: i32, %arg2: memref<32xi32, #tpu.memory_space<smem>>) -> (i32, i32, i32, i32) {
    %get3A = arith.index_cast %arg1 : i32 to index
    %get3A_0 = memref.load %arg2[%get3A] : memref<32xi32, #tpu.memory_space<smem>>
    %c0_i32 = arith.constant 0 : i32
    %c0_i32_1 = arith.constant 0 : i32
    %c0_i32_2 = arith.constant 0 : i32
    return %get3A_0, %c0_i32, %c0_i32_1, %arg0 : i32, i32, i32, i32
  }
  func.func @transform_3(%arg0: i32, %arg1: i32, %arg2: memref<32xi32, #tpu.memory_space<smem>>) -> (i32, i32, i32) {
    %get3A = arith.index_cast %arg1 : i32 to index
    %get3A_0 = memref.load %arg2[%get3A] : memref<32xi32, #tpu.memory_space<smem>>
    %c0_i32 = arith.constant 0 : i32
    %c0_i32_1 = arith.constant 0 : i32
    return %get3A_0, %c0_i32, %arg0 : i32, i32, i32
  }
  func.func @transform_4(%arg0: i32, %arg1: i32, %arg2: memref<32xi32, #tpu.memory_space<smem>>) -> (i32, i32, i32, i32) {
    %get3A = arith.index_cast %arg1 : i32 to index
    %get3A_0 = memref.load %arg2[%get3A] : memref<32xi32, #tpu.memory_space<smem>>
    %c0_i32 = arith.constant 0 : i32
    %c0_i32_1 = arith.constant 0 : i32
    %c0_i32_2 = arith.constant 0 : i32
    return %get3A_0, %c0_i32, %arg0, %c0_i32_1 : i32, i32, i32, i32
  }
  func.func @transform_5(%arg0: i32, %arg1: i32, %arg2: memref<32xi32, #tpu.memory_space<smem>>) -> (i32, i32, i32) {
    %get3A = arith.index_cast %arg1 : i32 to index
    %get3A_0 = memref.load %arg2[%get3A] : memref<32xi32, #tpu.memory_space<smem>>
    %c0_i32 = arith.constant 0 : i32
    %c0_i32_1 = arith.constant 0 : i32
    %c0_i32_2 = arith.constant 0 : i32
    return %get3A_0, %c0_i32, %c0_i32_1 : i32, i32, i32
  }
  func.func @transform_6(%arg0: i32, %arg1: i32, %arg2: memref<32xi32, #tpu.memory_space<smem>>) -> (i32, i32) {
    %c0_i32 = arith.constant 0 : i32
    %c0_i32_0 = arith.constant 0 : i32
    return %c0_i32, %arg0 : i32, i32
  }
  func.func @transform_7(%arg0: i32, %arg1: i32, %arg2: memref<32xi32, #tpu.memory_space<smem>>) -> (i32, i32) {
    %c0_i32 = arith.constant 0 : i32
    %c0_i32_0 = arith.constant 0 : i32
    return %c0_i32, %arg0 : i32, i32
  }
  func.func @transform_8(%arg0: i32, %arg1: i32, %arg2: memref<32xi32, #tpu.memory_space<smem>>) -> (i32, i32) {
    %c0_i32 = arith.constant 0 : i32
    %c0_i32_0 = arith.constant 0 : i32
    return %arg0, %c0_i32 : i32, i32
  }
  func.func @transform_9(%arg0: i32, %arg1: i32, %arg2: memref<32xi32, #tpu.memory_space<smem>>) -> (i32, i32) {
    %c0_i32 = arith.constant 0 : i32
    %c0_i32_0 = arith.constant 0 : i32
    %c0_i32_1 = arith.constant 0 : i32
    return %c0_i32, %c0_i32_0 : i32, i32
  }
  func.func @transform_10(%arg0: i32, %arg1: i32, %arg2: memref<32xi32, #tpu.memory_space<smem>>) -> i32 {
    %c0_i32 = arith.constant 0 : i32
    %c0_i32_0 = arith.constant 0 : i32
    return %c0_i32 : i32
  }
  func.func @transform_11(%arg0: i32, %arg1: i32, %arg2: memref<32xi32, #tpu.memory_space<smem>>) -> (i32, i32) {
    %c0_i32 = arith.constant 0 : i32
    %c0_i32_0 = arith.constant 0 : i32
    return %arg1, %c0_i32 : i32, i32
  }
}

</mosaic_0001>

<sc_bundles>
// kernel: kernel.5.cloned.1.call-start
scs
__scs_entry_jumppad:
0x0: {  	(pc) =	sbr.rel $0x88, $3  }
0x1: {  	(tag) =	ssettag $0x0;
	lr =	simm.s32 $0x1  }
0x2: {  	[smem:$0x3F95] =	sst lr;
	_ =	strace $0xD0000000  }
0x3: {  	_ = 	snop  }
0x4: {  	_ = 	snop  }
0x5: {  	_ = 	snop  }
0x6: {  	_ = 	snop  }
0x7: {  	_ = 	snop  }
__scs_overlays_trampoline_lowered:
0x8: {  	[smem:$0x3FA4] =	sst s0  }
0x9: {  	[smem:$0x3FA5] =	sst s1  }
0xa: {  	[smem:$0x3FA6] =	sst s2  }
0xb: {  	[smem:$0x3FA7] =	sst s3  }
0xc: {  	[smem:$0x3FA8] =	sst s4  }
0xd: {  	[smem:$0x3FA9] =	sst s5  }
0xe: {  	[smem:$0x3FAA] =	sst s6  }
0xf: {  	[smem:$0x3FAB] =	sst s7  }
0x10: {  	[smem:$0x3FAC] =	sst s8  }
0x11: {  	[smem:$0x3FAD] =	sst s9;
	s0 =	simm.s32 @!p0 $0x0  }
0x12: {  	s1 =	sld [smem:$0x3F93];
	s0 =	simm.s32 @p0 $0x1  }
0x13: {  	[smem:$0x3FAE] =	sst s0;
	s0 =	simm.s32 @!p1 $0x0  }
0x14: {  	s2 =	sld [smem:$0x3F92];
	s0 =	simm.s32 @p1 $0x1  }
0x15: {  	[smem:$0x3FAF] =	sst s0;
	s0 =	simm.s32 @!p2 $0x0  }
0x16: {  	s3 =	sld [smem:$0x3FDB];
	s0 =	simm.s32 @p2 $0x1  }
0x17: {  	s4 =	simm.s32 $0x1BF5;
	[smem:$0x3FB1] =	sst s0  }
0x18: {  	s0 =	sld [smem:$0x3F94];
	_ =	swait.ge [sflag:s4], $0x0  }
0x19: {  	s7 =	sld [smem:$0x3F95]  }
0x1a: {  	s8 =	sadd.s32 $0xFFFFE003, lr  }
0x1b: {  	s9 =	sadd.s32 $0xFFFFFEF7, lr;
	s5 =	simm.s32 $0xFFFFFFFF;
	p2 =	slt.u32 s8, $0xFFFFF086  }
0x1c: {  	p1 =	slt.u32 s9, $0xF7A;
	s5 =	simm.s32 @!p2 $0x0  }
0x1d: {  	s5 =	simm.s32 @p1 $0x1;
	p0 =	seq.s32 s7, s2  }
0x1e: {  	s7 =	smul.u32 @!p0 $0xF7A, s2;
	p2 =	seq.s32 @!p0 s5, $0x0  }
0x1f: {  	s9 =	smul.u32 $0xF7A, s1;
	s8 =	simm.s32 @!p0 $0x1BF5;
	p2 =	por !p2, p0  }
0x20: {  	[sflag:s8] =	ssyncset.s32 @!p0 $0xFFFFF086;
	s6 =	sadd.s32 @!p0 s3, s7;
	s7 =	simm.s32 @!p0 $0x108  }
0x21: {  	s3 =	sadd.s32 s3, s9;
	s6 =	sadd.s32 @!p0 $0x88, s6;
	s7 =	simm.s32 @p2 $0x1082  }
0x22: {  	[simem:s7], [sflag:s8] =	dma.local @!p0 [hbm:s6], $0xF7A  }
0x23: {  	s9 =	sor.u32 $0xD0000000, s2;
	s6 =	simm.s32 $0x108;
	_ =	swait.ge @!p0 [sflag:s8], $0x0  }
0x24: {  	s3 =	sadd.s32 $0x88, s3;
	s6 =	simm.s32 @!p1 $0x1082;
	[sflag:s4] =	ssyncset.s32 $0xFFFFF086  }
0x25: {  	[simem:s6], [sflag:s4] =	dma.local [hbm:s3], $0xF7A  }
0x26: {  	[smem:$0x3F95] =	sst s1;
	(tag) =	ssettag s2;
	_ =	strace s9  }
0x27: {  	s1 =	sld [smem:$0x3FA5]  }
0x28: {  	s2 =	sld [smem:$0x3FA6]  }
0x29: {  	s4 =	sld [smem:$0x3FA8]  }
0x2a: {  	p0 =	seq.s32 s5, $0x0;
	s5 =	sld [smem:$0x3FA9]  }
0x2b: {  	s6 =	sld [smem:$0x3FAA]  }
0x2c: {  	s7 =	sld [smem:$0x3FAB]  }
0x2d: {  	s3 =	simm.s32 $0x108;
	s8 =	sld [smem:$0x3FAC]  }
0x2e: {  	s3 =	simm.s32 @!p0 $0x1082;
	s9 =	sld [smem:$0x3FAD]  }
0x2f: {  	lr =	sadd.s32 s0, s3;
	s0 =	sld [smem:$0x3FA4]  }
0x30: {  	s3 =	sld [smem:$0x3FA7]  }
0x31: {  	[smem:$0x3FB0] =	sst s10  }
0x32: {  	s10 =	sld [smem:$0x3FAE];
	_ =	sdelay $0x3  }
0x33: {  	p0 =	seq.s32 s10, $0x1;
	s10 =	sld [smem:$0x3FB0];
	_ =	sdelay $0x3  }
0x34: {  	[smem:$0x3FB0] =	sst s10  }
0x35: {  	s10 =	sld [smem:$0x3FAF];
	_ =	sdelay $0x3  }
0x36: {  	p1 =	seq.s32 s10, $0x1;
	s10 =	sld [smem:$0x3FB0];
	_ =	sdelay $0x3  }
0x37: {  	[smem:$0x3FB0] =	sst s10  }
0x38: {  	s10 =	sld [smem:$0x3FB1]  }
0x39: {  	_ = 	snop;
	(pc) =	sbr.ind lr, $3  }
0x3a: {  	_ = 	snop  }
0x3b: {  	_ = 	snop  }
0x3c: {  	p2 =	seq.s32 s10, $0x1;
	s10 =	sld [smem:$0x3FB0]  }
0x3d: {  	_ =	shalt  }
0x3e: {  	_ =	shalt  }
0x3f: {  	_ =	shalt  }
0x40: {  	_ =	shalt  }
0x41: {  	_ =	shalt  }
0x42: {  	_ =	shalt  }
0x43: {  	_ =	shalt  }
0x44: {  	_ =	shalt  }
0x45: {  	_ =	shalt  }
0x46: {  	_ =	shalt  }
0x47: {  	_ =	shalt  }
0x48: {  	_ =	shalt  }
0x49: {  	_ =	shalt  }
0x4a: {  	_ =	shalt  }
0x4b: {  	_ =	shalt  }
0x4c: {  	_ =	shalt  }
0x4d: {  	_ =	shalt  }
0x4e: {  	_ =	shalt  }
0x4f: {  	_ =	shalt  }
0x50: {  	_ =	shalt  }
0x51: {  	_ =	shalt  }
0x52: {  	_ =	shalt  }
0x53: {  	_ =	shalt  }
0x54: {  	_ =	shalt  }
0x55: {  	_ =	shalt  }
0x56: {  	_ =	shalt  }
0x57: {  	_ =	shalt  }
0x58: {  	_ =	shalt  }
0x59: {  	_ =	shalt  }
0x5a: {  	_ =	shalt  }
0x5b: {  	_ =	shalt  }
0x5c: {  	_ =	shalt  }
0x5d: {  	_ =	shalt  }
0x5e: {  	_ =	shalt  }
0x5f: {  	_ =	shalt  }
0x60: {  	_ =	shalt  }
0x61: {  	_ =	shalt  }
0x62: {  	_ =	shalt  }
0x63: {  	_ =	shalt  }
0x64: {  	_ =	shalt  }
0x65: {  	_ =	shalt  }
0x66: {  	_ =	shalt  }
0x67: {  	_ =	shalt  }
0x68: {  	_ =	shalt  }
0x69: {  	_ =	shalt  }
0x6a: {  	_ =	shalt  }
0x6b: {  	_ =	shalt  }
0x6c: {  	_ =	shalt  }
0x6d: {  	_ =	shalt  }
0x6e: {  	_ =	shalt  }
0x6f: {  	_ =	shalt  }
0x70: {  	_ =	shalt  }
0x71: {  	_ =	shalt  }
0x72: {  	_ =	shalt  }
0x73: {  	_ =	shalt  }
0x74: {  	_ =	shalt  }
0x75: {  	_ =	shalt  }
0x76: {  	_ =	shalt  }
0x77: {  	_ =	shalt  }
0x78: {  	_ =	shalt  }
0x79: {  	_ =	shalt  }
0x7a: {  	_ =	shalt  }
0x7b: {  	_ =	shalt  }
0x7c: {  	_ =	shalt  }
0x7d: {  	_ =	shalt  }
0x7e: {  	_ =	shalt  }
0x7f: {  	_ =	shalt  }
0x80: {  	_ =	shalt  }
0x81: {  	_ =	shalt  }
0x82: {  	_ =	shalt  }
0x83: {  	_ =	shalt  }
0x84: {  	_ =	shalt  }
0x85: {  	_ =	shalt  }
0x86: {  	_ =	shalt  }
0x87: {  	_ =	shalt  }
.Lfunc_end0:
.L_simem_size_0:
called_computation_lowered:
.L_overlay_start_0:
0x88: {  	s2 =	sld [smem:$0x3FD9]  }
0x89: {  	s3 =	sld [smem:$0x3FFE];
	_ =	sdelay $0x1  }
0x8a: {  	s1 =	srdreg.scid  }
0x8b: {  	s0 =	sand.u32 $0x1, s1  }
0x8c: {  	s17 =	sshll.u32 s0, $0xA;
	s2 =	sadd.s32 s3, s2  }
0x8d: {  	s2 =	sadd.s32 s2, s17  }
0x8e: {  	[smem:$0x3FBC] =	sst s2  }
0x8f: {  	_ = 	snop  }
0x90: {  	s2 =	sld [smem:$0x3FC9];
	(tm) =	ssettm $0x1  }
0x91: {  	s18 =	sld [smem:$0x3FFB];
	_ =	sdelay $0x3  }
0x92: {  	_ =	strace s18  }
0x93: {  	s3 =	sld [smem:$0x3FFC];
	_ =	sdelay $0x3  }
0x94: {  	_ =	strace s3  }
0x95: {  	s3 =	sld [smem:$0x3FFD];
	_ =	sdelay $0x3  }
0x96: {  	_ =	strace s3  }
0x97: {  	_ =	strace $0x8FFFFFFF  }
0x98: {  	s19 =	sld [smem:$0x3FDB];
	_ =	sdelay $0x1  }
0x99: {  	s4 =	simm.s32 $_scs_section_size  }
0x9a: {  	s5 =	simm.s32 $_size__tile_overlayer_lowered;
	s6 =	simm.s32 $_tile_overlayer_lowered  }
0x9b: {  	s22 =	simm.s32 $0x1BFF;
	s21 =	sshll.u32 s6, $0x1;
	s3 =	sadd.s32 s4, s19  }
0x9c: {  	s7 =	simm.s32 $0x0;
	s20 =	sshll.u32 s5, $0x1;
	s5 =	sadd.s32 s21, s3  }
0x9d: {  	[timem:s7], [sflag:s22] =	dma.local [hbm:s5], s20  }
0x9e: {  	_ =	swait.ge [sflag:s22], s20  }
0x9f: {  	s4 =	ssub.s32 $0x0, s20;
	[sflag:s22] =	ssyncset.done $0x0  }
0xa0: {  	[sflag:s22] =	ssyncadd.s32 s4;
	_ =	sdelay $0x1  }
0xa1: {  	s23 =	simm.s32 $0x1B8B  }
0xa2: {  	_ =	swait.ge [sflag:s23], $0x1  }
0xa3: {  	[sflag:s23] =	ssyncset.done $0x0  }
0xa4: {  	s25 =	simm.s32 $0x1B8E;
	s24 =	sld [smem:$0x3FFE];
	[sflag:s23] =	ssyncadd.s32 $0xFFFFFFFF  }
0xa5: {  	s26 =	simm.s32 $execute0_lowered;
	[smem:$0x3FD2] =	sst s25  }
0xa6: {  	s5 =	sshll.u32 s26, $0x1;
	_ =	strace $0x80000046;
	[dreg:$0x1] =	wrdreg $0xFFFFFFFF  }
0xa7: {  	s28 =	simm.s32 $_size_execute0_lowered;
	s3 =	sadd.s32 s3, s5;
	[dreg:$0x0] =	wrdreg $0x0  }
0xa8: {  	s5 =	sshll.u32 s28, $0x1;
	[dreg:$0x2] =	wrdreg s3  }
0xa9: {  	[dreg:$0x3] =	wrdreg s5  }
0xaa: {  	[dreg:$0x4] =	wrdreg $0xC0  }
0xab: {  	_ =	task [dreg:s7], $0x5FFFF  }
0xac: {  	[dreg:$0x1] =	wrdreg $0xFFFFFFFF  }
0xad: {  	[dreg:$0x0] =	wrdreg $0x60  }
0xae: {  	[dreg:$0x2] =	wrdreg s24  }
0xaf: {  	[dreg:$0x3] =	wrdreg s2  }
0xb0: {  	[dreg:$0x4] =	wrdreg $0xC4000  }
0xb1: {  	[dreg:$0x5] =	wrdreg $0x9  }
0xb2: {  	_ =	task.clear_ibuf [dreg:s7], $0x6FFFF;
	_ =	strace $0x90000046  }
0xb3: {  	s29 =	simm.s32 $0x9;
	_ =	strace $0x80000048  }
0xb4: {  	_ =	swait.ge [sflag:s29], $0x1  }
0xb5: {  	[sflag:s29] =	ssyncadd.s32 $0xFFFFFFFF  }
0xb6: {  	_ =	strace $0x90000048  }
0xb7: {  	_ =	sfence  }
0xb8: {  	s30 =	sld [smem:$0x0];
	_ =	sdelay $0x2  }
0xb9: {  	s31 =	sshll.u32 s1, $0xD;
	s1 =	sshrl.u32 s1, $0x2  }
0xba: {  	s3 =	sand.u32 $0x4000, s31;
	s1 =	sadd.s32 s1, s30  }
0xbb: {  	s0 =	sor.u32 s3, s0;
	s1 =	sshll.u32 s1, $0x11  }
0xbc: {  	s0 =	sor.u32 s1, s0  }
0xbd: {  	s0 =	sadd.s32 $0x8F2B, s0  }
0xbe: {  	[sflag:s0] =	ssyncadd.remote.s32 $0x1  }
0xbf: {  	_ =	sfence.sel $0xFFFF  }
0xc0: {  	[dreg:$0x0] =	wrdreg $0xFFFFFFFF;
	(pc) =	sbr.abs _section_cstart, $3  }
0xc1: {  	[dreg:$0x1] =	wrdreg $0xFFFFFFFF  }
0xc2: {  	_ =	task.clear_ibuf [dreg:s7], $0x2FFFF;
	_ =	strace $0x9FFFFFFF  }
0xc3: {  	(tm) =	ssettm $0x7FFFFFFF  }
tec
execute0_lowered:
.L_overlay_start_1:
0x0: {  	(tag) =	ssettag $0x1  }
0x1: {  	s2 =	srdreg.scid  }
0x2: {  	s5 =	sand.u32 $0x1, s2  }
0x3: {  	s2 =	stileid.u32;
	s7 =	sshll.u32 s5, $0x4  }
0x4: {  	s6 =	rddreg [dreg:$0x0];
	s7 =	sor.u32 s2, s7  }
0x5: {  	s4 =	rddreg [dreg:$0x1];
	v4 =	vmov s7  }
0x6: {  	s1 =	rddreg [dreg:$0x2];
	s3 =	simm.s32 $0x0;
	v0 =	vimm.s32 $0x0;
	vm0 =	veq.s32 v4, $0x1F  }
0x7: {  	[smem:$0x7FF] =	sst s3;
	v0 =	vsel vm0, $0xFFFFFFFF, v0  }
0x8: {  	s0 =	rddreg [dreg:$0x3];
	_ =	strace $0x80000047;
	vm0 =	vgt.u32 v4, $0x1D;
	[tilespmem:$0x1FE50] =	vst v0;
	v0 =	vimm.s32 $0x0  }
0x9: {  	v0 =	vsel vm0, $0xFFFFFFFF, v0  }
0xa: {  	vm0 =	vgt.u32 v4, $0x1C;
	[tilespmem:$0x1FE60] =	vst v0;
	v0 =	vimm.s32 $0x0  }
0xb: {  	v0 =	vsel vm0, $0xFFFFFFFF, v0  }
0xc: {  	vm0 =	vgt.u32 v4, $0x1B;
	[tilespmem:$0x1FE70] =	vst v0;
	v0 =	vimm.s32 $0x0  }
0xd: {  	v0 =	vsel vm0, $0xFFFFFFFF, v0  }
0xe: {  	vm0 =	vgt.u32 v4, $0x1A;
	[tilespmem:$0x1FE80] =	vst v0;
	v0 =	vimm.s32 $0x0  }
0xf: {  	v0 =	vsel vm0, $0xFFFFFFFF, v0  }
0x10: {  	vm0 =	vgt.u32 v4, $0x19;
	[tilespmem:$0x1FE90] =	vst v0;
	v0 =	vimm.s32 $0x0  }
0x11: {  	v0 =	vsel vm0, $0xFFFFFFFF, v0  }
0x12: {  	vm0 =	vgt.u32 v4, $0x18;
	[tilespmem:$0x1FEA0] =	vst v0;
	v0 =	vimm.s32 $0x0  }
0x13: {  	v0 =	vsel vm0, $0xFFFFFFFF, v0  }
0x14: {  	vm0 =	vgt.u32 v4, $0x17;
	[tilespmem:$0x1FEB0] =	vst v0;
	v0 =	vimm.s32 $0x0  }
0x15: {  	v0 =	vsel vm0, $0xFFFFFFFF, v0  }
0x16: {  	vm0 =	vgt.u32 v4, $0x16;
	[tilespmem:$0x1FEC0] =	vst v0;
	v0 =	vimm.s32 $0x0  }
0x17: {  	v0 =	vsel vm0, $0xFFFFFFFF, v0  }
0x18: {  	vm0 =	vgt.u32 v4, $0x15;
	[tilespmem:$0x1FED0] =	vst v0;
	v0 =	vimm.s32 $0x0  }
0x19: {  	s10 =	sadd.s32 $0x62200, s6;
	v0 =	vsel vm0, $0xFFFFFFFF, v0  }
0x1a: {  	s25 =	simm.s32 $0x80;
	[dreg:$0x4] =	wrdreg s10;
	vm0 =	vgt.u32 v4, $0x14;
	[tilespmem:$0x1FEE0] =	vst v0;
	v0 =	vimm.s32 $0x0  }
0x1b: {  	s26 =	simm.s32 $0x100;
	[dreg:$0xa] =	wrdreg s25;
	v0 =	vsel vm0, $0xFFFFFFFF, v0  }
0x1c: {  	s28 =	simm.s32 $0x300;
	[dreg:$0xb] =	wrdreg s26;
	vm0 =	vgt.u32 v4, $0x13;
	[tilespmem:$0x1FEF0] =	vst v0;
	v0 =	vimm.s32 $0x0  }
0x1d: {  	s29 =	simm.s32 $0xC00;
	[dreg:$0xc] =	wrdreg s28;
	v0 =	vsel vm0, $0xFFFFFFFF, v0  }
0x1e: {  	s30 =	simm.s32 $0x1400;
	[dreg:$0xd] =	wrdreg s29;
	vm0 =	vgt.u32 v4, $0x12;
	[tilespmem:$0x1FF00] =	vst v0;
	v0 =	vimm.s32 $0x0  }
0x1f: {  	s31 =	simm.s32 $0x1C00;
	[dreg:$0xe] =	wrdreg s30;
	v0 =	vsel vm0, $0xFFFFFFFF, v0  }
0x20: {  	s13 =	simm.s32 $0x4C00;
	[dreg:$0xf] =	wrdreg s31;
	vm0 =	vgt.u32 v4, $0x11;
	[tilespmem:$0x1FF10] =	vst v0;
	v0 =	vimm.s32 $0x0  }
0x21: {  	s14 =	simm.s32 $0x5400;
	[dreg:$0x15] =	wrdreg s13;
	v0 =	vsel vm0, $0xFFFFFFFF, v0  }
0x22: {  	s15 =	simm.s32 $0x5C00;
	[dreg:$0x16] =	wrdreg s14;
	vm0 =	vgt.u32 v4, $0x10;
	[tilespmem:$0x1FF20] =	vst v0;
	v0 =	vimm.s32 $0x0  }
0x23: {  	s16 =	simm.s32 $0x6400;
	[dreg:$0x17] =	wrdreg s15;
	v0 =	vsel vm0, $0xFFFFFFFF, v0  }
0x24: {  	s17 =	simm.s32 $0x6C00;
	[dreg:$0x18] =	wrdreg s16;
	vm0 =	vgt.u32 v4, $0xF;
	[tilespmem:$0x1FF30] =	vst v0;
	v0 =	vimm.s32 $0x0  }
0x25: {  	s18 =	simm.s32 $0x7400;
	v5 =	vimm.s32 $0x0;
	[dreg:$0x19] =	wrdreg s17;
	v0 =	vsel vm0, $0xFFFFFFFF, v0;
	vm0 =	vgt.u32 v4, $0xE  }
0x26: {  	s10 =	simm.s32 $0x3400;
	[dreg:$0x1a] =	wrdreg s18;
	v5 =	vsel vm0, $0xFFFFFFFF, v5  }
0x27: {  	s25 =	simm.s32 $0x9400;
	[dreg:$0x12] =	wrdreg s10;
	vm0 =	vgt.u32 v4, $0xD;
	[tilespmem:$0x1FF50] =	vst v5;
	v5 =	vimm.s32 $0x0  }
0x28: {  	s26 =	simm.s32 $0x9C00;
	[dreg:$0x1e] =	wrdreg s25;
	v5 =	vsel vm0, $0xFFFFFFFF, v5  }
0x29: {  	s28 =	simm.s32 $0xA400;
	[dreg:$0x1f] =	wrdreg s26;
	vm0 =	vgt.u32 v4, $0xC;
	[tilespmem:$0x1FF60] =	vst v5;
	v5 =	vimm.s32 $0x0  }
0x2a: {  	s29 =	simm.s32 $0xAC00;
	[smem:$0x7FA] =	sst s28;
	v5 =	vsel vm0, $0xFFFFFFFF, v5  }
0x2b: {  	s8 =	sadd.s32 $0x2000, s6;
	s30 =	simm.s32 $0xB400;
	[smem:$0x7FB] =	sst s29;
	vm0 =	vgt.u32 v4, $0xB;
	[tilespmem:$0x1FF70] =	vst v5;
	v5 =	vimm.s32 $0x0  }
0x2c: {  	s11 =	sshll.u32 s2, $0x4;
	s31 =	simm.s32 $0xBC00;
	[smem:$0x7FC] =	sst s30;
	v5 =	vsel vm0, $0xFFFFFFFF, v5  }
0x2d: {  	s21 =	sshll.u32 s2, $0x5;
	s20 =	sadd.s32 s8, s11;
	[smem:$0x7FD] =	sst s31;
	vm0 =	vgt.u32 v4, $0xA;
	[tilespmem:$0x1FF80] =	vst v5;
	v5 =	vimm.s32 $0x0  }
0x2e: {  	s22 =	sadd.s32 s21, s1;
	[dreg:$0x5] =	wrdreg s20;
	v5 =	vsel vm0, $0xFFFFFFFF, v5  }
0x2f: {  	s11 =	simm.s32 $0x3C00;
	[dreg:$0x6] =	wrdreg s22;
	vm0 =	vgt.u32 v4, $0x9;
	[tilespmem:$0x1FF90] =	vst v5;
	v5 =	vimm.s32 $0x0  }
0x30: {  	[dreg:$0x13] =	wrdreg s11;
	s20 =	simm.s32 $0x7C00;
	v5 =	vsel vm0, $0xFFFFFFFF, v5  }
0x31: {  	s9 =	sshll.u32 s7, $0x3;
	s22 =	simm.s32 $0x8400;
	[dreg:$0x1b] =	wrdreg s20;
	vm0 =	vgt.u32 v4, $0x8;
	[tilespmem:$0x1FFA0] =	vst v5;
	v5 =	vimm.s32 $0x0  }
0x32: {  	s23 =	smul.u32 $0x1800, s7;
	s8 =	sadd.s32 s8, s9;
	[dreg:$0x1c] =	wrdreg s22;
	v5 =	vsel vm0, $0xFFFFFFFF, v5  }
0x33: {  	s12 =	sadd.s32 s9, s6;
	s9 =	simm.s32 $0x2C00;
	[dreg:$0x7] =	wrdreg s8;
	vm0 =	vgt.u32 v4, $0x7;
	[tilespmem:$0x1FFB0] =	vst v5;
	v5 =	vimm.s32 $0x0  }
0x34: {  	s24 =	sadd.s32 $0x62400, s12;
	[dreg:$0x11] =	wrdreg s9;
	v5 =	vsel vm0, $0xFFFFFFFF, v5  }
0x35: {  	s19 =	ssub.s32 $0x2, s5;
	s4 =	sadd.s32 s4, s23;
	[dreg:$0x8] =	wrdreg s24;
	vm0 =	vgt.u32 v4, $0x6;
	[tilespmem:$0x1FFC0] =	vst v5;
	v5 =	vimm.s32 $0x0  }
0x36: {  	v3 =	vlaneseq.u32;
	vm2 =	vcmask $0xF0C;
	s21 =	sshrl.u32 s19, $0x1;
	s8 =	simm.s32 $0x2400;
	[dreg:$0x9] =	wrdreg s4;
	v5 =	vsel vm0, $0xFFFFFFFF, v5  }
0x37: {  	v1 =	vand.u32 $0x7, v3;
	s10 =	simm.s32 $0x1;
	s12 =	simm.s32 $0x4400;
	[dreg:$0x10] =	wrdreg s8;
	vm0 =	vgt.u32 v4, $0x5;
	[tilespmem:$0x1FFD0] =	vst v5;
	v5 =	vimm.s32 $0x0  }
0x38: {  	v2 =	vshrl.u32 v3, $0x3;
	v3 =	vor.u32 $0x8, v3;
	s23 =	simm.s32 $0x8C00;
	s9 =	simm.s32 $0x400;
	[dreg:$0x14] =	wrdreg s12;
	v5 =	vsel vm0, $0xFFFFFFFF, v5  }
0x39: {  	v2 =	vmul.u32 $0x8, v2;
	s4 =	sadd.s32 $0x2200, s6;
	s8 =	ssub.s32 s19, s21;
	s24 =	sor.u32 s5, s2;
	vm0 =	vgt.u32 v4, $0x4;
	[tilespmem:$0x1FFE0] =	vst v5;
	v5 =	vimm.s32 $0x0  }
0x3a: {  	vm11 =	vgt.u32 v4, $0x3;
	vm12 =	vgt.u32 v4, $0x2;
	[dreg:$0x1d] =	wrdreg s23;
	s5 =	sadd.s32 $0x2300, s6;
	s6 =	sadd.s32 $0x2400, s6;
	[tilespmem:$0x1FF40] =	vst v0;
	v5 =	vsel vm0, $0xFFFFFFFF, v5  }
0x3b: {  	vm13 =	vgt.u32 v4, $0x1;
	vm14 =	veq.s32 v4, $0x0;
	s7 =	smax.u32 s8, $0x1;
	p0 =	sne.s32 s24, $0x0;
	s8 =	simm.s32 $0x2;
	v0 =	vimm.s32 $0x0;
	[tilespmem:$0x1FFF0] =	vst v5  }
.LBB2_1:
0x3c: {  	s11 =	rddreg [dreg:$0x5]  }
0x3d: {  	[tilespmem:s3], [sflag:$0x2] =	stream.linear.gather [hbm4b:s11+s3], $0x80, $0x38;
	[tilespmem:$0xC420] =	vst v63  }
0x3e: {  	_ =	swait.ge [sflag:s8], $0x80  }
0x3f: {  	[sflag:s8] =	ssyncset.done $0x0  }
0x40: {  	[sflag:s8] =	ssyncadd.s32 $0xFFFFFF80  }
0x41: {  	v4 =	vld [tilespmem:$0x0];
	_ =	sdelay $0x3  }
0x42: {  	v5 =	vld [tilespmem:$0x10]  }
0x43: {  	vm0 =	veq.s32 v4, $0x0  }
0x44: {  	v6 =	vsel vm0, $0x1, v0;
	vm0 =	veq.s32 v4, $0x1  }
0x45: {  	(xrf0) =	vadd.scan.msk.s32 $0xffff, v6;
	v42 =	vsel vm0, $0x1, v0;
	vm0 =	veq.s32 v4, $0x2  }
0x46: {  	(xrf0) =	vadd.scan.msk.s32 $0xffff, v42;
	v43 =	vsel vm0, $0x1, v0;
	vm0 =	veq.s32 v4, $0x3;
	v4 =	vld [tilespmem:$0x20]  }
0x47: {  	(xrf0) =	vadd.scan.msk.s32 $0xffff, v43;
	v44 =	vsel vm0, $0x1, v0;
	vm0 =	veq.s32 v5, $0x0  }
0x48: {  	(xrf0) =	vadd.scan.msk.s32 $0xffff, v44;
	v45 =	vsel vm0, $0x1, v0;
	vm0 =	veq.s32 v5, $0x1  }
0x49: {  	(xrf0) =	vadd.scan.msk.s32 $0xffff, v45;
	v46 =	vsel vm0, $0x1, v0;
	vm0 =	veq.s32 v5, $0x2  }
0x4a: {  	(xrf0) =	vadd.scan.msk.s32 $0xffff, v46;
	v47 =	vsel vm0, $0x1, v0;
	vm0 =	veq.s32 v5, $0x3;
	v5 =	vld [tilespmem:$0x30]  }
0x4b: {  	v7, _, _ =	vpop (xrf0);
	(xrf0) =	vadd.scan.msk.s32 $0xffff, v47;
	v48 =	vsel vm0, $0x1, v0;
	vm0 =	veq.s32 v4, $0x0  }
0x4c: {  	(v2sf) =	vpush v7, $0xF;
	v49, _, _ =	vpop (xrf0);
	(xrf0) =	vadd.scan.msk.s32 $0xffff, v48;
	v50 =	vsel vm0, $0x1, v0;
	vm0 =	veq.s32 v4, $0x1  }
0x4d: {  	(v2sf) =	vpush v49, $0xF;
	v51, _, _ =	vpop (xrf0);
	(xrf0) =	vadd.scan.msk.s32 $0xffff, v50;
	v52 =	vsel vm0, $0x1, v0;
	vm0 =	veq.s32 v4, $0x2  }
0x4e: {  	(v2sf) =	vpush v51, $0xF;
	v53, _, _ =	vpop (xrf0);
	(xrf0) =	vadd.scan.msk.s32 $0xffff, v52;
	v54 =	vsel vm0, $0x1, v0;
	vm0 =	veq.s32 v4, $0x3;
	v4 =	vld [tilespmem:$0x40]  }
0x4f: {  	(v2sf) =	vpush v53, $0xF;
	v55, _, _ =	vpop (xrf0);
	(xrf0) =	vadd.scan.msk.s32 $0xffff, v54;
	v56 =	vsel vm0, $0x1, v0;
	vm0 =	veq.s32 v5, $0x0  }
0x50: {  	(v2sf) =	vpush v55, $0xF;
	v57, _, _ =	vpop (xrf0);
	(xrf0) =	vadd.scan.msk.s32 $0xffff, v56;
	v58 =	vsel vm0, $0x1, v0;
	vm0 =	veq.s32 v5, $0x1  }
0x51: {  	(v2sf) =	vpush v57, $0xF;
	v59, _, _ =	vpop (xrf0);
	(xrf0) =	vadd.scan.msk.s32 $0xffff, v58;
	v60 =	vsel vm0, $0x1, v0;
	vm0 =	veq.s32 v5, $0x2  }
0x52: {  	(v2sf) =	vpush v59, $0xF;
	v61, _, _ =	vpop (xrf0);
	(xrf0) =	vadd.scan.msk.s32 $0xffff, v60;
	v62 =	vsel vm0, $0x1, v0;
	vm0 =	veq.s32 v5, $0x3;
	v5 =	vld [tilespmem:$0x50]  }
0x53: {  	(v2sf) =	vpush v61, $0xF;
	v63, _, _ =	vpop (xrf0);
	(xrf0) =	vadd.scan.msk.s32 $0xffff, v62;
	v9 =	vsel vm0, $0x1, v0;
	vm0 =	veq.s32 v4, $0x0  }
0x54: {  	(v2sf) =	vpush v63, $0xF;
	v10, _, _ =	vpop (xrf0);
	(xrf0) =	vadd.scan.msk.s32 $0xffff, v9;
	v11 =	vsel vm0, $0x1, v0;
	vm0 =	veq.s32 v4, $0x1  }
0x55: {  	(v2sf) =	vpush v10, $0xF;
	v12, _, _ =	vpop (xrf0);
	(xrf0) =	vadd.scan.msk.s32 $0xffff, v11;
	v13 =	vsel vm0, $0x1, v0;
	vm0 =	veq.s32 v4, $0x2  }
0x56: {  	(v2sf) =	vpush v12, $0xF;
	v14, _, _ =	vpop (xrf0);
	(xrf0) =	vadd.scan.msk.s32 $0xffff, v13;
	v15 =	vsel vm0, $0x1, v0;
	vm0 =	veq.s32 v4, $0x3;
	v4 =	vld [tilespmem:$0x60]  }
0x57: {  	(v2sf) =	vpush v14, $0xF;
	v16, _, _ =	vpop (xrf0);
	(xrf0) =	vadd.scan.msk.s32 $0xffff, v15;
	v17 =	vsel vm0, $0x1, v0;
	vm0 =	veq.s32 v5, $0x0  }
0x58: {  	(v2sf) =	vpush v16, $0xF;
	v18, _, _ =	vpop (xrf0);
	(xrf0) =	vadd.scan.msk.s32 $0xffff, v17;
	v19 =	vsel vm0, $0x1, v0;
	vm0 =	veq.s32 v5, $0x1  }
0x59: {  	(v2sf) =	vpush v18, $0xF;
	v20, _, _ =	vpop (xrf0);
	(xrf0) =	vadd.scan.msk.s32 $0xffff, v19;
	v21 =	vsel vm0, $0x1, v0;
	vm0 =	veq.s32 v5, $0x2  }
0x5a: {  	(v2sf) =	vpush v20, $0xF;
	v22, _, _ =	vpop (xrf0);
	(xrf0) =	vadd.scan.msk.s32 $0xffff, v21;
	v23 =	vsel vm0, $0x1, v0;
	vm0 =	veq.s32 v5, $0x3;
	v5 =	vld [tilespmem:$0x70]  }
0x5b: {  	s11 =	spop (v2sf);
	(v2sf) =	vpush v22, $0xF;
	v24, _, _ =	vpop (xrf0);
	(xrf0) =	vadd.scan.msk.s32 $0xffff, v23;
	v25 =	vsel vm0, $0x1, v0;
	vm0 =	veq.s32 v4, $0x0  }
0x5c: {  	s12 =	spop (v2sf);
	(v2sf) =	vpush v24, $0xF;
	v26, _, _ =	vpop (xrf0);
	(xrf0) =	vadd.scan.msk.s32 $0xffff, v25;
	v27 =	vsel vm0, $0x1, v0;
	vm0 =	veq.s32 v4, $0x1  }
0x5d: {  	s13 =	spop (v2sf);
	(v2sf) =	vpush v26, $0xF;
	v28, _, _ =	vpop (xrf0);
	(xrf0) =	vadd.scan.msk.s32 $0xffff, v27;
	v29 =	vsel vm0, $0x1, v0;
	vm0 =	veq.s32 v4, $0x2  }
0x5e: {  	s14 =	spop (v2sf);
	(v2sf) =	vpush v28, $0xF;
	v30, _, _ =	vpop (xrf0);
	(xrf0) =	vadd.scan.msk.s32 $0xffff, v29;
	v31 =	vsel vm0, $0x1, v0;
	vm0 =	veq.s32 v4, $0x3  }
0x5f: {  	s15 =	spop (v2sf);
	(v2sf) =	vpush v30, $0xF;
	v4, _, _ =	vpop (xrf0);
	(xrf0) =	vadd.scan.msk.s32 $0xffff, v31;
	v32 =	vsel vm0, $0x1, v0;
	vm0 =	veq.s32 v5, $0x0  }
0x60: {  	s16 =	spop (v2sf);
	(v2sf) =	vpush v4, $0xF;
	v4, _, _ =	vpop (xrf0);
	(xrf0) =	vadd.scan.msk.s32 $0xffff, v32;
	v33 =	vsel vm0, $0x1, v0;
	vm0 =	veq.s32 v5, $0x1  }
0x61: {  	s17 =	spop (v2sf);
	(v2sf) =	vpush v4, $0xF;
	v4, _, _ =	vpop (xrf0);
	(xrf0) =	vadd.scan.msk.s32 $0xffff, v33;
	v34 =	vsel vm0, $0x1, v0;
	vm0 =	veq.s32 v5, $0x2  }
0x62: {  	s18 =	spop (v2sf);
	(v2sf) =	vpush v4, $0xF;
	v4, _, _ =	vpop (xrf0);
	(xrf0) =	vadd.scan.msk.s32 $0xffff, v34;
	v35 =	vsel vm0, $0x1, v0;
	vm0 =	veq.s32 v5, $0x3  }
0x63: {  	s19 =	spop (v2sf);
	(v2sf) =	vpush v4, $0xF;
	v4, _, _ =	vpop (xrf0);
	(xrf0) =	vadd.scan.msk.s32 $0xffff, v35;
	v5 =	vsel vm0, $0x1, v0  }
0x64: {  	s20 =	spop (v2sf);
	(v2sf) =	vpush v4, $0xF;
	v4, _, _ =	vpop (xrf0);
	(xrf0) =	vadd.scan.msk.s32 $0xffff, v5  }
0x65: {  	s21 =	spop (v2sf);
	(v2sf) =	vpush v4, $0xF;
	v4, _, _ =	vpop (xrf0)  }
0x66: {  	s22 =	spop (v2sf);
	(v2sf) =	vpush v4, $0xF;
	v4, _, _ =	vpop (xrf0)  }
0x67: {  	s23 =	spop (v2sf);
	(v2sf) =	vpush v4, $0xF;
	v4, _, _ =	vpop (xrf0)  }
0x68: {  	s24 =	spop (v2sf);
	(v2sf) =	vpush v4, $0xF;
	v4, _, _ =	vpop (xrf0)  }
0x69: {  	s25 =	spop (v2sf);
	(v2sf) =	vpush v4, $0xF;
	v4, _, _ =	vpop (xrf0)  }
0x6a: {  	s26 =	spop (v2sf);
	(v2sf) =	vpush v4, $0xF;
	v4, _, _ =	vpop (xrf0)  }
0x6b: {  	s28 =	spop (v2sf);
	(v2sf) =	vpush v4, $0xF  }
0x6c: {  	s29 =	spop (v2sf)  }
0x6d: {  	s30 =	spop (v2sf)  }
0x6e: {  	s31 =	spop (v2sf)  }
0x6f: {  	s11 =	sadd.s32 s11, s15;
	s15 =	spop (v2sf)  }
0x70: {  	s12 =	sadd.s32 s12, s16;
	s13 =	sadd.s32 s13, s17;
	s17 =	spop (v2sf)  }
0x71: {  	s14 =	sadd.s32 s14, s18;
	s11 =	sadd.s32 s19, s11;
	s18 =	spop (v2sf)  }
0x72: {  	s12 =	sadd.s32 s20, s12;
	s13 =	sadd.s32 s21, s13;
	s19 =	spop (v2sf)  }
0x73: {  	s14 =	sadd.s32 s22, s14;
	s11 =	sadd.s32 s23, s11;
	s20 =	spop (v2sf)  }
0x74: {  	s12 =	sadd.s32 s24, s12;
	s13 =	sadd.s32 s25, s13;
	s21 =	spop (v2sf)  }
0x75: {  	vm1 =	vcmask $0x704;
	vm3 =	vcmask $0xB08;
	s14 =	sadd.s32 s26, s14;
	s15 =	sadd.s32 s28, s15;
	s22 =	spop (v2sf)  }
0x76: {  	vm0 =	vcmask $0x300;
	v5 =	vmov s12;
	v4 =	vmov s11;
	s23 =	sadd.s32 s29, s17;
	s24 =	sadd.s32 s30, s18;
	s25 =	spop (v2sf)  }
0x77: {  	v36 =	vmov s13;
	v5 =	vnsel vm1, $0x0, v5;
	v4 =	vnsel vm0, $0x0, v4;
	s26 =	sadd.s32 s31, s19;
	s15 =	sadd.s32 s20, s15;
	s28 =	spop (v2sf)  }
0x78: {  	v4 =	vadd.s32 v5, v4;
	v5 =	vnsel vm3, $0x0, v36;
	s11 =	sadd.s32 s21, s23;
	s12 =	sadd.s32 s22, s24;
	s29 =	spop (v2sf)  }
0x79: {  	v37 =	vmov s14;
	v4 =	vadd.s32 v5, v4;
	s30 =	sadd.s32 s28, s15;
	s11 =	sadd.s32 s29, s11;
	s31 =	spop (v2sf)  }
0x7a: {  	v5 =	vnsel vm2, $0x0, v37;
	s13 =	sadd.s32 s25, s26;
	v38 =	vmov s30;
	s12 =	sadd.s32 s31, s12;
	s16 =	spop (v2sf);
	v39 =	vmov s11  }
0x7b: {  	v6 =	vnsel vm0, $0x0, v38;
	s17 =	sadd.s32 s16, s13;
	v7 =	vnsel vm1, $0x0, v39;
	v8 =	vmov s12  }
0x7c: {  	v6 =	vadd.s32 v7, v6;
	v40 =	vnsel vm3, $0x0, v8;
	v41 =	vmov s17  }
0x7d: {  	v4 =	vadd.s32 v5, v4;
	v5 =	vadd.s32 v40, v6;
	v42 =	vnsel vm2, $0x0, v41  }
0x7e: {  	[tilespmem:$0x80] =	vst v4;
	s18 =	rddreg [dreg:$0x6];
	v4 =	vadd.s32 v42, v5  }
0x7f: {  	s19 =	rddreg [dreg:$0xa];
	[tilespmem:$0x90] =	vst v4  }
0x80: {  	[spmem:s18] =	stream.linear.scatter [tilespmem:s19], [sflag:$0x2], $0x20, $0x38;
	[tilespmem:$0xC420] =	vst v63  }
0x81: {  	_ =	swait.ge [sflag:s8], $0x20  }
0x82: {  	[sflag:s8] =	ssyncset.done $0x0  }
0x83: {  	[sflag:s8] =	ssyncadd.s32 $0xFFFFFFE0  }
0x84: {  	[bflag:$0x0] =	sbarrier.arrive $0xFFFF  }
0x85: {  	s20 =	rddreg [dreg:$0xb]  }
0x86: {  	[tilespmem:s20], [sflag:$0x2] =	stream.linear.gather [spmem:s1], $0x200, $0x38;
	[tilespmem:$0xC420] =	vst v63  }
0x87: {  	_ =	swait.ge [sflag:s8], $0x200  }
0x88: {  	[sflag:s8] =	ssyncset.done $0x0  }
0x89: {  	[sflag:s8] =	ssyncadd.s32 $0xFFFFFE00  }
0x8a: {  	v4 =	vld [tilespmem:$0x100]  }
0x8b: {  	v5 =	vld [tilespmem:$0x110]  }
0x8c: {  	v43 =	vld [tilespmem:$0x120]  }
0x8d: {  	v44 =	vld [tilespmem:$0x130];
	_ =	sdelay $0x2  }
0x8e: {  	v11 =	vadd.s32 v5, v4;
	v4 =	vsel vm14, $0x0, v4;
	v5 =	vnsel vm13, $0x0, v5  }
0x8f: {  	v4 =	vadd.s32 v4, v5;
	v5 =	vnsel vm12, $0x0, v43  }
0x90: {  	v4 =	vadd.s32 v5, v4;
	v5 =	vnsel vm11, $0x0, v44  }
0x91: {  	v4 =	vadd.s32 v5, v4;
	v5 =	vld [tilespmem:$0x1FFF0]  }
0x92: {  	v45 =	vld [tilespmem:$0x140];
	_ =	sdelay $0x3  }
0x93: {  	vm0 =	vnez.u8 v5  }
0x94: {  	v5 =	vnsel vm0, $0x0, v45  }
0x95: {  	v4 =	vadd.s32 v5, v4;
	v5 =	vld [tilespmem:$0x1FFE0]  }
0x96: {  	v9 =	vld [tilespmem:$0x150];
	_ =	sdelay $0x3  }
0x97: {  	vm0 =	vnez.u8 v5  }
0x98: {  	v5 =	vnsel vm0, $0x0, v9  }
0x99: {  	v4 =	vadd.s32 v5, v4;
	v5 =	vld [tilespmem:$0x1FFD0]  }
0x9a: {  	v10 =	vld [tilespmem:$0x160];
	_ =	sdelay $0x3  }
0x9b: {  	vm0 =	vnez.u8 v5  }
0x9c: {  	v5 =	vnsel vm0, $0x0, v10  }
0x9d: {  	v4 =	vadd.s32 v5, v4;
	v5 =	vld [tilespmem:$0x1FFC0]  }
0x9e: {  	v12 =	vld [tilespmem:$0x170];
	_ =	sdelay $0x3  }
0x9f: {  	vm0 =	vnez.u8 v5  }
0xa0: {  	v5 =	vnsel vm0, $0x0, v12  }
0xa1: {  	v4 =	vadd.s32 v5, v4;
	v5 =	vld [tilespmem:$0x1FFB0]  }
0xa2: {  	v13 =	vld [tilespmem:$0x180];
	_ =	sdelay $0x3  }
0xa3: {  	vm0 =	vnez.u8 v5  }
0xa4: {  	v5 =	vnsel vm0, $0x0, v13  }
0xa5: {  	v4 =	vadd.s32 v5, v4;
	v5 =	vld [tilespmem:$0x1FFA0]  }
0xa6: {  	v14 =	vld [tilespmem:$0x190];
	_ =	sdelay $0x3  }
0xa7: {  	vm0 =	vnez.u8 v5  }
0xa8: {  	v5 =	vnsel vm0, $0x0, v14  }
0xa9: {  	v4 =	vadd.s32 v5, v4;
	v5 =	vld [tilespmem:$0x1FF90]  }
0xaa: {  	v15 =	vld [tilespmem:$0x1A0];
	_ =	sdelay $0x3  }
0xab: {  	vm0 =	vnez.u8 v5  }
0xac: {  	v5 =	vnsel vm0, $0x0, v15  }
0xad: {  	v4 =	vadd.s32 v5, v4;
	v5 =	vld [tilespmem:$0x1FF80]  }
0xae: {  	v16 =	vld [tilespmem:$0x1B0];
	_ =	sdelay $0x3  }
0xaf: {  	vm0 =	vnez.u8 v5  }
0xb0: {  	v5 =	vnsel vm0, $0x0, v16  }
0xb1: {  	v4 =	vadd.s32 v5, v4;
	v5 =	vld [tilespmem:$0x1FF70]  }
0xb2: {  	v17 =	vld [tilespmem:$0x1C0];
	_ =	sdelay $0x3  }
0xb3: {  	vm0 =	vnez.u8 v5  }
0xb4: {  	v5 =	vnsel vm0, $0x0, v17  }
0xb5: {  	v4 =	vadd.s32 v5, v4;
	v5 =	vld [tilespmem:$0x1FF60]  }
0xb6: {  	v18 =	vld [tilespmem:$0x1D0];
	_ =	sdelay $0x3  }
0xb7: {  	vm0 =	vnez.u8 v5  }
0xb8: {  	v5 =	vnsel vm0, $0x0, v18  }
0xb9: {  	v4 =	vadd.s32 v5, v4;
	v5 =	vld [tilespmem:$0x1FF50]  }
0xba: {  	v19 =	vld [tilespmem:$0x1E0];
	_ =	sdelay $0x3  }
0xbb: {  	vm0 =	vnez.u8 v5  }
0xbc: {  	v5 =	vnsel vm0, $0x0, v19  }
0xbd: {  	v4 =	vadd.s32 v5, v4;
	v5 =	vld [tilespmem:$0x1FF40]  }
0xbe: {  	v20 =	vld [tilespmem:$0x1F0];
	_ =	sdelay $0x3  }
0xbf: {  	vm0 =	vnez.u8 v5  }
0xc0: {  	v5 =	vnsel vm0, $0x0, v20  }
0xc1: {  	v4 =	vadd.s32 v5, v4;
	v5 =	vld [tilespmem:$0x1FF30]  }
0xc2: {  	v21 =	vld [tilespmem:$0x200];
	_ =	sdelay $0x3  }
0xc3: {  	vm0 =	vnez.u8 v5  }
0xc4: {  	v5 =	vnsel vm0, $0x0, v21  }
0xc5: {  	v4 =	vadd.s32 v5, v4;
	v5 =	vld [tilespmem:$0x1FF20]  }
0xc6: {  	v46 =	vld [tilespmem:$0x210];
	_ =	sdelay $0x3  }
0xc7: {  	vm0 =	vnez.u8 v5  }
0xc8: {  	v5 =	vnsel vm0, $0x0, v46  }
0xc9: {  	v4 =	vadd.s32 v5, v4;
	v5 =	vld [tilespmem:$0x1FF10]  }
0xca: {  	v47 =	vld [tilespmem:$0x220];
	_ =	sdelay $0x3  }
0xcb: {  	vm0 =	vnez.u8 v5  }
0xcc: {  	v5 =	vnsel vm0, $0x0, v47  }
0xcd: {  	v4 =	vadd.s32 v5, v4;
	v5 =	vld [tilespmem:$0x1FF00]  }
0xce: {  	v48 =	vld [tilespmem:$0x230];
	_ =	sdelay $0x3  }
0xcf: {  	vm0 =	vnez.u8 v5  }
0xd0: {  	v5 =	vnsel vm0, $0x0, v48  }
0xd1: {  	v4 =	vadd.s32 v5, v4;
	v5 =	vld [tilespmem:$0x1FEF0]  }
0xd2: {  	v49 =	vld [tilespmem:$0x240];
	_ =	sdelay $0x3  }
0xd3: {  	vm0 =	vnez.u8 v5  }
0xd4: {  	v5 =	vnsel vm0, $0x0, v49  }
0xd5: {  	v4 =	vadd.s32 v5, v4;
	v5 =	vld [tilespmem:$0x1FEE0]  }
0xd6: {  	v50 =	vld [tilespmem:$0x250];
	_ =	sdelay $0x3  }
0xd7: {  	vm0 =	vnez.u8 v5  }
0xd8: {  	v5 =	vnsel vm0, $0x0, v50  }
0xd9: {  	v4 =	vadd.s32 v5, v4;
	v5 =	vld [tilespmem:$0x1FED0]  }
0xda: {  	v51 =	vld [tilespmem:$0x260];
	_ =	sdelay $0x3  }
0xdb: {  	vm0 =	vnez.u8 v5  }
0xdc: {  	v5 =	vnsel vm0, $0x0, v51  }
0xdd: {  	v4 =	vadd.s32 v5, v4;
	v5 =	vld [tilespmem:$0x1FEC0]  }
0xde: {  	v52 =	vld [tilespmem:$0x270];
	_ =	sdelay $0x3  }
0xdf: {  	vm0 =	vnez.u8 v5  }
0xe0: {  	v5 =	vnsel vm0, $0x0, v52  }
0xe1: {  	v4 =	vadd.s32 v5, v4;
	v5 =	vld [tilespmem:$0x1FEB0]  }
0xe2: {  	v53 =	vld [tilespmem:$0x280];
	_ =	sdelay $0x3  }
0xe3: {  	vm0 =	vnez.u8 v5  }
0xe4: {  	v5 =	vnsel vm0, $0x0, v53  }
0xe5: {  	v4 =	vadd.s32 v5, v4;
	v5 =	vld [tilespmem:$0x1FEA0]  }
0xe6: {  	v54 =	vld [tilespmem:$0x290];
	_ =	sdelay $0x1  }
0xe7: {  	v11 =	vadd.s32 v43, v11  }
0xe8: {  	v11 =	vadd.s32 v44, v11  }
0xe9: {  	v11 =	vadd.s32 v45, v11;
	vm0 =	vnez.u8 v5  }
0xea: {  	v11 =	vadd.s32 v9, v11;
	v5 =	vnsel vm0, $0x0, v54  }
0xeb: {  	v11 =	vadd.s32 v10, v11;
	v4 =	vadd.s32 v5, v4;
	v5 =	vld [tilespmem:$0x1FE90]  }
0xec: {  	v55 =	vld [tilespmem:$0x2A0];
	v11 =	vadd.s32 v12, v11  }
0xed: {  	v11 =	vadd.s32 v13, v11  }
0xee: {  	v11 =	vadd.s32 v14, v11  }
0xef: {  	v11 =	vadd.s32 v15, v11  }
0xf0: {  	v11 =	vadd.s32 v16, v11;
	vm0 =	vnez.u8 v5  }
0xf1: {  	v11 =	vadd.s32 v17, v11;
	v5 =	vnsel vm0, $0x0, v55  }
0xf2: {  	v11 =	vadd.s32 v18, v11;
	v4 =	vadd.s32 v5, v4;
	v5 =	vld [tilespmem:$0x1FE80]  }
0xf3: {  	v56 =	vld [tilespmem:$0x2B0];
	v11 =	vadd.s32 v19, v11  }
0xf4: {  	v11 =	vadd.s32 v20, v11  }
0xf5: {  	v11 =	vadd.s32 v21, v11  }
0xf6: {  	v11 =	vadd.s32 v46, v11  }
0xf7: {  	v11 =	vadd.s32 v47, v11;
	vm0 =	vnez.u8 v5  }
0xf8: {  	v11 =	vadd.s32 v48, v11;
	v5 =	vnsel vm0, $0x0, v56  }
0xf9: {  	v11 =	vadd.s32 v49, v11;
	v4 =	vadd.s32 v5, v4;
	v5 =	vld [tilespmem:$0x1FE70]  }
0xfa: {  	v57 =	vld [tilespmem:$0x2C0];
	v11 =	vadd.s32 v50, v11  }
0xfb: {  	v11 =	vadd.s32 v51, v11  }
0xfc: {  	v11 =	vadd.s32 v52, v11  }
0xfd: {  	v58 =	vld [tilespmem:$0x2D0];
	v11 =	vadd.s32 v53, v11  }
0xfe: {  	v59 =	vld [tilespmem:$0x2E0];
	v11 =	vadd.s32 v54, v11;
	vm0 =	vnez.u8 v5  }
0xff: {  	v60 =	vld [tilespmem:$0x2F0];
	v11 =	vadd.s32 v55, v11;
	v5 =	vnsel vm0, $0x0, v57  }
0x100: {  	v61 =	vadd.s32 v56, v11;
	v4 =	vadd.s32 v5, v4;
	v5 =	vld [tilespmem:$0x1FE60]  }
0x101: {  	v6 =	vadd.s32 v57, v61  }
0x102: {  	v6 =	vadd.s32 v58, v6  }
0x103: {  	v6 =	vadd.s32 v59, v6  }
0x104: {  	v6 =	vadd.s32 v60, v6  }
0x105: {  	v6 =	vadd.s32 $0x1FF, v6;
	vm0 =	vnez.u8 v5  }
0x106: {  	v6 =	vand.u32 $0xFFFFFE00, v6;
	v5 =	vnsel vm0, $0x0, v58  }
0x107: {  	(xrf0) =	vadd.scan.msk.s32 $0xffff, v6;
	v4 =	vadd.s32 v5, v4;
	v5 =	vld [tilespmem:$0x1FE50];
	_ =	sdelay $0x4  }
0x108: {  	vm0 =	vnez.u8 v5  }
0x109: {  	v7, _, _ =	vpop (xrf0);
	v5 =	vnsel vm0, $0x0, v59  }
0x10a: {  	v4 =	vadd.s32 v5, v4;
	v5 =	vsub.s32 v7, v6  }
0x10b: {  	vm0 =	vmmov $0x1;
	v4 =	vadd.s32 v5, v4  }
0x10c: {  	v5 =	vnsel vm0, $0x0, v4;
	vm0 =	vcmask $0x308  }
0x10d: {  	(xrf0) =	vadd.scan.msk.s32 $0xffff, v5;
	v5 =	vsel vm0, $0x0, v4;
	vm0 =	vcmask $0x70C  }
0x10e: {  	(xrf0) =	vadd.scan.msk.s32 $0xffff, v5;
	v5 =	vsel vm0, $0x0, v4;
	vm0 =	vcmask $0xB10  }
0x10f: {  	(xrf0) =	vadd.scan.msk.s32 $0xffff, v5;
	v4 =	vsel vm0, $0x0, v4;
	vm0 =	vmmov @!p0 $0x1  }
0x110: {  	(xrf0) =	vadd.scan.msk.s32 $0xffff, v4;
	v4 =	vnsel @!p0 vm0, $0x0, v7;
	vm0 =	vcmask @!p0 $0x308  }
0x111: {  	(xrf0) =	vadd.scan.msk.s32 @!p0 $0xffff, v4;
	v4 =	vsel @!p0 vm0, $0x0, v7;
	vm0 =	vcmask @!p0 $0x70C  }
0x112: {  	(xrf0) =	vadd.scan.msk.s32 @!p0 $0xffff, v4;
	v4 =	vsel @!p0 vm0, $0x0, v7;
	vm0 =	vcmask @!p0 $0xB10  }
0x113: {  	v5, _, _ =	vpop (xrf0);
	(xrf0) =	vadd.scan.msk.s32 @!p0 $0xffff, v4;
	v4 =	vsel @!p0 vm0, $0x0, v7;
	_ =	sdelay $0x1  }
0x114: {  	v62, _, _ =	vpop (xrf0);
	(xrf0) =	vadd.scan.msk.s32 @!p0 $0xffff, v4  }
0x115: {  	v4, _, _ =	vpop (xrf0)  }
0x116: {  	v63, _, _ =	vpop (xrf0)  }
0x117: {  	(v2sf) =	vpush v5, $0xF;
	v8, _, _ =	vpop @!p0 (xrf0)  }
0x118: {  	(v2sf) =	vpush v62, $0xF;
	v9, _, _ =	vpop @!p0 (xrf0)  }
0x119: {  	(v2sf) =	vpush v4, $0xF;
	v10, _, _ =	vpop @!p0 (xrf0)  }
0x11a: {  	(v2sf) =	vpush v63, $0xF;
	v11, _, _ =	vpop @!p0 (xrf0)  }
0x11b: {  	(v2sf) =	vpush @!p0 v11, $0xF;
	_ =	sdelay $0x2  }
0x11c: {  	v12 =	vlaneseq.u32 @!p0  }
0x11d: {  	v13 =	vmul.u32 @!p0 $0x200, v12  }
0x11e: {  	v8 =	vbroadcast @!p0 v8, $0xF  }
0x11f: {  	v14 =	vor.u32 @!p0 $0x1, v13;
	v9 =	vbroadcast @!p0 v9, $0xF  }
0x120: {  	v13 =	vor.u32 @!p0 $0x2001, v13;
	v15 =	vimm.s32 @!p0 $0x0;
	vm0 =	vlt.s32 @!p0 v8, v14  }
0x121: {  	v10 =	vbroadcast @!p0 v10, $0xF;
	vm1 =	vlt.s32 @!p0 v9, v14;
	v16 =	vsel @!p0 vm0, $0x1, v15  }
0x122: {  	v11 =	vbroadcast @!p0 v11, $0xF;
	vm3 =	vlt.s32 @!p0 v9, v13;
	v17 =	vsel @!p0 vm1, $0x1, v15  }
0x123: {  	vm0 =	vlt.s32 @!p0 v10, v14;
	vm1 =	vlt.s32 @!p0 v8, v13;
	v9 =	vsel @!p0 vm3, $0x1, v15  }
0x124: {  	v16 =	vadd.s32 @!p0 v17, v16;
	v17 =	vsel @!p0 vm0, $0x1, v15;
	vm0 =	vlt.s32 @!p0 v11, v14;
	s21 =	spop (v2sf)  }
0x125: {  	v8 =	vsel @!p0 vm1, $0x1, v15;
	vm1 =	vlt.s32 @!p0 v10, v13;
	v16 =	vadd.s32 @!p0 v17, v16;
	s22 =	spop (v2sf)  }
0x126: {  	v8 =	vadd.s32 @!p0 v9, v8;
	v9 =	vsel @!p0 vm1, $0x1, v15;
	vm1 =	vlt.s32 @!p0 v11, v13;
	s23 =	spop (v2sf)  }
0x127: {  	v10 =	vsel @!p0 vm0, $0x1, v15;
	v8 =	vadd.s32 @!p0 v9, v8;
	v9 =	vsel @!p0 vm1, $0x1, v15;
	s24 =	spop (v2sf)  }
0x128: {  	v10 =	vadd.s32 @!p0 v10, v16;
	v8 =	vadd.s32 @!p0 v9, v8;
	s15 =	spop @!p0 (v2sf)  }
0x129: {  	vm0 =	veq.s32 @!p0 v12, $0xF;
	v9 =	vmin.u32 @!p0 v10, $0x3;
	v8 =	vmin.u32 @!p0 v8, $0x3;
	s15 =	sshra.s32 @!p0 s15, $0x9  }
0x12a: {  	[tilespmem:$0x380] =	vst @!p0 v9;
	v8 =	vsel @!p0 vm0, s15, v8  }
0x12b: {  	s17 =	simm.s32 @!p0 $0x380;
	s16 =	rddreg [dreg:$0x4];
	s15 =	simm.s32 @!p0 $0x0;
	[tilespmem:$0x390] =	vst @!p0 v8  }
0x12c: {  	[hbm4b:s16+s15] =	stream.linear.scatter @!p0 [tilespmem:s17], [sflag:$0x2], $0x80, $0x38;
	[tilespmem:$0xC420] =	vst v63  }
0x12d: {  	s15 =	simm.s32 @!p0 $0x2  }
0x12e: {  	_ =	swait.ge @!p0 [sflag:s15], $0x80  }
0x12f: {  	[sflag:s15] =	ssyncset.done @!p0 $0x0  }
0x130: {  	s25 =	rddreg [dreg:$0x7];
	[sflag:s15] =	ssyncadd.s32 @!p0 $0xFFFFFF80  }
0x131: {  	[tilespmem:s3], [sflag:$0x2] =	stream.linear.gather [hbm4b:s25+s3], $0x40, $0x38;
	[tilespmem:$0xC420] =	vst v63  }
0x132: {  	_ =	swait.ge [sflag:s8], $0x40  }
0x133: {  	[sflag:s8] =	ssyncset.done $0x0  }
0x134: {  	[sflag:s8] =	ssyncadd.s32 $0xFFFFFFC0  }
0x135: {  	v17 =	vld [tilespmem:$0x0];
	_ =	sdelay $0x4  }
0x136: {  	vm1 =	veq.s32 v17, $0x0  }
0x137: {  	v19 =	vld [tilespmem:$0x10];
	v18 =	vsel vm1, $0x1, v0  }
0x138: {  	(xrf0) =	vadd.scan.msk.s32 $0xffff, v18  }
0x139: {  	vm10 =	veq.s32 v17, $0x1  }
0x13a: {  	vm0 =	veq.s32 v17, $0x2;
	v20 =	vsel vm10, $0x1, v0  }
0x13b: {  	vm9 =	veq.s32 v17, $0x3;
	v21 =	vsel vm0, $0x1, v0;
	(xrf0) =	vadd.scan.msk.s32 $0xffff, v20  }
0x13c: {  	vm15 =	veq.s32 v19, $0x0;
	v8 =	vsel vm9, $0x1, v0;
	(xrf0) =	vadd.scan.msk.s32 $0xffff, v21  }
0x13d: {  	v23 =	vsel vm15, $0x1, v0;
	(xrf0) =	vadd.scan.msk.s32 $0xffff, v8  }
0x13e: {  	v22, _, _ =	vpop (xrf0);
	(xrf0) =	vadd.scan.msk.s32 $0xffff, v23;
	_ =	sdelay $0x1  }
0x13f: {  	vm7 =	veq.s32 v19, $0x1  }
0x140: {  	vm6 =	veq.s32 v19, $0x2;
	v25 =	vsel vm7, $0x1, v0;
	(v2sf) =	vpush v22, $0xF;
	v24, _, _ =	vpop (xrf0)  }
0x141: {  	v26 =	vld [tilespmem:$0x20];
	vm8 =	veq.s32 v19, $0x3;
	v27 =	vsel vm6, $0x1, v0;
	(xrf0) =	vadd.scan.msk.s32 $0xffff, v25;
	(v2sf) =	vpush v24, $0xF;
	v28, _, _ =	vpop (xrf0)  }
0x142: {  	v9 =	vsel vm8, $0x1, v0;
	(xrf0) =	vadd.scan.msk.s32 $0xffff, v27;
	v29, _, _ =	vpop (xrf0);
	(v2sf) =	vpush v28, $0xF  }
0x143: {  	(v2sf) =	vpush v29, $0xF;
	v30, _, _ =	vpop (xrf0);
	(xrf0) =	vadd.scan.msk.s32 $0xffff, v9  }
0x144: {  	v5 =	vbroadcast v5, $0xF;
	(v2sf) =	vpush v30, $0xF  }
0x145: {  	v6 =	vbroadcast v62, $0xF;
	v4 =	vbroadcast v4, $0xF  }
0x146: {  	v7 =	vbroadcast v63, $0xF;
	vm5 =	veq.s32 v26, $0x0;
	vm3 =	veq.s32 v26, $0x1  }
0x147: {  	vm4 =	veq.s32 v26, $0x2;
	v31 =	vsel vm5, $0x1, v0;
	v34 =	vsel vm3, $0x1, v0;
	v32, _, _ =	vpop (xrf0)  }
0x148: {  	v42 =	vld [tilespmem:$0x30];
	v5 =	vnsel vm1, $0x0, v5;
	v6 =	vnsel vm10, $0x0, v6;
	v33, _, _ =	vpop (xrf0);
	(v2sf) =	vpush v32, $0xF  }
0x149: {  	v4 =	vnsel vm0, $0x0, v4;
	v5 =	vadd.s32 v6, v5;
	(v2sf) =	vpush v33, $0xF;
	v35, _, _ =	vpop (xrf0)  }
0x14a: {  	v7 =	vnsel vm9, $0x0, v7;
	v4 =	vadd.s32 v4, v5;
	(xrf0) =	vadd.scan.msk.s32 $0xffff, v31;
	(v2sf) =	vpush v35, $0xF  }
0x14b: {  	v36 =	vsel vm4, $0x1, v0;
	v4 =	vadd.s32 v7, v4;
	v8 =	vadd.s32 $0xFFFFFFFF, v22;
	(xrf0) =	vadd.scan.msk.s32 $0xffff, v34  }
0x14c: {  	v8 =	vnsel vm1, $0x0, v8;
	v10 =	vadd.s32 $0xFFFFFFFF, v24;
	v11 =	vadd.s32 $0xFFFFFFFF, v28  }
0x14d: {  	vm1 =	veq.s32 v42, $0x0;
	v10 =	vnsel vm10, $0x0, v10;
	v11 =	vnsel vm0, $0x0, v11  }
0x14e: {  	v13 =	vadd.s32 $0xFFFFFFFF, v29;
	vm0 =	veq.s32 v26, $0x3;
	v4 =	vadd.s32 v10, v4  }
0x14f: {  	v13 =	vnsel vm9, $0x0, v13;
	v22 =	vsel vm0, $0x1, v0;
	v4 =	vadd.s32 v8, v4;
	(xrf0) =	vadd.scan.msk.s32 $0xffff, v36;
	s26 =	spop (v2sf)  }
0x150: {  	v4 =	vadd.s32 v11, v4;
	v14 =	vadd.s32 $0xFFFFFFFF, v30;
	v15 =	vadd.s32 $0xFFFFFFFF, v32;
	v37, _, _ =	vpop (xrf0);
	s28 =	spop (v2sf)  }
0x151: {  	v14 =	vnsel vm15, $0x0, v14;
	v15 =	vnsel vm7, $0x0, v15;
	v9 =	vadd.s32 $0xFFFFFFFF, v33;
	v38, _, _ =	vpop (xrf0);
	(xrf0) =	vadd.scan.msk.s32 $0xffff, v22;
	s29 =	spop (v2sf)  }
0x152: {  	v9 =	vnsel vm6, $0x0, v9;
	v53 =	vadd.s32 v15, v14;
	(v2sf) =	vpush v37, $0xF;
	s30 =	spop (v2sf)  }
0x153: {  	v25 =	vsel vm1, $0x1, v0;
	v4 =	vadd.s32 v13, v4;
	v55 =	vadd.s32 v9, v53;
	s14 =	sadd.s32 s21, s26;
	s31 =	spop (v2sf)  }
0x154: {  	v16 =	vadd.s32 $0xFFFFFFFF, v35;
	v17 =	vadd.s32 $0xFFFFFFFF, v37;
	v39 =	vmov s14;
	s14 =	sadd.s32 s14, s31  }
0x155: {  	v17 =	vnsel vm5, $0x0, v17;
	(v2sf) =	vpush v38, $0xF;
	v41, _, _ =	vpop (xrf0);
	v24 =	vmov s14  }
0x156: {  	(v2sf) =	vpush v41, $0xF;
	v24 =	vnsel vm5, $0x0, v24;
	vm5 =	veq.s32 v42, $0x1  }
0x157: {  	v16 =	vnsel vm8, $0x0, v16;
	(xrf0) =	vadd.scan.msk.s32 $0xffff, v25;
	v18 =	vadd.s32 $0xFFFFFFFF, v38;
	v27, _, _ =	vpop (xrf0);
	s16 =	spop (v2sf);
	v28 =	vsel vm5, $0x1, v0  }
0x158: {  	v8 =	vadd.s32 v16, v55;
	v18 =	vnsel vm3, $0x0, v18;
	s13 =	sadd.s32 s22, s28;
	(v2sf) =	vpush v27, $0xF;
	s17 =	spop (v2sf);
	(xrf0) =	vadd.scan.msk.s32 $0xffff, v28  }
0x159: {  	v58 =	vadd.s32 v18, v17;
	v40 =	vmov s13;
	s11 =	sadd.s32 s24, s30;
	v27 =	vadd.s32 $0xFFFFFFFF, v27;
	s13 =	sadd.s32 s13, s16;
	s18 =	spop (v2sf)  }
0x15a: {  	v44 =	vmov s11;
	v27 =	vnsel vm0, $0x0, v27;
	v26 =	vmov s13;
	s11 =	sadd.s32 s11, s18  }
0x15b: {  	v45 =	vnsel vm3, $0x0, v26;
	vm3 =	veq.s32 v42, $0x2;
	v47 =	vmov s11  }
0x15c: {  	v29 =	vsel vm3, $0x1, v0;
	v48 =	vnsel vm0, $0x0, v47;
	vm0 =	veq.s32 v42, $0x3  }
0x15d: {  	v19 =	vnsel vm15, $0x0, v39;
	s12 =	sadd.s32 s23, s29;
	v20 =	vnsel vm7, $0x0, v40;
	v49, _, _ =	vpop (xrf0);
	(xrf0) =	vadd.scan.msk.s32 $0xffff, v29;
	v51 =	vsel vm0, $0x1, v0  }
0x15e: {  	v12 =	vadd.s32 $0xFFFFFFFF, v41;
	v23 =	vmov s12;
	v8 =	vadd.s32 v20, v8;
	v30, _, _ =	vpop (xrf0);
	(xrf0) =	vadd.scan.msk.s32 $0xffff, v51  }
0x15f: {  	v12 =	vnsel vm4, $0x0, v12;
	v43 =	vnsel vm6, $0x0, v23;
	v8 =	vadd.s32 v19, v8  }
0x160: {  	v11 =	vadd.s32 v12, v58;
	v23 =	vnsel vm8, $0x0, v44;
	v8 =	vadd.s32 v43, v8;
	s12 =	sadd.s32 s12, s17  }
0x161: {  	v11 =	vadd.s32 v27, v11;
	v8 =	vadd.s32 v23, v8;
	v46 =	vmov s12;
	s19 =	spop (v2sf)  }
0x162: {  	v26 =	vnsel vm4, $0x0, v46;
	v28 =	vadd.s32 $0xFFFFFFFF, v49;
	v61 =	vadd.s32 v45, v11;
	s14 =	sadd.s32 s14, s19  }
0x163: {  	v28 =	vnsel vm1, $0x0, v28;
	v50 =	vmov s14;
	v52 =	vadd.s32 $0xFFFFFFFF, v30;
	v54, _, _ =	vpop (xrf0)  }
0x164: {  	s20 =	spop (v2sf);
	v21 =	vnsel vm1, $0x0, v50;
	v7 =	vnsel vm5, $0x0, v52;
	v57 =	vadd.s32 $0xFFFFFFFF, v54;
	v59, _, _ =	vpop (xrf0)  }
0x165: {  	s13 =	sadd.s32 s13, s20;
	s21 =	spop (v2sf);
	v10 =	vnsel vm3, $0x0, v57;
	v7 =	vadd.s32 v7, v28;
	v60 =	vadd.s32 $0xFFFFFFFF, v59  }
0x166: {  	v5 =	vmov s13;
	s12 =	sadd.s32 s12, s21;
	v7 =	vadd.s32 v10, v7;
	v12 =	vnsel vm0, $0x0, v60  }
0x167: {  	v5 =	vnsel vm5, $0x0, v5;
	v56 =	vmov s12;
	s22 =	spop (v2sf);
	v7 =	vadd.s32 v12, v7  }
0x168: {  	v9 =	vnsel vm3, $0x0, v56;
	v10 =	vadd.s32 v24, v61;
	s11 =	sadd.s32 s11, s22;
	v5 =	vadd.s32 v5, v7  }
0x169: {  	[tilespmem:$0x300] =	vst v4;
	v4 =	vadd.s32 v26, v10;
	v62 =	vmov s11;
	v5 =	vadd.s32 v21, v5  }
0x16a: {  	[tilespmem:$0x310] =	vst v8;
	v4 =	vadd.s32 v48, v4;
	v63 =	vnsel vm0, $0x0, v62;
	v5 =	vadd.s32 v9, v5  }
0x16b: {  	s23 =	rddreg [dreg:$0x8];
	[tilespmem:$0x320] =	vst v4;
	v4 =	vadd.s32 v63, v5  }
0x16c: {  	s24 =	rddreg [dreg:$0xc];
	[tilespmem:$0x330] =	vst v4  }
0x16d: {  	[hbm4b:s23+s3] =	stream.linear.scatter [tilespmem:s24], [sflag:$0x2], $0x40, $0x38;
	[tilespmem:$0xC420] =	vst v63  }
0x16e: {  	_ =	swait.ge [sflag:s8], $0x40  }
0x16f: {  	[sflag:s8] =	ssyncset.done $0x0  }
0x170: {  	s25 =	rddreg [dreg:$0x9];
	[sflag:s8] =	ssyncadd.s32 $0xFFFFFFC0  }
0x171: {  	[tilespmem:s9], [sflag:$0x2] =	stream.linear.gather [hbm4b:s25+s3], $0xC000, $0x38;
	[tilespmem:$0xC420] =	vst v63  }
0x172: {  	_ =	swait.ge [sflag:s8], $0xC000  }
0x173: {  	[sflag:s8] =	ssyncset.done $0x0  }
0x174: {  	[sflag:s8] =	ssyncadd.s32 $0xFFFF4000  }
0x175: {  	v4 =	vld [tilespmem:$0x300];
	_ =	sdelay $0x4  }
0x176: {  	v5 =	vshrl.u32 v4, $0x3  }
0x177: {  	v5 =	vmul.u32 $0x30, v5  }
0x178: {  	v4 =	vand.u32 $0x7, v4  }
0x179: {  	v4 =	vor.u32 v4, v5  }
0x17a: {  	v5 =	vperm.xlane v4, v1;
	_ =	sdelay $0x1  }
0x17b: {  	v5 =	vadd.s32 v2, v5;
	_ =	sdelay $0x3  }
0x17c: {  	vm3 =	vmmov $0xffff;
	v4 =	vperm.xlane v4, v3  }
0x17d: {  	[hbm4b:s4+s3] =	stream.indirect_vreg.scatter [tilespmem:s9], [sflag:$0x1], $0x80, v5, vm3, $0xb8;
	[tilespmem:$0xC420] =	vst v63  }
0x17e: {  	s26 =	rddreg [dreg:$0xd];
	v4 =	vadd.s32 v2, v4  }
0x17f: {  	[hbm4b:s5+s3] =	stream.indirect_vreg.scatter [tilespmem:s26], [sflag:$0x1], $0x80, v5, vm3, $0xb8;
	[tilespmem:$0xC420] =	vst v63  }
0x180: {  	s28 =	rddreg [dreg:$0xe]  }
0x181: {  	[hbm4b:s6+s3] =	stream.indirect_vreg.scatter [tilespmem:s28], [sflag:$0x1], $0x80, v5, vm3, $0xb8;
	[tilespmem:$0xC420] =	vst v63  }
0x182: {  	s29 =	rddreg [dreg:$0xf]  }
0x183: {  	[hbm4b:s4+s3] =	stream.indirect_vreg.scatter [tilespmem:s29], [sflag:$0x1], $0x80, v4, vm3, $0xb8;
	[tilespmem:$0xC420] =	vst v63  }
0x184: {  	s30 =	rddreg [dreg:$0x10]  }
0x185: {  	[hbm4b:s5+s3] =	stream.indirect_vreg.scatter [tilespmem:s30], [sflag:$0x1], $0x80, v4, vm3, $0xb8;
	[tilespmem:$0xC420] =	vst v63  }
0x186: {  	s31 =	rddreg [dreg:$0x11]  }
0x187: {  	[hbm4b:s6+s3] =	stream.indirect_vreg.scatter [tilespmem:s31], [sflag:$0x1], $0x80, v4, vm3, $0xb8;
	[tilespmem:$0xC420] =	vst v63  }
0x188: {  	v4 =	vld [tilespmem:$0x310];
	_ =	sdelay $0x4  }
0x189: {  	v5 =	vshrl.u32 v4, $0x3  }
0x18a: {  	v5 =	vmul.u32 $0x30, v5  }
0x18b: {  	v4 =	vand.u32 $0x7, v4  }
0x18c: {  	v4 =	vor.u32 v4, v5  }
0x18d: {  	v5 =	vperm.xlane v4, v1;
	_ =	sdelay $0x1  }
0x18e: {  	v5 =	vadd.s32 v2, v5;
	_ =	sdelay $0x3  }
0x18f: {  	s13 =	rddreg [dreg:$0x12];
	v4 =	vperm.xlane v4, v3  }
0x190: {  	[hbm4b:s4+s3] =	stream.indirect_vreg.scatter [tilespmem:s13], [sflag:$0x1], $0x80, v5, vm3, $0xb8;
	[tilespmem:$0xC420] =	vst v63  }
0x191: {  	s14 =	rddreg [dreg:$0x13];
	v4 =	vadd.s32 v2, v4  }
0x192: {  	[hbm4b:s5+s3] =	stream.indirect_vreg.scatter [tilespmem:s14], [sflag:$0x1], $0x80, v5, vm3, $0xb8;
	[tilespmem:$0xC420] =	vst v63  }
0x193: {  	s15 =	rddreg [dreg:$0x14]  }
0x194: {  	[hbm4b:s6+s3] =	stream.indirect_vreg.scatter [tilespmem:s15], [sflag:$0x1], $0x80, v5, vm3, $0xb8;
	[tilespmem:$0xC420] =	vst v63  }
0x195: {  	s16 =	rddreg [dreg:$0x15]  }
0x196: {  	[hbm4b:s4+s3] =	stream.indirect_vreg.scatter [tilespmem:s16], [sflag:$0x1], $0x80, v4, vm3, $0xb8;
	[tilespmem:$0xC420] =	vst v63  }
0x197: {  	s17 =	rddreg [dreg:$0x16]  }
0x198: {  	[hbm4b:s5+s3] =	stream.indirect_vreg.scatter [tilespmem:s17], [sflag:$0x1], $0x80, v4, vm3, $0xb8;
	[tilespmem:$0xC420] =	vst v63  }
0x199: {  	s18 =	rddreg [dreg:$0x17]  }
0x19a: {  	[hbm4b:s6+s3] =	stream.indirect_vreg.scatter [tilespmem:s18], [sflag:$0x1], $0x80, v4, vm3, $0xb8;
	[tilespmem:$0xC420] =	vst v63  }
0x19b: {  	v4 =	vld [tilespmem:$0x320];
	_ =	sdelay $0x4  }
0x19c: {  	v5 =	vshrl.u32 v4, $0x3  }
0x19d: {  	v5 =	vmul.u32 $0x30, v5  }
0x19e: {  	v4 =	vand.u32 $0x7, v4  }
0x19f: {  	v4 =	vor.u32 v4, v5  }
0x1a0: {  	v5 =	vperm.xlane v4, v1;
	_ =	sdelay $0x1  }
0x1a1: {  	v5 =	vadd.s32 v2, v5;
	_ =	sdelay $0x3  }
0x1a2: {  	s19 =	rddreg [dreg:$0x18];
	v4 =	vperm.xlane v4, v3  }
0x1a3: {  	[hbm4b:s4+s3] =	stream.indirect_vreg.scatter [tilespmem:s19], [sflag:$0x1], $0x80, v5, vm3, $0xb8;
	[tilespmem:$0xC420] =	vst v63  }
0x1a4: {  	s20 =	rddreg [dreg:$0x19];
	v4 =	vadd.s32 v2, v4  }
0x1a5: {  	[hbm4b:s5+s3] =	stream.indirect_vreg.scatter [tilespmem:s20], [sflag:$0x1], $0x80, v5, vm3, $0xb8;
	[tilespmem:$0xC420] =	vst v63  }
0x1a6: {  	s21 =	rddreg [dreg:$0x1a]  }
0x1a7: {  	[hbm4b:s6+s3] =	stream.indirect_vreg.scatter [tilespmem:s21], [sflag:$0x1], $0x80, v5, vm3, $0xb8;
	[tilespmem:$0xC420] =	vst v63  }
0x1a8: {  	s22 =	rddreg [dreg:$0x1b]  }
0x1a9: {  	[hbm4b:s4+s3] =	stream.indirect_vreg.scatter [tilespmem:s22], [sflag:$0x1], $0x80, v4, vm3, $0xb8;
	[tilespmem:$0xC420] =	vst v63  }
0x1aa: {  	s23 =	rddreg [dreg:$0x1c]  }
0x1ab: {  	[hbm4b:s5+s3] =	stream.indirect_vreg.scatter [tilespmem:s23], [sflag:$0x1], $0x80, v4, vm3, $0xb8;
	[tilespmem:$0xC420] =	vst v63  }
0x1ac: {  	s24 =	rddreg [dreg:$0x1d]  }
0x1ad: {  	[hbm4b:s6+s3] =	stream.indirect_vreg.scatter [tilespmem:s24], [sflag:$0x1], $0x80, v4, vm3, $0xb8;
	[tilespmem:$0xC420] =	vst v63  }
0x1ae: {  	v4 =	vld [tilespmem:$0x330];
	_ =	sdelay $0x4  }
0x1af: {  	v5 =	vshrl.u32 v4, $0x3  }
0x1b0: {  	v5 =	vmul.u32 $0x30, v5  }
0x1b1: {  	v4 =	vand.u32 $0x7, v4  }
0x1b2: {  	v4 =	vor.u32 v4, v5  }
0x1b3: {  	v5 =	vperm.xlane v4, v1;
	_ =	sdelay $0x1  }
0x1b4: {  	v5 =	vadd.s32 v2, v5;
	_ =	sdelay $0x2  }
0x1b5: {  	s25 =	rddreg [dreg:$0x1e]  }
0x1b6: {  	s26 =	rddreg [dreg:$0x1f];
	v4 =	vperm.xlane v4, v3  }
0x1b7: {  	[hbm4b:s4+s3] =	stream.indirect_vreg.scatter [tilespmem:s25], [sflag:$0x1], $0x80, v5, vm3, $0xb8;
	[tilespmem:$0xC420] =	vst v63  }
0x1b8: {  	s28 =	sld [smem:$0x7FA];
	v4 =	vadd.s32 v2, v4  }
0x1b9: {  	[hbm4b:s5+s3] =	stream.indirect_vreg.scatter [tilespmem:s26], [sflag:$0x1], $0x80, v5, vm3, $0xb8;
	[tilespmem:$0xC420] =	vst v63  }
0x1ba: {  	s29 =	sld [smem:$0x7FB]  }
0x1bb: {  	[hbm4b:s6+s3] =	stream.indirect_vreg.scatter [tilespmem:s28], [sflag:$0x1], $0x80, v5, vm3, $0xb8;
	[tilespmem:$0xC420] =	vst v63  }
0x1bc: {  	s7 =	sadd.s32 $0xFFFFFFFF, s7;
	s30 =	sld [smem:$0x7FC]  }
0x1bd: {  	[hbm4b:s4+s3] =	stream.indirect_vreg.scatter [tilespmem:s29], [sflag:$0x1], $0x80, v4, vm3, $0xb8;
	[tilespmem:$0xC420] =	vst v63  }
0x1be: {  	p1 =	sne.s32 s7, $0x0;
	s31 =	sld [smem:$0x7FD]  }
0x1bf: {  	[hbm4b:s5+s3] =	stream.indirect_vreg.scatter [tilespmem:s30], [sflag:$0x1], $0x80, v4, vm3, $0xb8;
	[tilespmem:$0xC420] =	vst v63  }
.Ltmp0:
0x1c0: {  	_ = 	snop;
	(pc) =	sbr.rel @p1 .LBB2_1-.Ltmp0, $4  }
0x1c1: {  	[hbm4b:s6+s3] =	stream.indirect_vreg.scatter [tilespmem:s31], [sflag:$0x1], $0x80, v4, vm3, $0xb8;
	[tilespmem:$0xC420] =	vst v63  }
0x1c2: {  	_ =	swait.ge [sflag:s10], $0xC000  }
0x1c3: {  	[sflag:s10] =	ssyncset.done $0x0  }
0x1c4: {  	[sflag:s10] =	ssyncadd.s32 $0xFFFF4000  }
0x1c5: {  	_ =	sfence.sel $0x180000  }
0x1c6: {  	[bflag:$0x0] =	sbarrier.arrive $0xFFFF  }
0x1c7: {  	p0 =	sne.s32 s2, $0x0;
	_ =	strace $0x90000047  }
0x1c8: {  	s0 =	sadd.s32 @!p0 $0x100000, s0;
	[bflag:$0x2] =	sbarrier.arrive $0xFFFF  }
0x1c9: {  	[sflag:s0] =	ssyncadd.tile.s32 @!p0 $0x1;
	_ =	shalt  }
.Lfunc_end2:
_tile_overlayer_lowered:
.L_overlay_start_2:
0x1ca: {  	(tag) =	ssettag $0x2  }
0x1cb: {  	s0 =	rddreg [dreg:$0x0];
	s2 =	stileid.u32  }
0x1cc: {  	s1 =	rddreg [dreg:$0x1];
	p0 =	sne.s32 s2, $0x0  }
0x1cd: {  	s3 =	rddreg [dreg:$0x2];
	[bflag:$0x3] =	sbarrier.arrive $0xFFFF;
	s2 =	simm.s32 @!p0 $0x1C02  }
0x1ce: {  	[timem:s3], [sflag:s2] =	dma.local @!p0 [hbm:s0], s1  }
0x1cf: {  	s0 =	simm.s32 @!p0 $0x2  }
0x1d0: {  	_ =	swait.ge @!p0 [sflag:s0], s1  }
0x1d1: {  	s1 =	ssub.s32 @!p0 $0x0, s1;
	[sflag:s0] =	ssyncset.done @!p0 $0x0  }
0x1d2: {  	[sflag:s0] =	ssyncadd.s32 @!p0 s1  }
0x1d3: {  	[bflag:$0x3] =	sbarrier.arrive $0xFFFF  }
0x1d4: {  	_ =	shalt  }

// kernel: kernel.8.cloned.1.call-start
scs
__scs_entry_jumppad:
0x0: {  	(pc) =	sbr.rel $0x88, $3  }
0x1: {  	(tag) =	ssettag $0x0;
	lr =	simm.s32 $0x1  }
0x2: {  	[smem:$0x3F95] =	sst lr;
	_ =	strace $0xD0000000  }
0x3: {  	_ = 	snop  }
0x4: {  	_ = 	snop  }
0x5: {  	_ = 	snop  }
0x6: {  	_ = 	snop  }
0x7: {  	_ = 	snop  }
__scs_overlays_trampoline_lowered:
0x8: {  	[smem:$0x3FA4] =	sst s0  }
0x9: {  	[smem:$0x3FA5] =	sst s1  }
0xa: {  	[smem:$0x3FA6] =	sst s2  }
0xb: {  	[smem:$0x3FA7] =	sst s3  }
0xc: {  	[smem:$0x3FA8] =	sst s4  }
0xd: {  	[smem:$0x3FA9] =	sst s5  }
0xe: {  	[smem:$0x3FAA] =	sst s6  }
0xf: {  	[smem:$0x3FAB] =	sst s7  }
0x10: {  	[smem:$0x3FAC] =	sst s8  }
0x11: {  	[smem:$0x3FAD] =	sst s9;
	s0 =	simm.s32 @!p0 $0x0  }
0x12: {  	s1 =	sld [smem:$0x3F93];
	s0 =	simm.s32 @p0 $0x1  }
0x13: {  	[smem:$0x3FAE] =	sst s0;
	s0 =	simm.s32 @!p1 $0x0  }
0x14: {  	s2 =	sld [smem:$0x3F92];
	s0 =	simm.s32 @p1 $0x1  }
0x15: {  	[smem:$0x3FAF] =	sst s0;
	s0 =	simm.s32 @!p2 $0x0  }
0x16: {  	s3 =	sld [smem:$0x3FDB];
	s0 =	simm.s32 @p2 $0x1  }
0x17: {  	s4 =	simm.s32 $0x1BF5;
	[smem:$0x3FB1] =	sst s0  }
0x18: {  	s0 =	sld [smem:$0x3F94];
	_ =	swait.ge [sflag:s4], $0x0  }
0x19: {  	s7 =	sld [smem:$0x3F95]  }
0x1a: {  	s8 =	sadd.s32 $0xFFFFE003, lr  }
0x1b: {  	s9 =	sadd.s32 $0xFFFFFEF7, lr;
	s5 =	simm.s32 $0xFFFFFFFF;
	p2 =	slt.u32 s8, $0xFFFFF086  }
0x1c: {  	p1 =	slt.u32 s9, $0xF7A;
	s5 =	simm.s32 @!p2 $0x0  }
0x1d: {  	s5 =	simm.s32 @p1 $0x1;
	p0 =	seq.s32 s7, s2  }
0x1e: {  	s7 =	smul.u32 @!p0 $0xF7A, s2;
	p2 =	seq.s32 @!p0 s5, $0x0  }
0x1f: {  	s9 =	smul.u32 $0xF7A, s1;
	s8 =	simm.s32 @!p0 $0x1BF5;
	p2 =	por !p2, p0  }
0x20: {  	[sflag:s8] =	ssyncset.s32 @!p0 $0xFFFFF086;
	s6 =	sadd.s32 @!p0 s3, s7;
	s7 =	simm.s32 @!p0 $0x108  }
0x21: {  	s3 =	sadd.s32 s3, s9;
	s6 =	sadd.s32 @!p0 $0x88, s6;
	s7 =	simm.s32 @p2 $0x1082  }
0x22: {  	[simem:s7], [sflag:s8] =	dma.local @!p0 [hbm:s6], $0xF7A  }
0x23: {  	s9 =	sor.u32 $0xD0000000, s2;
	s6 =	simm.s32 $0x108;
	_ =	swait.ge @!p0 [sflag:s8], $0x0  }
0x24: {  	s3 =	sadd.s32 $0x88, s3;
	s6 =	simm.s32 @!p1 $0x1082;
	[sflag:s4] =	ssyncset.s32 $0xFFFFF086  }
0x25: {  	[simem:s6], [sflag:s4] =	dma.local [hbm:s3], $0xF7A  }
0x26: {  	[smem:$0x3F95] =	sst s1;
	(tag) =	ssettag s2;
	_ =	strace s9  }
0x27: {  	s1 =	sld [smem:$0x3FA5]  }
0x28: {  	s2 =	sld [smem:$0x3FA6]  }
0x29: {  	s4 =	sld [smem:$0x3FA8]  }
0x2a: {  	p0 =	seq.s32 s5, $0x0;
	s5 =	sld [smem:$0x3FA9]  }
0x2b: {  	s6 =	sld [smem:$0x3FAA]  }
0x2c: {  	s7 =	sld [smem:$0x3FAB]  }
0x2d: {  	s3 =	simm.s32 $0x108;
	s8 =	sld [smem:$0x3FAC]  }
0x2e: {  	s3 =	simm.s32 @!p0 $0x1082;
	s9 =	sld [smem:$0x3FAD]  }
0x2f: {  	lr =	sadd.s32 s0, s3;
	s0 =	sld [smem:$0x3FA4]  }
0x30: {  	s3 =	sld [smem:$0x3FA7]  }
0x31: {  	[smem:$0x3FB0] =	sst s10  }
0x32: {  	s10 =	sld [smem:$0x3FAE];
	_ =	sdelay $0x3  }
0x33: {  	p0 =	seq.s32 s10, $0x1;
	s10 =	sld [smem:$0x3FB0];
	_ =	sdelay $0x3  }
0x34: {  	[smem:$0x3FB0] =	sst s10  }
0x35: {  	s10 =	sld [smem:$0x3FAF];
	_ =	sdelay $0x3  }
0x36: {  	p1 =	seq.s32 s10, $0x1;
	s10 =	sld [smem:$0x3FB0];
	_ =	sdelay $0x3  }
0x37: {  	[smem:$0x3FB0] =	sst s10  }
0x38: {  	s10 =	sld [smem:$0x3FB1]  }
0x39: {  	_ = 	snop;
	(pc) =	sbr.ind lr, $3  }
0x3a: {  	_ = 	snop  }
0x3b: {  	_ = 	snop  }
0x3c: {  	p2 =	seq.s32 s10, $0x1;
	s10 =	sld [smem:$0x3FB0]  }
0x3d: {  	_ =	shalt  }
0x3e: {  	_ =	shalt  }
0x3f: {  	_ =	shalt  }
0x40: {  	_ =	shalt  }
0x41: {  	_ =	shalt  }
0x42: {  	_ =	shalt  }
0x43: {  	_ =	shalt  }
0x44: {  	_ =	shalt  }
0x45: {  	_ =	shalt  }
0x46: {  	_ =	shalt  }
0x47: {  	_ =	shalt  }
0x48: {  	_ =	shalt  }
0x49: {  	_ =	shalt  }
0x4a: {  	_ =	shalt  }
0x4b: {  	_ =	shalt  }
0x4c: {  	_ =	shalt  }
0x4d: {  	_ =	shalt  }
0x4e: {  	_ =	shalt  }
0x4f: {  	_ =	shalt  }
0x50: {  	_ =	shalt  }
0x51: {  	_ =	shalt  }
0x52: {  	_ =	shalt  }
0x53: {  	_ =	shalt  }
0x54: {  	_ =	shalt  }
0x55: {  	_ =	shalt  }
0x56: {  	_ =	shalt  }
0x57: {  	_ =	shalt  }
0x58: {  	_ =	shalt  }
0x59: {  	_ =	shalt  }
0x5a: {  	_ =	shalt  }
0x5b: {  	_ =	shalt  }
0x5c: {  	_ =	shalt  }
0x5d: {  	_ =	shalt  }
0x5e: {  	_ =	shalt  }
0x5f: {  	_ =	shalt  }
0x60: {  	_ =	shalt  }
0x61: {  	_ =	shalt  }
0x62: {  	_ =	shalt  }
0x63: {  	_ =	shalt  }
0x64: {  	_ =	shalt  }
0x65: {  	_ =	shalt  }
0x66: {  	_ =	shalt  }
0x67: {  	_ =	shalt  }
0x68: {  	_ =	shalt  }
0x69: {  	_ =	shalt  }
0x6a: {  	_ =	shalt  }
0x6b: {  	_ =	shalt  }
0x6c: {  	_ =	shalt  }
0x6d: {  	_ =	shalt  }
0x6e: {  	_ =	shalt  }
0x6f: {  	_ =	shalt  }
0x70: {  	_ =	shalt  }
0x71: {  	_ =	shalt  }
0x72: {  	_ =	shalt  }
0x73: {  	_ =	shalt  }
0x74: {  	_ =	shalt  }
0x75: {  	_ =	shalt  }
0x76: {  	_ =	shalt  }
0x77: {  	_ =	shalt  }
0x78: {  	_ =	shalt  }
0x79: {  	_ =	shalt  }
0x7a: {  	_ =	shalt  }
0x7b: {  	_ =	shalt  }
0x7c: {  	_ =	shalt  }
0x7d: {  	_ =	shalt  }
0x7e: {  	_ =	shalt  }
0x7f: {  	_ =	shalt  }
0x80: {  	_ =	shalt  }
0x81: {  	_ =	shalt  }
0x82: {  	_ =	shalt  }
0x83: {  	_ =	shalt  }
0x84: {  	_ =	shalt  }
0x85: {  	_ =	shalt  }
0x86: {  	_ =	shalt  }
0x87: {  	_ =	shalt  }
.Lfunc_end0:
.L_simem_size_0:
called_computation.1_lowered:
.L_overlay_start_0:
0x88: {  	s2 =	sld [smem:$0x3FD9]  }
0x89: {  	s3 =	sld [smem:$0x3FFE];
	_ =	sdelay $0x1  }
0x8a: {  	s1 =	srdreg.scid  }
0x8b: {  	s0 =	sand.u32 $0x1, s1  }
0x8c: {  	s17 =	sshll.u32 s0, $0xA;
	s2 =	sadd.s32 s3, s2  }
0x8d: {  	s2 =	sadd.s32 s2, s17  }
0x8e: {  	[smem:$0x3FBC] =	sst s2  }
0x8f: {  	_ = 	snop  }
0x90: {  	s2 =	sld [smem:$0x3FD0];
	(tm) =	ssettm $0x1  }
0x91: {  	s18 =	sld [smem:$0x3FFB];
	_ =	sdelay $0x3  }
0x92: {  	_ =	strace s18  }
0x93: {  	s3 =	sld [smem:$0x3FFC];
	_ =	sdelay $0x3  }
0x94: {  	_ =	strace s3  }
0x95: {  	s3 =	sld [smem:$0x3FFD];
	_ =	sdelay $0x3  }
0x96: {  	_ =	strace s3  }
0x97: {  	_ =	strace $0x8FFFFFFF  }
0x98: {  	s19 =	sld [smem:$0x3FDB];
	_ =	sdelay $0x1  }
0x99: {  	s4 =	simm.s32 $_scs_section_size  }
0x9a: {  	s5 =	simm.s32 $_size__tile_overlayer_lowered;
	s6 =	simm.s32 $_tile_overlayer_lowered  }
0x9b: {  	s22 =	simm.s32 $0x1BFF;
	s21 =	sshll.u32 s6, $0x1;
	s3 =	sadd.s32 s4, s19  }
0x9c: {  	s7 =	simm.s32 $0x0;
	s20 =	sshll.u32 s5, $0x1;
	s5 =	sadd.s32 s21, s3  }
0x9d: {  	[timem:s7], [sflag:s22] =	dma.local [hbm:s5], s20  }
0x9e: {  	_ =	swait.ge [sflag:s22], s20  }
0x9f: {  	s4 =	ssub.s32 $0x0, s20;
	[sflag:s22] =	ssyncset.done $0x0  }
0xa0: {  	[sflag:s22] =	ssyncadd.s32 s4;
	_ =	sdelay $0x1  }
0xa1: {  	s23 =	simm.s32 $0x1B8B  }
0xa2: {  	_ =	swait.ge [sflag:s23], $0x1  }
0xa3: {  	[sflag:s23] =	ssyncset.done $0x0  }
0xa4: {  	s25 =	simm.s32 $0x1B8E;
	s24 =	sld [smem:$0x3FFE];
	[sflag:s23] =	ssyncadd.s32 $0xFFFFFFFF  }
0xa5: {  	s26 =	simm.s32 $execute0_lowered;
	[smem:$0x3FD2] =	sst s25  }
0xa6: {  	s5 =	sshll.u32 s26, $0x1;
	_ =	strace $0x80000049;
	[dreg:$0x1] =	wrdreg $0xFFFFFFFF  }
0xa7: {  	s28 =	simm.s32 $_size_execute0_lowered;
	s3 =	sadd.s32 s3, s5;
	[dreg:$0x0] =	wrdreg $0x0  }
0xa8: {  	s5 =	sshll.u32 s28, $0x1;
	[dreg:$0x2] =	wrdreg s3  }
0xa9: {  	[dreg:$0x3] =	wrdreg s5  }
0xaa: {  	[dreg:$0x4] =	wrdreg $0xC0  }
0xab: {  	_ =	task [dreg:s7], $0x5FFFF  }
0xac: {  	[dreg:$0x1] =	wrdreg $0xFFFFFFFF  }
0xad: {  	[dreg:$0x0] =	wrdreg $0x60  }
0xae: {  	[dreg:$0x2] =	wrdreg s24  }
0xaf: {  	[dreg:$0x3] =	wrdreg s2  }
0xb0: {  	[dreg:$0x4] =	wrdreg $0x9  }
0xb1: {  	_ =	task.clear_ibuf [dreg:s7], $0x5FFFF;
	_ =	strace $0x90000049  }
0xb2: {  	s29 =	simm.s32 $0x9;
	_ =	strace $0x8000004B  }
0xb3: {  	_ =	swait.ge [sflag:s29], $0x1  }
0xb4: {  	[sflag:s29] =	ssyncadd.s32 $0xFFFFFFFF  }
0xb5: {  	_ =	strace $0x9000004B  }
0xb6: {  	_ =	sfence  }
0xb7: {  	s30 =	sld [smem:$0x0];
	_ =	sdelay $0x2  }
0xb8: {  	s31 =	sshll.u32 s1, $0xD;
	s1 =	sshrl.u32 s1, $0x2  }
0xb9: {  	s3 =	sand.u32 $0x4000, s31;
	s1 =	sadd.s32 s1, s30  }
0xba: {  	s0 =	sor.u32 s3, s0;
	s1 =	sshll.u32 s1, $0x11  }
0xbb: {  	s0 =	sor.u32 s1, s0  }
0xbc: {  	s0 =	sadd.s32 $0x8F2B, s0  }
0xbd: {  	[sflag:s0] =	ssyncadd.remote.s32 $0x1  }
0xbe: {  	_ =	sfence.sel $0xFFFF  }
0xbf: {  	[dreg:$0x0] =	wrdreg $0xFFFFFFFF;
	(pc) =	sbr.abs _section_cstart, $3  }
0xc0: {  	[dreg:$0x1] =	wrdreg $0xFFFFFFFF  }
0xc1: {  	_ =	task.clear_ibuf [dreg:s7], $0x2FFFF;
	_ =	strace $0x9FFFFFFF  }
0xc2: {  	(tm) =	ssettm $0x7FFFFFFF  }
0xc3: {  	_ =	shalt  }
tec
execute0_lowered:
.L_overlay_start_1:
0x0: {  	(tag) =	ssettag $0x1  }
0x1: {  	s0 =	rddreg [dreg:$0x0]  }
0x2: {  	s5 =	rddreg [dreg:$0x1];
	s3 =	srdreg.scid  }
0x3: {  	s2 =	simm.s32 $0x0;
	s1 =	stileid.u32;
	s26 =	simm.s32 $0x880  }
0x4: {  	s10 =	simm.s32 $0x1880;
	s11 =	simm.s32 $0x2080;
	s12 =	simm.s32 $0x2880  }
0x5: {  	s13 =	simm.s32 $0x3080;
	s14 =	simm.s32 $0x3880;
	s15 =	simm.s32 $0x4080  }
0x6: {  	s16 =	simm.s32 $0x4880;
	s17 =	simm.s32 $0x5080;
	s18 =	simm.s32 $0x5880  }
0x7: {  	s19 =	simm.s32 $0x6080;
	s20 =	simm.s32 $0x6880;
	s21 =	simm.s32 $0x7080  }
0x8: {  	s22 =	simm.s32 $0x7880;
	s28 =	simm.s32 $0xA080;
	s29 =	simm.s32 $0xA880  }
0x9: {  	s30 =	simm.s32 $0xB080;
	s31 =	simm.s32 $0xB880;
	s3 =	sand.u32 $0x1, s3  }
0xa: {  	[smem:$0x7FF] =	sst s2;
	s6 =	sshll.u32 s1, $0x3;
	s4 =	sshll.u32 s3, $0x7  }
0xb: {  	_ =	strace $0x8000004A;
	s23 =	ssub.s32 $0x2, s3;
	s3 =	sadd.s32 $0x87A00, s0  }
0xc: {  	[dreg:$0x5] =	wrdreg s26;
	s26 =	simm.s32 $0x9880;
	s4 =	sor.u32 s6, s4  }
0xd: {  	s8 =	sshrl.u32 s23, $0x1;
	s7 =	sadd.s32 s4, s0;
	s9 =	smul.u32 $0x300, s4  }
0xe: {  	s6 =	ssub.s32 s23, s8;
	s4 =	sadd.s32 $0x87B00, s0;
	s8 =	simm.s32 $0x80  }
0xf: {  	s23 =	simm.s32 $0x8080;
	s24 =	sadd.s32 $0x62400, s7;
	s6 =	smax.u32 s6, $0x1  }
0x10: {  	v2 =	vlaneseq.u32;
	s7 =	simm.s32 $0x2;
	[dreg:$0x3] =	wrdreg s24;
	s25 =	sadd.s32 s5, s9  }
0x11: {  	vm0 =	vmmov $0xffff;
	v1 =	vshrl.u32 v2, $0x3;
	s5 =	sadd.s32 $0x87C00, s0;
	s9 =	simm.s32 $0x1080;
	s24 =	simm.s32 $0x8880  }
0x12: {  	v0 =	vand.u32 $0x7, v2;
	v2 =	vor.u32 $0x8, v2;
	v1 =	vmul.u32 $0x8, v1;
	s0 =	simm.s32 $0x1;
	[dreg:$0x4] =	wrdreg s25;
	s25 =	simm.s32 $0x9080  }
.LBB2_1:
0x13: {  	s1 =	rddreg [dreg:$0x3]  }
0x14: {  	[tilespmem:s2], [sflag:$0x2] =	stream.linear.gather [hbm4b:s1+s2], $0x40, $0x38;
	[tilespmem:$0xC080] =	vst v63  }
0x15: {  	_ =	swait.ge [sflag:s7], $0x40  }
0x16: {  	[sflag:s7] =	ssyncset.done $0x0  }
0x17: {  	[sflag:s7] =	ssyncadd.s32 $0xFFFFFFC0  }
0x18: {  	v3 =	vld [tilespmem:$0x0];
	_ =	sdelay $0x4  }
0x19: {  	v4 =	vshrl.u32 v3, $0x3  }
0x1a: {  	v4 =	vmul.u32 $0x30, v4  }
0x1b: {  	v3 =	vand.u32 $0x7, v3  }
0x1c: {  	v3 =	vor.u32 v3, v4  }
0x1d: {  	v4 =	vperm.xlane v3, v0;
	_ =	sdelay $0x1  }
0x1e: {  	v4 =	vadd.s32 v1, v4;
	_ =	sdelay $0x3  }
0x1f: {  	v3 =	vperm.xlane v3, v2  }
0x20: {  	[tilespmem:s8], [sflag:$0x1] =	stream.indirect_vreg.gather [hbm4b:s3+s2], $0x80, v4, vm0, $0xb8;
	[tilespmem:$0xC080] =	vst v63  }
0x21: {  	s1 =	rddreg [dreg:$0x5];
	v3 =	vadd.s32 v1, v3  }
0x22: {  	[tilespmem:s1], [sflag:$0x1] =	stream.indirect_vreg.gather [hbm4b:s4+s2], $0x80, v4, vm0, $0xb8;
	[tilespmem:$0xC080] =	vst v63  }
0x23: {  	_ = 	snop  }
0x24: {  	[tilespmem:s9], [sflag:$0x1] =	stream.indirect_vreg.gather [hbm4b:s5+s2], $0x80, v4, vm0, $0xb8;
	[tilespmem:$0xC080] =	vst v63  }
0x25: {  	_ = 	snop  }
0x26: {  	[tilespmem:s10], [sflag:$0x1] =	stream.indirect_vreg.gather [hbm4b:s3+s2], $0x80, v3, vm0, $0xb8;
	[tilespmem:$0xC080] =	vst v63  }
0x27: {  	_ = 	snop  }
0x28: {  	[tilespmem:s11], [sflag:$0x1] =	stream.indirect_vreg.gather [hbm4b:s4+s2], $0x80, v3, vm0, $0xb8;
	[tilespmem:$0xC080] =	vst v63  }
0x29: {  	_ = 	snop  }
0x2a: {  	[tilespmem:s12], [sflag:$0x1] =	stream.indirect_vreg.gather [hbm4b:s5+s2], $0x80, v3, vm0, $0xb8;
	[tilespmem:$0xC080] =	vst v63  }
0x2b: {  	v3 =	vld [tilespmem:$0x10];
	_ =	sdelay $0x4  }
0x2c: {  	v61 =	vshrl.u32 v3, $0x3  }
0x2d: {  	v4 =	vmul.u32 $0x30, v61  }
0x2e: {  	v3 =	vand.u32 $0x7, v3  }
0x2f: {  	v3 =	vor.u32 v3, v4  }
0x30: {  	v4 =	vperm.xlane v3, v0;
	_ =	sdelay $0x1  }
0x31: {  	v4 =	vadd.s32 v1, v4;
	_ =	sdelay $0x3  }
0x32: {  	v3 =	vperm.xlane v3, v2  }
0x33: {  	[tilespmem:s13], [sflag:$0x1] =	stream.indirect_vreg.gather [hbm4b:s3+s2], $0x80, v4, vm0, $0xb8;
	[tilespmem:$0xC080] =	vst v63  }
0x34: {  	v3 =	vadd.s32 v1, v3  }
0x35: {  	[tilespmem:s14], [sflag:$0x1] =	stream.indirect_vreg.gather [hbm4b:s4+s2], $0x80, v4, vm0, $0xb8;
	[tilespmem:$0xC080] =	vst v63  }
0x36: {  	_ = 	snop  }
0x37: {  	[tilespmem:s15], [sflag:$0x1] =	stream.indirect_vreg.gather [hbm4b:s5+s2], $0x80, v4, vm0, $0xb8;
	[tilespmem:$0xC080] =	vst v63  }
0x38: {  	_ = 	snop  }
0x39: {  	[tilespmem:s16], [sflag:$0x1] =	stream.indirect_vreg.gather [hbm4b:s3+s2], $0x80, v3, vm0, $0xb8;
	[tilespmem:$0xC080] =	vst v63  }
0x3a: {  	_ = 	snop  }
0x3b: {  	[tilespmem:s17], [sflag:$0x1] =	stream.indirect_vreg.gather [hbm4b:s4+s2], $0x80, v3, vm0, $0xb8;
	[tilespmem:$0xC080] =	vst v63  }
0x3c: {  	_ = 	snop  }
0x3d: {  	[tilespmem:s18], [sflag:$0x1] =	stream.indirect_vreg.gather [hbm4b:s5+s2], $0x80, v3, vm0, $0xb8;
	[tilespmem:$0xC080] =	vst v63  }
0x3e: {  	v3 =	vld [tilespmem:$0x20];
	_ =	sdelay $0x4  }
0x3f: {  	v62 =	vshrl.u32 v3, $0x3  }
0x40: {  	v4 =	vmul.u32 $0x30, v62  }
0x41: {  	v3 =	vand.u32 $0x7, v3  }
0x42: {  	v3 =	vor.u32 v3, v4  }
0x43: {  	v4 =	vperm.xlane v3, v0;
	_ =	sdelay $0x1  }
0x44: {  	v4 =	vadd.s32 v1, v4;
	_ =	sdelay $0x3  }
0x45: {  	v3 =	vperm.xlane v3, v2  }
0x46: {  	[tilespmem:s19], [sflag:$0x1] =	stream.indirect_vreg.gather [hbm4b:s3+s2], $0x80, v4, vm0, $0xb8;
	[tilespmem:$0xC080] =	vst v63  }
0x47: {  	v3 =	vadd.s32 v1, v3  }
0x48: {  	[tilespmem:s20], [sflag:$0x1] =	stream.indirect_vreg.gather [hbm4b:s4+s2], $0x80, v4, vm0, $0xb8;
	[tilespmem:$0xC080] =	vst v63  }
0x49: {  	_ = 	snop  }
0x4a: {  	[tilespmem:s21], [sflag:$0x1] =	stream.indirect_vreg.gather [hbm4b:s5+s2], $0x80, v4, vm0, $0xb8;
	[tilespmem:$0xC080] =	vst v63  }
0x4b: {  	_ = 	snop  }
0x4c: {  	[tilespmem:s22], [sflag:$0x1] =	stream.indirect_vreg.gather [hbm4b:s3+s2], $0x80, v3, vm0, $0xb8;
	[tilespmem:$0xC080] =	vst v63  }
0x4d: {  	_ = 	snop  }
0x4e: {  	[tilespmem:s23], [sflag:$0x1] =	stream.indirect_vreg.gather [hbm4b:s4+s2], $0x80, v3, vm0, $0xb8;
	[tilespmem:$0xC080] =	vst v63  }
0x4f: {  	_ = 	snop  }
0x50: {  	[tilespmem:s24], [sflag:$0x1] =	stream.indirect_vreg.gather [hbm4b:s5+s2], $0x80, v3, vm0, $0xb8;
	[tilespmem:$0xC080] =	vst v63  }
0x51: {  	v3 =	vld [tilespmem:$0x30];
	_ =	sdelay $0x4  }
0x52: {  	v63 =	vshrl.u32 v3, $0x3  }
0x53: {  	v4 =	vmul.u32 $0x30, v63  }
0x54: {  	v3 =	vand.u32 $0x7, v3  }
0x55: {  	v3 =	vor.u32 v3, v4  }
0x56: {  	v4 =	vperm.xlane v3, v0;
	_ =	sdelay $0x1  }
0x57: {  	v4 =	vadd.s32 v1, v4;
	_ =	sdelay $0x3  }
0x58: {  	v3 =	vperm.xlane v3, v2  }
0x59: {  	[tilespmem:s25], [sflag:$0x1] =	stream.indirect_vreg.gather [hbm4b:s3+s2], $0x80, v4, vm0, $0xb8;
	[tilespmem:$0xC080] =	vst v63  }
0x5a: {  	v3 =	vadd.s32 v1, v3  }
0x5b: {  	[tilespmem:s26], [sflag:$0x1] =	stream.indirect_vreg.gather [hbm4b:s4+s2], $0x80, v4, vm0, $0xb8;
	[tilespmem:$0xC080] =	vst v63  }
0x5c: {  	_ = 	snop  }
0x5d: {  	[tilespmem:s28], [sflag:$0x1] =	stream.indirect_vreg.gather [hbm4b:s5+s2], $0x80, v4, vm0, $0xb8;
	[tilespmem:$0xC080] =	vst v63  }
0x5e: {  	_ = 	snop  }
0x5f: {  	[tilespmem:s29], [sflag:$0x1] =	stream.indirect_vreg.gather [hbm4b:s3+s2], $0x80, v3, vm0, $0xb8;
	[tilespmem:$0xC080] =	vst v63  }
0x60: {  	_ = 	snop  }
0x61: {  	[tilespmem:s30], [sflag:$0x1] =	stream.indirect_vreg.gather [hbm4b:s4+s2], $0x80, v3, vm0, $0xb8;
	[tilespmem:$0xC080] =	vst v63  }
0x62: {  	_ = 	snop  }
0x63: {  	[tilespmem:s31], [sflag:$0x1] =	stream.indirect_vreg.gather [hbm4b:s5+s2], $0x80, v3, vm0, $0xb8;
	[tilespmem:$0xC080] =	vst v63  }
0x64: {  	_ =	swait.ge [sflag:s0], $0xC000  }
0x65: {  	p0 =	sne.s32 s6, $0x1;
	[sflag:s0] =	ssyncset.done $0x0  }
.Ltmp0:
0x66: {  	s1 =	rddreg [dreg:$0x4];
	[sflag:s0] =	ssyncadd.s32 $0xFFFF4000;
	(pc) =	sbr.rel @p0 .LBB2_1-.Ltmp0, $4  }
0x67: {  	[hbm4b:s1+s2] =	stream.linear.scatter [tilespmem:s8], [sflag:$0x2], $0xC000, $0x38;
	[tilespmem:$0xC080] =	vst v63  }
0x68: {  	_ =	swait.ge [sflag:s7], $0xC000  }
0x69: {  	[sflag:s7] =	ssyncset.done $0x0  }
0x6a: {  	s6 =	sadd.s32 $0xFFFFFFFF, s6;
	[sflag:s7] =	ssyncadd.s32 $0xFFFF4000  }
0x6b: {  	_ =	sfence.sel $0x180000  }
0x6c: {  	[bflag:$0x0] =	sbarrier.arrive $0xFFFF  }
0x6d: {  	_ =	strace $0x9000004A  }
0x6e: {  	s0 =	stileid.u32;
	[bflag:$0x2] =	sbarrier.arrive $0xFFFF  }
0x6f: {  	p0 =	sne.s32 s0, $0x0;
	s0 =	rddreg [dreg:$0x2]  }
0x70: {  	s0 =	sadd.s32 @!p0 $0x100000, s0  }
0x71: {  	[sflag:s0] =	ssyncadd.tile.s32 @!p0 $0x1;
	_ =	shalt  }
.Lfunc_end2:
_tile_overlayer_lowered:
.L_overlay_start_2:
0x72: {  	(tag) =	ssettag $0x2  }
0x73: {  	s0 =	rddreg [dreg:$0x0];
	s2 =	stileid.u32  }
0x74: {  	s1 =	rddreg [dreg:$0x1];
	p0 =	sne.s32 s2, $0x0  }
0x75: {  	s3 =	rddreg [dreg:$0x2];
	[bflag:$0x3] =	sbarrier.arrive $0xFFFF;
	s2 =	simm.s32 @!p0 $0x1C02  }
0x76: {  	[timem:s3], [sflag:s2] =	dma.local @!p0 [hbm:s0], s1  }
0x77: {  	s0 =	simm.s32 @!p0 $0x2  }
0x78: {  	_ =	swait.ge @!p0 [sflag:s0], s1  }
0x79: {  	s1 =	ssub.s32 @!p0 $0x0, s1;
	[sflag:s0] =	ssyncset.done @!p0 $0x0  }
0x7a: {  	[sflag:s0] =	ssyncadd.s32 @!p0 s1  }
0x7b: {  	[bflag:$0x3] =	sbarrier.arrive $0xFFFF  }
0x7c: {  	_ =	shalt  }

</sc_bundles>
